<compile_context>
chip_gen: v7x
topology: tpu7x:2x2x1
jax: 0.10.2.dev20260603
libtpu: 0.0.44.dev20260713+nightly
codegen_flags: <defaults>
</compile_context>

<pallas_src>
import functools

import jax
import jax.numpy as jnp
from jax import lax
from jax.experimental import pallas as pl
from jax.experimental.pallas import tpu as pltpu
from jax.experimental.pallas import tpu_sc as plsc

_NC = 2
_NS = 16
_NW = _NC * _NS
_L = 16

_CHUNK = 64
_NSLOT = 10


def _make_sc_gather(B, D, n_rows, n_cols):
    W = B // _NW
    n_chunks = W // _CHUNK
    assert W % _CHUNK == 0
    assert (n_chunks - _NSLOT) % _NSLOT == 0 and n_chunks >= 2 * _NSLOT

    mesh = plsc.VectorSubcoreMesh(core_axis_name="c", subcore_axis_name="s")

    @functools.partial(
        pl.kernel,
        out_type=jax.ShapeDtypeStruct((B, D), jnp.float32),
        mesh=mesh,
        scratch_types=[
            pltpu.VMEM((W,), jnp.int32),
        ] + [pltpu.VMEM((_CHUNK,), jnp.int32) for _ in range(_NSLOT)]
          + [pltpu.VMEM((_CHUNK, D), jnp.float32) for _ in range(_NSLOT)]
          + [pltpu.SemaphoreType.DMA for _ in range(2 * _NSLOT)],
    )
    def k(table_hbm, pk_hbm, out_hbm, pk_v, *slots):
        wid = lax.axis_index("s") * _NC + lax.axis_index("c")
        base = wid * W
        fi = slots[:_NSLOT]
        rows = slots[_NSLOT:2 * _NSLOT]
        gsem = slots[2 * _NSLOT:3 * _NSLOT]
        wsem = slots[3 * _NSLOT:]

        pltpu.sync_copy(pk_hbm.at[pl.ds(base, W)], pk_v)

        def fuse_chunk(i, b):
            for t in range(_CHUNK // _L):
                p = pk_v[pl.ds(i * _CHUNK + t * _L, _L)]
                fi[b][pl.ds(t * _L, _L)] = (p >> 8) * n_cols + (p & 0xFF)

        def g_fire(i, b):
            fuse_chunk(i, b)
            pltpu.async_copy(table_hbm.at[fi[b]], rows[b], gsem[b])

        def g_wait(b):
            pltpu.make_async_copy(table_hbm.at[fi[b]], rows[b], gsem[b]).wait()

        def w_fire(i, b):
            pltpu.async_copy(rows[b], out_hbm.at[pl.ds(base + i * _CHUNK, _CHUNK)], wsem[b])

        def w_wait(b):
            pltpu.make_async_copy(
                rows[b], out_hbm.at[pl.ds(base, _CHUNK)], wsem[b]
            ).wait()

        for j in range(_NSLOT - 1):
            g_fire(j, j)
        g_wait(0)
        w_fire(0, 0)
        g_fire(_NSLOT - 1, _NSLOT - 1)

        n_steady = n_chunks - _NSLOT

        def steady(kk, carry):
            i0 = 1 + _NSLOT * kk
            for d in range(_NSLOT):
                i = i0 + d
                b = (1 + d) % _NSLOT
                pb = d % _NSLOT
                g_wait(b)
                w_fire(i, b)
                w_wait(pb)
                g_fire(i + _NSLOT - 1, pb)
            return carry

        lax.fori_loop(0, n_steady // _NSLOT, steady, 0)

        for j in range(_NSLOT - 1, 0, -1):
            i = n_chunks - j
            b = i % _NSLOT
            g_wait(b)
            w_fire(i, b)
            w_wait((i - 1) % _NSLOT)
        w_wait((n_chunks - 1) % _NSLOT)

    return k


def kernel(row_indices, col_indices, row_pe, col_pe):
    R, Dr = row_pe.shape
    C, Dc = col_pe.shape
    D = Dr + Dc
    shp = row_indices.shape
    B = row_indices.size

    fused_table = jnp.concatenate(
        [
            jnp.broadcast_to(row_pe[:, None, :], (R, C, Dr)),
            jnp.broadcast_to(col_pe[None, :, :], (R, C, Dc)),
        ],
        axis=-1,
    ).reshape(R * C, D)

    assert C <= 256
    ri = jnp.clip(row_indices.reshape(B), 0, R - 1)
    ci = jnp.clip(col_indices.reshape(B), 0, C - 1)
    packed = (ri << 8) | ci

    out = _make_sc_gather(B, D, R, C)(fused_table, packed)
    return out.reshape(shp + (D,))

# --- scband reference (transcript-rebuilt; emitter-appended) ---
"""Pipeline reference for scband-sinusoidal-positional-encoding2-d-79199196938333 (READ-ONLY COPY).

The authoritative reference and input builder live on the scoring server;
editing this copy changes nothing except your own understanding.
"""

import jax, jax.numpy as jnp
import numpy as np


def _sinusoidal(max_len, d):
    pe = np.zeros((max_len, d), dtype=np.float32)
    position = np.arange(max_len, dtype=np.float32)[:, None]
    div_term = np.exp(np.arange(0, d, 2).astype(np.float32) * (-np.log(10000.0) / d))
    pe[:, 0::2] = np.sin(position * div_term)
    if d > 1:
        pe[:, 1::2] = np.cos(position * div_term[: d // 2])
    return jnp.asarray(pe)


D_MODEL = 128
MAX_ROWS = 100
MAX_COLS = 200


def setup_inputs(seed: int = 0) -> dict:
    key = jax.random.key(seed)
    k1, k2 = jax.random.split(key)
    row_indices = jax.random.randint(k1, (4096, 200), 0, MAX_ROWS, dtype=jnp.int32)
    col_indices = jax.random.randint(k2, (4096, 200), 0, MAX_COLS, dtype=jnp.int32)
    row_pe = _sinusoidal(MAX_ROWS, D_MODEL // 2)
    col_pe = _sinusoidal(MAX_COLS, D_MODEL - D_MODEL // 2)
    return {"row_indices": row_indices, "col_indices": col_indices, "row_pe": row_pe, "col_pe": col_pe}


def reference(row_indices, col_indices, row_pe, col_pe):
    ri = jnp.clip(row_indices, 0, row_pe.shape[0] - 1)
    ci = jnp.clip(col_indices, 0, col_pe.shape[0] - 1)
    row_emb = jnp.take(row_pe, ri, axis=0)
    col_emb = jnp.take(col_pe, ci, axis=0)
    return jnp.concatenate([row_emb, col_emb], axis=-1)

if __name__ == "__main__":
    import jax
    _d = setup_inputs()
    print(jax.jit(kernel)(*tuple(_d.values())))

</pallas_src>

<mosaic_0001>
#map = affine_map<(d0, d1) -> (0, 0)>
#map1 = affine_map<(d0, d1) -> (0)>
module attributes {stable_mosaic.version = 14 : i64} {
  func.func @k(%arg0: i32, %arg1: i32, %arg2: memref<20000x128xf32, #tpu.memory_space<hbm>>, %arg3: memref<819200xi32, #tpu.memory_space<hbm>>, %arg4: memref<819200x128xf32, #tpu.memory_space<hbm>>, %arg5: memref<25600xi32, #tpu.memory_space<vmem>>, %arg6: memref<64xi32, #tpu.memory_space<vmem>>, %arg7: memref<64xi32, #tpu.memory_space<vmem>>, %arg8: memref<64xi32, #tpu.memory_space<vmem>>, %arg9: memref<64xi32, #tpu.memory_space<vmem>>, %arg10: memref<64xi32, #tpu.memory_space<vmem>>, %arg11: memref<64xi32, #tpu.memory_space<vmem>>, %arg12: memref<64xi32, #tpu.memory_space<vmem>>, %arg13: memref<64xi32, #tpu.memory_space<vmem>>, %arg14: memref<64xi32, #tpu.memory_space<vmem>>, %arg15: memref<64xi32, #tpu.memory_space<vmem>>, %arg16: memref<64x128xf32, #tpu.memory_space<vmem>>, %arg17: memref<64x128xf32, #tpu.memory_space<vmem>>, %arg18: memref<64x128xf32, #tpu.memory_space<vmem>>, %arg19: memref<64x128xf32, #tpu.memory_space<vmem>>, %arg20: memref<64x128xf32, #tpu.memory_space<vmem>>, %arg21: memref<64x128xf32, #tpu.memory_space<vmem>>, %arg22: memref<64x128xf32, #tpu.memory_space<vmem>>, %arg23: memref<64x128xf32, #tpu.memory_space<vmem>>, %arg24: memref<64x128xf32, #tpu.memory_space<vmem>>, %arg25: memref<64x128xf32, #tpu.memory_space<vmem>>, %arg26: memref<!tpu.dma_semaphore, #tpu.memory_space<semaphore_mem>>, %arg27: memref<!tpu.dma_semaphore, #tpu.memory_space<semaphore_mem>>, %arg28: memref<!tpu.dma_semaphore, #tpu.memory_space<semaphore_mem>>, %arg29: memref<!tpu.dma_semaphore, #tpu.memory_space<semaphore_mem>>, %arg30: memref<!tpu.dma_semaphore, #tpu.memory_space<semaphore_mem>>, %arg31: memref<!tpu.dma_semaphore, #tpu.memory_space<semaphore_mem>>, %arg32: memref<!tpu.dma_semaphore, #tpu.memory_space<semaphore_mem>>, %arg33: memref<!tpu.dma_semaphore, #tpu.memory_space<semaphore_mem>>, %arg34: memref<!tpu.dma_semaphore, #tpu.memory_space<semaphore_mem>>, %arg35: memref<!tpu.dma_semaphore, #tpu.memory_space<semaphore_mem>>, %arg36: memref<!tpu.dma_semaphore, #tpu.memory_space<semaphore_mem>>, %arg37: memref<!tpu.dma_semaphore, #tpu.memory_space<semaphore_mem>>, %arg38: memref<!tpu.dma_semaphore, #tpu.memory_space<semaphore_mem>>, %arg39: memref<!tpu.dma_semaphore, #tpu.memory_space<semaphore_mem>>, %arg40: memref<!tpu.dma_semaphore, #tpu.memory_space<semaphore_mem>>, %arg41: memref<!tpu.dma_semaphore, #tpu.memory_space<semaphore_mem>>, %arg42: memref<!tpu.dma_semaphore, #tpu.memory_space<semaphore_mem>>, %arg43: memref<!tpu.dma_semaphore, #tpu.memory_space<semaphore_mem>>, %arg44: memref<!tpu.dma_semaphore, #tpu.memory_space<semaphore_mem>>, %arg45: memref<!tpu.dma_semaphore, #tpu.memory_space<semaphore_mem>>) attributes {dimension_semantics = [#tpu.dimension_semantics<core_parallel>, #tpu.dimension_semantics<subcore_parallel>], iteration_bounds = array<i64: 2, 16>, scalar_prefetch = 0 : i64, scratch_operands = 41 : i64, tpu.core_type = #tpu.core_type<sc_vector_subcore>, window_params = [{transform_indices = #map}, {transform_indices = #map1}, {transform_indices = #map}]} {
    %mul3A = arith.constant 2 : i32
    %mul3A_0 = arith.muli %arg1, %mul3A : i32
    %add3A = arith.addi %mul3A_0, %arg0 : i32
    %mul3A_1 = arith.constant 25600 : i32
    %mul3A_2 = arith.muli %add3A, %mul3A_1 : i32
    "tpu.region"() ({
      %run_scoped3A = tpu.sem_alloc : memref<!tpu.dma_semaphore, #tpu.memory_space<semaphore_mem>>
      %dma_start3A_842 = tpu.memref_slice %arg3[%mul3A_2] : memref<819200xi32, #tpu.memory_space<hbm>> -> memref<25600xi32, #tpu.memory_space<hbm>>
      %dma_start3A_843 = tpu.memref_slice %arg3[%mul3A_2] : memref<819200xi32, #tpu.memory_space<hbm>> -> memref<25600xi32, #tpu.memory_space<hbm>>
      tpu.enqueue_dma source(%dma_start3A_843 : memref<25600xi32, #tpu.memory_space<hbm>>) target(%arg5 : memref<25600xi32, #tpu.memory_space<vmem>>) target_semaphore(%run_scoped3A : memref<!tpu.dma_semaphore, #tpu.memory_space<semaphore_mem>>)
      %dma_wait3A_844 = tpu.memref_slice %arg3[%mul3A_2] : memref<819200xi32, #tpu.memory_space<hbm>> -> memref<25600xi32, #tpu.memory_space<hbm>>
      %dma_wait3A_845 = tpu.memref_slice %arg3[%mul3A_2] : memref<819200xi32, #tpu.memory_space<hbm>> -> memref<25600xi32, #tpu.memory_space<hbm>>
      tpu.wait_dma2 semaphore(%run_scoped3A : memref<!tpu.dma_semaphore, #tpu.memory_space<semaphore_mem>>) src(%dma_wait3A_845 : memref<25600xi32, #tpu.memory_space<hbm>>) dst(%arg5 : memref<25600xi32, #tpu.memory_space<vmem>>)
      tpu.yield
    }) : () -> ()
    %get3A = arith.constant 0 : index
    %get3A_3 = tpu.vector_load %arg5[%get3A] {strides = array<i32>} : memref<25600xi32, #tpu.memory_space<vmem>>, vector<16xi32>,
    %get3A_4 = vector.shape_cast %get3A_3 : vector<16xi32> to vector<16xi32>
    %shift_right_arithmetic3A = arith.constant 8 : i32
    %shift_right_arithmetic3A_5 = vector.broadcast %shift_right_arithmetic3A : i32 to vector<16xi32>
    %shift_right_arithmetic3A_6 = arith.shrsi %get3A_4, %shift_right_arithmetic3A_5 : vector<16xi32>
    %mul3A_7 = arith.constant 200 : i32
    %mul3A_8 = vector.broadcast %mul3A_7 : i32 to vector<16xi32>
    %mul3A_9 = arith.muli %shift_right_arithmetic3A_6, %mul3A_8 : vector<16xi32>
    %and3A = arith.constant 255 : i32
    %and3A_10 = vector.broadcast %and3A : i32 to vector<16xi32>
    %and3A_11 = arith.andi %get3A_4, %and3A_10 : vector<16xi32>
    %add3A_12 = arith.addi %mul3A_9, %and3A_11 : vector<16xi32>
    %swap3A = arith.constant 0 : index
    %swap3A_13 = tpu.vector_load %arg6[%swap3A] {strides = array<i32>} : memref<64xi32, #tpu.memory_space<vmem>>, vector<16xi32>,
    %swap3A_14 = vector.shape_cast %swap3A_13 : vector<16xi32> to vector<16xi32>
    %swap3A_15 = vector.shape_cast %add3A_12 : vector<16xi32> to vector<16xi32>
    tpu.vector_store %arg6[%swap3A], %swap3A_15 {strides = array<i32>} : memref<64xi32, #tpu.memory_space<vmem>>, vector<16xi32>,
    %get3A_16 = arith.constant 16 : index
    %get3A_17 = tpu.vector_load %arg5[%get3A_16] {strides = array<i32>} : memref<25600xi32, #tpu.memory_space<vmem>>, vector<16xi32>,
    %get3A_18 = vector.shape_cast %get3A_17 : vector<16xi32> to vector<16xi32>
    %shift_right_arithmetic3A_19 = arith.constant 8 : i32
    %shift_right_arithmetic3A_20 = vector.broadcast %shift_right_arithmetic3A_19 : i32 to vector<16xi32>
    %shift_right_arithmetic3A_21 = arith.shrsi %get3A_18, %shift_right_arithmetic3A_20 : vector<16xi32>
    %mul3A_22 = arith.constant 200 : i32
    %mul3A_23 = vector.broadcast %mul3A_22 : i32 to vector<16xi32>
    %mul3A_24 = arith.muli %shift_right_arithmetic3A_21, %mul3A_23 : vector<16xi32>
    %and3A_25 = arith.constant 255 : i32
    %and3A_26 = vector.broadcast %and3A_25 : i32 to vector<16xi32>
    %and3A_27 = arith.andi %get3A_18, %and3A_26 : vector<16xi32>
    %add3A_28 = arith.addi %mul3A_24, %and3A_27 : vector<16xi32>
    %swap3A_29 = arith.constant 16 : index
    %swap3A_30 = tpu.vector_load %arg6[%swap3A_29] {strides = array<i32>} : memref<64xi32, #tpu.memory_space<vmem>>, vector<16xi32>,
    %swap3A_31 = vector.shape_cast %swap3A_30 : vector<16xi32> to vector<16xi32>
    %swap3A_32 = vector.shape_cast %add3A_28 : vector<16xi32> to vector<16xi32>
    tpu.vector_store %arg6[%swap3A_29], %swap3A_32 {strides = array<i32>} : memref<64xi32, #tpu.memory_space<vmem>>, vector<16xi32>,
    %get3A_33 = arith.constant 32 : index
    %get3A_34 = tpu.vector_load %arg5[%get3A_33] {strides = array<i32>} : memref<25600xi32, #tpu.memory_space<vmem>>, vector<16xi32>,
    %get3A_35 = vector.shape_cast %get3A_34 : vector<16xi32> to vector<16xi32>
    %shift_right_arithmetic3A_36 = arith.constant 8 : i32
    %shift_right_arithmetic3A_37 = vector.broadcast %shift_right_arithmetic3A_36 : i32 to vector<16xi32>
    %shift_right_arithmetic3A_38 = arith.shrsi %get3A_35, %shift_right_arithmetic3A_37 : vector<16xi32>
    %mul3A_39 = arith.constant 200 : i32
    %mul3A_40 = vector.broadcast %mul3A_39 : i32 to vector<16xi32>
    %mul3A_41 = arith.muli %shift_right_arithmetic3A_38, %mul3A_40 : vector<16xi32>
    %and3A_42 = arith.constant 255 : i32
    %and3A_43 = vector.broadcast %and3A_42 : i32 to vector<16xi32>
    %and3A_44 = arith.andi %get3A_35, %and3A_43 : vector<16xi32>
    %add3A_45 = arith.addi %mul3A_41, %and3A_44 : vector<16xi32>
    %swap3A_46 = arith.constant 32 : index
    %swap3A_47 = tpu.vector_load %arg6[%swap3A_46] {strides = array<i32>} : memref<64xi32, #tpu.memory_space<vmem>>, vector<16xi32>,
    %swap3A_48 = vector.shape_cast %swap3A_47 : vector<16xi32> to vector<16xi32>
    %swap3A_49 = vector.shape_cast %add3A_45 : vector<16xi32> to vector<16xi32>
    tpu.vector_store %arg6[%swap3A_46], %swap3A_49 {strides = array<i32>} : memref<64xi32, #tpu.memory_space<vmem>>, vector<16xi32>,
    %get3A_50 = arith.constant 48 : index
    %get3A_51 = tpu.vector_load %arg5[%get3A_50] {strides = array<i32>} : memref<25600xi32, #tpu.memory_space<vmem>>, vector<16xi32>,
    %get3A_52 = vector.shape_cast %get3A_51 : vector<16xi32> to vector<16xi32>
    %shift_right_arithmetic3A_53 = arith.constant 8 : i32
    %shift_right_arithmetic3A_54 = vector.broadcast %shift_right_arithmetic3A_53 : i32 to vector<16xi32>
    %shift_right_arithmetic3A_55 = arith.shrsi %get3A_52, %shift_right_arithmetic3A_54 : vector<16xi32>
    %mul3A_56 = arith.constant 200 : i32
    %mul3A_57 = vector.broadcast %mul3A_56 : i32 to vector<16xi32>
    %mul3A_58 = arith.muli %shift_right_arithmetic3A_55, %mul3A_57 : vector<16xi32>
    %and3A_59 = arith.constant 255 : i32
    %and3A_60 = vector.broadcast %and3A_59 : i32 to vector<16xi32>
    %and3A_61 = arith.andi %get3A_52, %and3A_60 : vector<16xi32>
    %add3A_62 = arith.addi %mul3A_58, %and3A_61 : vector<16xi32>
    %swap3A_63 = arith.constant 48 : index
    %swap3A_64 = tpu.vector_load %arg6[%swap3A_63] {strides = array<i32>} : memref<64xi32, #tpu.memory_space<vmem>>, vector<16xi32>,
    %swap3A_65 = vector.shape_cast %swap3A_64 : vector<16xi32> to vector<16xi32>
    %swap3A_66 = vector.shape_cast %add3A_62 : vector<16xi32> to vector<16xi32>
    tpu.vector_store %arg6[%swap3A_63], %swap3A_66 {strides = array<i32>} : memref<64xi32, #tpu.memory_space<vmem>>, vector<16xi32>,
    %dma_start3A = arith.constant 0 : i32
    %dma_start3A_67 = arith.constant 0 : i32
    %dma_start3A_68 = tpu.memref_slice %arg2[%dma_start3A, %dma_start3A_67] : memref<20000x128xf32, #tpu.memory_space<hbm>> -> memref<20000x128xf32, #tpu.memory_space<hbm>>
    tpu.enqueue_indirect_dma source(%dma_start3A_68 : memref<20000x128xf32, #tpu.memory_space<hbm>>) target(%arg16 : memref<64x128xf32, #tpu.memory_space<vmem>>) offsets(%arg6 : memref<64xi32, #tpu.memory_space<vmem>>) semaphore(%arg26 : memref<!tpu.dma_semaphore, #tpu.memory_space<semaphore_mem>>)
    %get3A_69 = arith.constant 64 : index
    %get3A_70 = tpu.vector_load %arg5[%get3A_69] {strides = array<i32>} : memref<25600xi32, #tpu.memory_space<vmem>>, vector<16xi32>,
    %get3A_71 = vector.shape_cast %get3A_70 : vector<16xi32> to vector<16xi32>
    %shift_right_arithmetic3A_72 = arith.constant 8 : i32
    %shift_right_arithmetic3A_73 = vector.broadcast %shift_right_arithmetic3A_72 : i32 to vector<16xi32>
    %shift_right_arithmetic3A_74 = arith.shrsi %get3A_71, %shift_right_arithmetic3A_73 : vector<16xi32>
    %mul3A_75 = arith.constant 200 : i32
    %mul3A_76 = vector.broadcast %mul3A_75 : i32 to vector<16xi32>
    %mul3A_77 = arith.muli %shift_right_arithmetic3A_74, %mul3A_76 : vector<16xi32>
    %and3A_78 = arith.constant 255 : i32
    %and3A_79 = vector.broadcast %and3A_78 : i32 to vector<16xi32>
    %and3A_80 = arith.andi %get3A_71, %and3A_79 : vector<16xi32>
    %add3A_81 = arith.addi %mul3A_77, %and3A_80 : vector<16xi32>
    %swap3A_82 = arith.constant 0 : index
    %swap3A_83 = tpu.vector_load %arg7[%swap3A_82] {strides = array<i32>} : memref<64xi32, #tpu.memory_space<vmem>>, vector<16xi32>,
    %swap3A_84 = vector.shape_cast %swap3A_83 : vector<16xi32> to vector<16xi32>
    %swap3A_85 = vector.shape_cast %add3A_81 : vector<16xi32> to vector<16xi32>
    tpu.vector_store %arg7[%swap3A_82], %swap3A_85 {strides = array<i32>} : memref<64xi32, #tpu.memory_space<vmem>>, vector<16xi32>,
    %get3A_86 = arith.constant 80 : index
    %get3A_87 = tpu.vector_load %arg5[%get3A_86] {strides = array<i32>} : memref<25600xi32, #tpu.memory_space<vmem>>, vector<16xi32>,
    %get3A_88 = vector.shape_cast %get3A_87 : vector<16xi32> to vector<16xi32>
    %shift_right_arithmetic3A_89 = arith.constant 8 : i32
    %shift_right_arithmetic3A_90 = vector.broadcast %shift_right_arithmetic3A_89 : i32 to vector<16xi32>
    %shift_right_arithmetic3A_91 = arith.shrsi %get3A_88, %shift_right_arithmetic3A_90 : vector<16xi32>
    %mul3A_92 = arith.constant 200 : i32
    %mul3A_93 = vector.broadcast %mul3A_92 : i32 to vector<16xi32>
    %mul3A_94 = arith.muli %shift_right_arithmetic3A_91, %mul3A_93 : vector<16xi32>
    %and3A_95 = arith.constant 255 : i32
    %and3A_96 = vector.broadcast %and3A_95 : i32 to vector<16xi32>
    %and3A_97 = arith.andi %get3A_88, %and3A_96 : vector<16xi32>
    %add3A_98 = arith.addi %mul3A_94, %and3A_97 : vector<16xi32>
    %swap3A_99 = arith.constant 16 : index
    %swap3A_100 = tpu.vector_load %arg7[%swap3A_99] {strides = array<i32>} : memref<64xi32, #tpu.memory_space<vmem>>, vector<16xi32>,
    %swap3A_101 = vector.shape_cast %swap3A_100 : vector<16xi32> to vector<16xi32>
    %swap3A_102 = vector.shape_cast %add3A_98 : vector<16xi32> to vector<16xi32>
    tpu.vector_store %arg7[%swap3A_99], %swap3A_102 {strides = array<i32>} : memref<64xi32, #tpu.memory_space<vmem>>, vector<16xi32>,
    %get3A_103 = arith.constant 96 : index
    %get3A_104 = tpu.vector_load %arg5[%get3A_103] {strides = array<i32>} : memref<25600xi32, #tpu.memory_space<vmem>>, vector<16xi32>,
    %get3A_105 = vector.shape_cast %get3A_104 : vector<16xi32> to vector<16xi32>
    %shift_right_arithmetic3A_106 = arith.constant 8 : i32
    %shift_right_arithmetic3A_107 = vector.broadcast %shift_right_arithmetic3A_106 : i32 to vector<16xi32>
    %shift_right_arithmetic3A_108 = arith.shrsi %get3A_105, %shift_right_arithmetic3A_107 : vector<16xi32>
    %mul3A_109 = arith.constant 200 : i32
    %mul3A_110 = vector.broadcast %mul3A_109 : i32 to vector<16xi32>
    %mul3A_111 = arith.muli %shift_right_arithmetic3A_108, %mul3A_110 : vector<16xi32>
    %and3A_112 = arith.constant 255 : i32
    %and3A_113 = vector.broadcast %and3A_112 : i32 to vector<16xi32>
    %and3A_114 = arith.andi %get3A_105, %and3A_113 : vector<16xi32>
    %add3A_115 = arith.addi %mul3A_111, %and3A_114 : vector<16xi32>
    %swap3A_116 = arith.constant 32 : index
    %swap3A_117 = tpu.vector_load %arg7[%swap3A_116] {strides = array<i32>} : memref<64xi32, #tpu.memory_space<vmem>>, vector<16xi32>,
    %swap3A_118 = vector.shape_cast %swap3A_117 : vector<16xi32> to vector<16xi32>
    %swap3A_119 = vector.shape_cast %add3A_115 : vector<16xi32> to vector<16xi32>
    tpu.vector_store %arg7[%swap3A_116], %swap3A_119 {strides = array<i32>} : memref<64xi32, #tpu.memory_space<vmem>>, vector<16xi32>,
    %get3A_120 = arith.constant 112 : index
    %get3A_121 = tpu.vector_load %arg5[%get3A_120] {strides = array<i32>} : memref<25600xi32, #tpu.memory_space<vmem>>, vector<16xi32>,
    %get3A_122 = vector.shape_cast %get3A_121 : vector<16xi32> to vector<16xi32>
    %shift_right_arithmetic3A_123 = arith.constant 8 : i32
    %shift_right_arithmetic3A_124 = vector.broadcast %shift_right_arithmetic3A_123 : i32 to vector<16xi32>
    %shift_right_arithmetic3A_125 = arith.shrsi %get3A_122, %shift_right_arithmetic3A_124 : vector<16xi32>
    %mul3A_126 = arith.constant 200 : i32
    %mul3A_127 = vector.broadcast %mul3A_126 : i32 to vector<16xi32>
    %mul3A_128 = arith.muli %shift_right_arithmetic3A_125, %mul3A_127 : vector<16xi32>
    %and3A_129 = arith.constant 255 : i32
    %and3A_130 = vector.broadcast %and3A_129 : i32 to vector<16xi32>
    %and3A_131 = arith.andi %get3A_122, %and3A_130 : vector<16xi32>
    %add3A_132 = arith.addi %mul3A_128, %and3A_131 : vector<16xi32>
    %swap3A_133 = arith.constant 48 : index
    %swap3A_134 = tpu.vector_load %arg7[%swap3A_133] {strides = array<i32>} : memref<64xi32, #tpu.memory_space<vmem>>, vector<16xi32>,
    %swap3A_135 = vector.shape_cast %swap3A_134 : vector<16xi32> to vector<16xi32>
    %swap3A_136 = vector.shape_cast %add3A_132 : vector<16xi32> to vector<16xi32>
    tpu.vector_store %arg7[%swap3A_133], %swap3A_136 {strides = array<i32>} : memref<64xi32, #tpu.memory_space<vmem>>, vector<16xi32>,
    %dma_start3A_137 = arith.constant 0 : i32
    %dma_start3A_138 = arith.constant 0 : i32
    %dma_start3A_139 = tpu.memref_slice %arg2[%dma_start3A_137, %dma_start3A_138] : memref<20000x128xf32, #tpu.memory_space<hbm>> -> memref<20000x128xf32, #tpu.memory_space<hbm>>
    tpu.enqueue_indirect_dma source(%dma_start3A_139 : memref<20000x128xf32, #tpu.memory_space<hbm>>) target(%arg17 : memref<64x128xf32, #tpu.memory_space<vmem>>) offsets(%arg7 : memref<64xi32, #tpu.memory_space<vmem>>) semaphore(%arg27 : memref<!tpu.dma_semaphore, #tpu.memory_space<semaphore_mem>>)
    %get3A_140 = arith.constant 128 : index
    %get3A_141 = tpu.vector_load %arg5[%get3A_140] {strides = array<i32>} : memref<25600xi32, #tpu.memory_space<vmem>>, vector<16xi32>,
    %get3A_142 = vector.shape_cast %get3A_141 : vector<16xi32> to vector<16xi32>
    %shift_right_arithmetic3A_143 = arith.constant 8 : i32
    %shift_right_arithmetic3A_144 = vector.broadcast %shift_right_arithmetic3A_143 : i32 to vector<16xi32>
    %shift_right_arithmetic3A_145 = arith.shrsi %get3A_142, %shift_right_arithmetic3A_144 : vector<16xi32>
    %mul3A_146 = arith.constant 200 : i32
    %mul3A_147 = vector.broadcast %mul3A_146 : i32 to vector<16xi32>
    %mul3A_148 = arith.muli %shift_right_arithmetic3A_145, %mul3A_147 : vector<16xi32>
    %and3A_149 = arith.constant 255 : i32
    %and3A_150 = vector.broadcast %and3A_149 : i32 to vector<16xi32>
    %and3A_151 = arith.andi %get3A_142, %and3A_150 : vector<16xi32>
    %add3A_152 = arith.addi %mul3A_148, %and3A_151 : vector<16xi32>
    %swap3A_153 = arith.constant 0 : index
    %swap3A_154 = tpu.vector_load %arg8[%swap3A_153] {strides = array<i32>} : memref<64xi32, #tpu.memory_space<vmem>>, vector<16xi32>,
    %swap3A_155 = vector.shape_cast %swap3A_154 : vector<16xi32> to vector<16xi32>
    %swap3A_156 = vector.shape_cast %add3A_152 : vector<16xi32> to vector<16xi32>
    tpu.vector_store %arg8[%swap3A_153], %swap3A_156 {strides = array<i32>} : memref<64xi32, #tpu.memory_space<vmem>>, vector<16xi32>,
    %get3A_157 = arith.constant 144 : index
    %get3A_158 = tpu.vector_load %arg5[%get3A_157] {strides = array<i32>} : memref<25600xi32, #tpu.memory_space<vmem>>, vector<16xi32>,
    %get3A_159 = vector.shape_cast %get3A_158 : vector<16xi32> to vector<16xi32>
    %shift_right_arithmetic3A_160 = arith.constant 8 : i32
    %shift_right_arithmetic3A_161 = vector.broadcast %shift_right_arithmetic3A_160 : i32 to vector<16xi32>
    %shift_right_arithmetic3A_162 = arith.shrsi %get3A_159, %shift_right_arithmetic3A_161 : vector<16xi32>
    %mul3A_163 = arith.constant 200 : i32
    %mul3A_164 = vector.broadcast %mul3A_163 : i32 to vector<16xi32>
    %mul3A_165 = arith.muli %shift_right_arithmetic3A_162, %mul3A_164 : vector<16xi32>
    %and3A_166 = arith.constant 255 : i32
    %and3A_167 = vector.broadcast %and3A_166 : i32 to vector<16xi32>
    %and3A_168 = arith.andi %get3A_159, %and3A_167 : vector<16xi32>
    %add3A_169 = arith.addi %mul3A_165, %and3A_168 : vector<16xi32>
    %swap3A_170 = arith.constant 16 : index
    %swap3A_171 = tpu.vector_load %arg8[%swap3A_170] {strides = array<i32>} : memref<64xi32, #tpu.memory_space<vmem>>, vector<16xi32>,
    %swap3A_172 = vector.shape_cast %swap3A_171 : vector<16xi32> to vector<16xi32>
    %swap3A_173 = vector.shape_cast %add3A_169 : vector<16xi32> to vector<16xi32>
    tpu.vector_store %arg8[%swap3A_170], %swap3A_173 {strides = array<i32>} : memref<64xi32, #tpu.memory_space<vmem>>, vector<16xi32>,
    %get3A_174 = arith.constant 160 : index
    %get3A_175 = tpu.vector_load %arg5[%get3A_174] {strides = array<i32>} : memref<25600xi32, #tpu.memory_space<vmem>>, vector<16xi32>,
    %get3A_176 = vector.shape_cast %get3A_175 : vector<16xi32> to vector<16xi32>
    %shift_right_arithmetic3A_177 = arith.constant 8 : i32
    %shift_right_arithmetic3A_178 = vector.broadcast %shift_right_arithmetic3A_177 : i32 to vector<16xi32>
    %shift_right_arithmetic3A_179 = arith.shrsi %get3A_176, %shift_right_arithmetic3A_178 : vector<16xi32>
    %mul3A_180 = arith.constant 200 : i32
    %mul3A_181 = vector.broadcast %mul3A_180 : i32 to vector<16xi32>
    %mul3A_182 = arith.muli %shift_right_arithmetic3A_179, %mul3A_181 : vector<16xi32>
    %and3A_183 = arith.constant 255 : i32
    %and3A_184 = vector.broadcast %and3A_183 : i32 to vector<16xi32>
    %and3A_185 = arith.andi %get3A_176, %and3A_184 : vector<16xi32>
    %add3A_186 = arith.addi %mul3A_182, %and3A_185 : vector<16xi32>
    %swap3A_187 = arith.constant 32 : index
    %swap3A_188 = tpu.vector_load %arg8[%swap3A_187] {strides = array<i32>} : memref<64xi32, #tpu.memory_space<vmem>>, vector<16xi32>,
    %swap3A_189 = vector.shape_cast %swap3A_188 : vector<16xi32> to vector<16xi32>
    %swap3A_190 = vector.shape_cast %add3A_186 : vector<16xi32> to vector<16xi32>
    tpu.vector_store %arg8[%swap3A_187], %swap3A_190 {strides = array<i32>} : memref<64xi32, #tpu.memory_space<vmem>>, vector<16xi32>,
    %get3A_191 = arith.constant 176 : index
    %get3A_192 = tpu.vector_load %arg5[%get3A_191] {strides = array<i32>} : memref<25600xi32, #tpu.memory_space<vmem>>, vector<16xi32>,
    %get3A_193 = vector.shape_cast %get3A_192 : vector<16xi32> to vector<16xi32>
    %shift_right_arithmetic3A_194 = arith.constant 8 : i32
    %shift_right_arithmetic3A_195 = vector.broadcast %shift_right_arithmetic3A_194 : i32 to vector<16xi32>
    %shift_right_arithmetic3A_196 = arith.shrsi %get3A_193, %shift_right_arithmetic3A_195 : vector<16xi32>
    %mul3A_197 = arith.constant 200 : i32
    %mul3A_198 = vector.broadcast %mul3A_197 : i32 to vector<16xi32>
    %mul3A_199 = arith.muli %shift_right_arithmetic3A_196, %mul3A_198 : vector<16xi32>
    %and3A_200 = arith.constant 255 : i32
    %and3A_201 = vector.broadcast %and3A_200 : i32 to vector<16xi32>
    %and3A_202 = arith.andi %get3A_193, %and3A_201 : vector<16xi32>
    %add3A_203 = arith.addi %mul3A_199, %and3A_202 : vector<16xi32>
    %swap3A_204 = arith.constant 48 : index
    %swap3A_205 = tpu.vector_load %arg8[%swap3A_204] {strides = array<i32>} : memref<64xi32, #tpu.memory_space<vmem>>, vector<16xi32>,
    %swap3A_206 = vector.shape_cast %swap3A_205 : vector<16xi32> to vector<16xi32>
    %swap3A_207 = vector.shape_cast %add3A_203 : vector<16xi32> to vector<16xi32>
    tpu.vector_store %arg8[%swap3A_204], %swap3A_207 {strides = array<i32>} : memref<64xi32, #tpu.memory_space<vmem>>, vector<16xi32>,
    %dma_start3A_208 = arith.constant 0 : i32
    %dma_start3A_209 = arith.constant 0 : i32
    %dma_start3A_210 = tpu.memref_slice %arg2[%dma_start3A_208, %dma_start3A_209] : memref<20000x128xf32, #tpu.memory_space<hbm>> -> memref<20000x128xf32, #tpu.memory_space<hbm>>
    tpu.enqueue_indirect_dma source(%dma_start3A_210 : memref<20000x128xf32, #tpu.memory_space<hbm>>) target(%arg18 : memref<64x128xf32, #tpu.memory_space<vmem>>) offsets(%arg8 : memref<64xi32, #tpu.memory_space<vmem>>) semaphore(%arg28 : memref<!tpu.dma_semaphore, #tpu.memory_space<semaphore_mem>>)
    %get3A_211 = arith.constant 192 : index
    %get3A_212 = tpu.vector_load %arg5[%get3A_211] {strides = array<i32>} : memref<25600xi32, #tpu.memory_space<vmem>>, vector<16xi32>,
    %get3A_213 = vector.shape_cast %get3A_212 : vector<16xi32> to vector<16xi32>
    %shift_right_arithmetic3A_214 = arith.constant 8 : i32
    %shift_right_arithmetic3A_215 = vector.broadcast %shift_right_arithmetic3A_214 : i32 to vector<16xi32>
    %shift_right_arithmetic3A_216 = arith.shrsi %get3A_213, %shift_right_arithmetic3A_215 : vector<16xi32>
    %mul3A_217 = arith.constant 200 : i32
    %mul3A_218 = vector.broadcast %mul3A_217 : i32 to vector<16xi32>
    %mul3A_219 = arith.muli %shift_right_arithmetic3A_216, %mul3A_218 : vector<16xi32>
    %and3A_220 = arith.constant 255 : i32
    %and3A_221 = vector.broadcast %and3A_220 : i32 to vector<16xi32>
    %and3A_222 = arith.andi %get3A_213, %and3A_221 : vector<16xi32>
    %add3A_223 = arith.addi %mul3A_219, %and3A_222 : vector<16xi32>
    %swap3A_224 = arith.constant 0 : index
    %swap3A_225 = tpu.vector_load %arg9[%swap3A_224] {strides = array<i32>} : memref<64xi32, #tpu.memory_space<vmem>>, vector<16xi32>,
    %swap3A_226 = vector.shape_cast %swap3A_225 : vector<16xi32> to vector<16xi32>
    %swap3A_227 = vector.shape_cast %add3A_223 : vector<16xi32> to vector<16xi32>
    tpu.vector_store %arg9[%swap3A_224], %swap3A_227 {strides = array<i32>} : memref<64xi32, #tpu.memory_space<vmem>>, vector<16xi32>,
    %get3A_228 = arith.constant 208 : index
    %get3A_229 = tpu.vector_load %arg5[%get3A_228] {strides = array<i32>} : memref<25600xi32, #tpu.memory_space<vmem>>, vector<16xi32>,
    %get3A_230 = vector.shape_cast %get3A_229 : vector<16xi32> to vector<16xi32>
    %shift_right_arithmetic3A_231 = arith.constant 8 : i32
    %shift_right_arithmetic3A_232 = vector.broadcast %shift_right_arithmetic3A_231 : i32 to vector<16xi32>
    %shift_right_arithmetic3A_233 = arith.shrsi %get3A_230, %shift_right_arithmetic3A_232 : vector<16xi32>
    %mul3A_234 = arith.constant 200 : i32
    %mul3A_235 = vector.broadcast %mul3A_234 : i32 to vector<16xi32>
    %mul3A_236 = arith.muli %shift_right_arithmetic3A_233, %mul3A_235 : vector<16xi32>
    %and3A_237 = arith.constant 255 : i32
    %and3A_238 = vector.broadcast %and3A_237 : i32 to vector<16xi32>
    %and3A_239 = arith.andi %get3A_230, %and3A_238 : vector<16xi32>
    %add3A_240 = arith.addi %mul3A_236, %and3A_239 : vector<16xi32>
    %swap3A_241 = arith.constant 16 : index
    %swap3A_242 = tpu.vector_load %arg9[%swap3A_241] {strides = array<i32>} : memref<64xi32, #tpu.memory_space<vmem>>, vector<16xi32>,
    %swap3A_243 = vector.shape_cast %swap3A_242 : vector<16xi32> to vector<16xi32>
    %swap3A_244 = vector.shape_cast %add3A_240 : vector<16xi32> to vector<16xi32>
    tpu.vector_store %arg9[%swap3A_241], %swap3A_244 {strides = array<i32>} : memref<64xi32, #tpu.memory_space<vmem>>, vector<16xi32>,
    %get3A_245 = arith.constant 224 : index
    %get3A_246 = tpu.vector_load %arg5[%get3A_245] {strides = array<i32>} : memref<25600xi32, #tpu.memory_space<vmem>>, vector<16xi32>,
    %get3A_247 = vector.shape_cast %get3A_246 : vector<16xi32> to vector<16xi32>
    %shift_right_arithmetic3A_248 = arith.constant 8 : i32
    %shift_right_arithmetic3A_249 = vector.broadcast %shift_right_arithmetic3A_248 : i32 to vector<16xi32>
    %shift_right_arithmetic3A_250 = arith.shrsi %get3A_247, %shift_right_arithmetic3A_249 : vector<16xi32>
    %mul3A_251 = arith.constant 200 : i32
    %mul3A_252 = vector.broadcast %mul3A_251 : i32 to vector<16xi32>
    %mul3A_253 = arith.muli %shift_right_arithmetic3A_250, %mul3A_252 : vector<16xi32>
    %and3A_254 = arith.constant 255 : i32
    %and3A_255 = vector.broadcast %and3A_254 : i32 to vector<16xi32>
    %and3A_256 = arith.andi %get3A_247, %and3A_255 : vector<16xi32>
    %add3A_257 = arith.addi %mul3A_253, %and3A_256 : vector<16xi32>
    %swap3A_258 = arith.constant 32 : index
    %swap3A_259 = tpu.vector_load %arg9[%swap3A_258] {strides = array<i32>} : memref<64xi32, #tpu.memory_space<vmem>>, vector<16xi32>,
    %swap3A_260 = vector.shape_cast %swap3A_259 : vector<16xi32> to vector<16xi32>
    %swap3A_261 = vector.shape_cast %add3A_257 : vector<16xi32> to vector<16xi32>
    tpu.vector_store %arg9[%swap3A_258], %swap3A_261 {strides = array<i32>} : memref<64xi32, #tpu.memory_space<vmem>>, vector<16xi32>,
    %get3A_262 = arith.constant 240 : index
    %get3A_263 = tpu.vector_load %arg5[%get3A_262] {strides = array<i32>} : memref<25600xi32, #tpu.memory_space<vmem>>, vector<16xi32>,
    %get3A_264 = vector.shape_cast %get3A_263 : vector<16xi32> to vector<16xi32>
    %shift_right_arithmetic3A_265 = arith.constant 8 : i32
    %shift_right_arithmetic3A_266 = vector.broadcast %shift_right_arithmetic3A_265 : i32 to vector<16xi32>
    %shift_right_arithmetic3A_267 = arith.shrsi %get3A_264, %shift_right_arithmetic3A_266 : vector<16xi32>
    %mul3A_268 = arith.constant 200 : i32
    %mul3A_269 = vector.broadcast %mul3A_268 : i32 to vector<16xi32>
    %mul3A_270 = arith.muli %shift_right_arithmetic3A_267, %mul3A_269 : vector<16xi32>
    %and3A_271 = arith.constant 255 : i32
    %and3A_272 = vector.broadcast %and3A_271 : i32 to vector<16xi32>
    %and3A_273 = arith.andi %get3A_264, %and3A_272 : vector<16xi32>
    %add3A_274 = arith.addi %mul3A_270, %and3A_273 : vector<16xi32>
    %swap3A_275 = arith.constant 48 : index
    %swap3A_276 = tpu.vector_load %arg9[%swap3A_275] {strides = array<i32>} : memref<64xi32, #tpu.memory_space<vmem>>, vector<16xi32>,
    %swap3A_277 = vector.shape_cast %swap3A_276 : vector<16xi32> to vector<16xi32>
    %swap3A_278 = vector.shape_cast %add3A_274 : vector<16xi32> to vector<16xi32>
    tpu.vector_store %arg9[%swap3A_275], %swap3A_278 {strides = array<i32>} : memref<64xi32, #tpu.memory_space<vmem>>, vector<16xi32>,
    %dma_start3A_279 = arith.constant 0 : i32
    %dma_start3A_280 = arith.constant 0 : i32
    %dma_start3A_281 = tpu.memref_slice %arg2[%dma_start3A_279, %dma_start3A_280] : memref<20000x128xf32, #tpu.memory_space<hbm>> -> memref<20000x128xf32, #tpu.memory_space<hbm>>
    tpu.enqueue_indirect_dma source(%dma_start3A_281 : memref<20000x128xf32, #tpu.memory_space<hbm>>) target(%arg19 : memref<64x128xf32, #tpu.memory_space<vmem>>) offsets(%arg9 : memref<64xi32, #tpu.memory_space<vmem>>) semaphore(%arg29 : memref<!tpu.dma_semaphore, #tpu.memory_space<semaphore_mem>>)
    %get3A_282 = arith.constant 256 : index
    %get3A_283 = tpu.vector_load %arg5[%get3A_282] {strides = array<i32>} : memref<25600xi32, #tpu.memory_space<vmem>>, vector<16xi32>,
    %get3A_284 = vector.shape_cast %get3A_283 : vector<16xi32> to vector<16xi32>
    %shift_right_arithmetic3A_285 = arith.constant 8 : i32
    %shift_right_arithmetic3A_286 = vector.broadcast %shift_right_arithmetic3A_285 : i32 to vector<16xi32>
    %shift_right_arithmetic3A_287 = arith.shrsi %get3A_284, %shift_right_arithmetic3A_286 : vector<16xi32>
    %mul3A_288 = arith.constant 200 : i32
    %mul3A_289 = vector.broadcast %mul3A_288 : i32 to vector<16xi32>
    %mul3A_290 = arith.muli %shift_right_arithmetic3A_287, %mul3A_289 : vector<16xi32>
    %and3A_291 = arith.constant 255 : i32
    %and3A_292 = vector.broadcast %and3A_291 : i32 to vector<16xi32>
    %and3A_293 = arith.andi %get3A_284, %and3A_292 : vector<16xi32>
    %add3A_294 = arith.addi %mul3A_290, %and3A_293 : vector<16xi32>
    %swap3A_295 = arith.constant 0 : index
    %swap3A_296 = tpu.vector_load %arg10[%swap3A_295] {strides = array<i32>} : memref<64xi32, #tpu.memory_space<vmem>>, vector<16xi32>,
    %swap3A_297 = vector.shape_cast %swap3A_296 : vector<16xi32> to vector<16xi32>
    %swap3A_298 = vector.shape_cast %add3A_294 : vector<16xi32> to vector<16xi32>
    tpu.vector_store %arg10[%swap3A_295], %swap3A_298 {strides = array<i32>} : memref<64xi32, #tpu.memory_space<vmem>>, vector<16xi32>,
    %get3A_299 = arith.constant 272 : index
    %get3A_300 = tpu.vector_load %arg5[%get3A_299] {strides = array<i32>} : memref<25600xi32, #tpu.memory_space<vmem>>, vector<16xi32>,
    %get3A_301 = vector.shape_cast %get3A_300 : vector<16xi32> to vector<16xi32>
    %shift_right_arithmetic3A_302 = arith.constant 8 : i32
    %shift_right_arithmetic3A_303 = vector.broadcast %shift_right_arithmetic3A_302 : i32 to vector<16xi32>
    %shift_right_arithmetic3A_304 = arith.shrsi %get3A_301, %shift_right_arithmetic3A_303 : vector<16xi32>
    %mul3A_305 = arith.constant 200 : i32
    %mul3A_306 = vector.broadcast %mul3A_305 : i32 to vector<16xi32>
    %mul3A_307 = arith.muli %shift_right_arithmetic3A_304, %mul3A_306 : vector<16xi32>
    %and3A_308 = arith.constant 255 : i32
    %and3A_309 = vector.broadcast %and3A_308 : i32 to vector<16xi32>
    %and3A_310 = arith.andi %get3A_301, %and3A_309 : vector<16xi32>
    %add3A_311 = arith.addi %mul3A_307, %and3A_310 : vector<16xi32>
    %swap3A_312 = arith.constant 16 : index
    %swap3A_313 = tpu.vector_load %arg10[%swap3A_312] {strides = array<i32>} : memref<64xi32, #tpu.memory_space<vmem>>, vector<16xi32>,
    %swap3A_314 = vector.shape_cast %swap3A_313 : vector<16xi32> to vector<16xi32>
    %swap3A_315 = vector.shape_cast %add3A_311 : vector<16xi32> to vector<16xi32>
    tpu.vector_store %arg10[%swap3A_312], %swap3A_315 {strides = array<i32>} : memref<64xi32, #tpu.memory_space<vmem>>, vector<16xi32>,
    %get3A_316 = arith.constant 288 : index
    %get3A_317 = tpu.vector_load %arg5[%get3A_316] {strides = array<i32>} : memref<25600xi32, #tpu.memory_space<vmem>>, vector<16xi32>,
    %get3A_318 = vector.shape_cast %get3A_317 : vector<16xi32> to vector<16xi32>
    %shift_right_arithmetic3A_319 = arith.constant 8 : i32
    %shift_right_arithmetic3A_320 = vector.broadcast %shift_right_arithmetic3A_319 : i32 to vector<16xi32>
    %shift_right_arithmetic3A_321 = arith.shrsi %get3A_318, %shift_right_arithmetic3A_320 : vector<16xi32>
    %mul3A_322 = arith.constant 200 : i32
    %mul3A_323 = vector.broadcast %mul3A_322 : i32 to vector<16xi32>
    %mul3A_324 = arith.muli %shift_right_arithmetic3A_321, %mul3A_323 : vector<16xi32>
    %and3A_325 = arith.constant 255 : i32
    %and3A_326 = vector.broadcast %and3A_325 : i32 to vector<16xi32>
    %and3A_327 = arith.andi %get3A_318, %and3A_326 : vector<16xi32>
    %add3A_328 = arith.addi %mul3A_324, %and3A_327 : vector<16xi32>
    %swap3A_329 = arith.constant 32 : index
    %swap3A_330 = tpu.vector_load %arg10[%swap3A_329] {strides = array<i32>} : memref<64xi32, #tpu.memory_space<vmem>>, vector<16xi32>,
    %swap3A_331 = vector.shape_cast %swap3A_330 : vector<16xi32> to vector<16xi32>
    %swap3A_332 = vector.shape_cast %add3A_328 : vector<16xi32> to vector<16xi32>
    tpu.vector_store %arg10[%swap3A_329], %swap3A_332 {strides = array<i32>} : memref<64xi32, #tpu.memory_space<vmem>>, vector<16xi32>,
    %get3A_333 = arith.constant 304 : index
    %get3A_334 = tpu.vector_load %arg5[%get3A_333] {strides = array<i32>} : memref<25600xi32, #tpu.memory_space<vmem>>, vector<16xi32>,
    %get3A_335 = vector.shape_cast %get3A_334 : vector<16xi32> to vector<16xi32>
    %shift_right_arithmetic3A_336 = arith.constant 8 : i32
    %shift_right_arithmetic3A_337 = vector.broadcast %shift_right_arithmetic3A_336 : i32 to vector<16xi32>
    %shift_right_arithmetic3A_338 = arith.shrsi %get3A_335, %shift_right_arithmetic3A_337 : vector<16xi32>
    %mul3A_339 = arith.constant 200 : i32
    %mul3A_340 = vector.broadcast %mul3A_339 : i32 to vector<16xi32>
    %mul3A_341 = arith.muli %shift_right_arithmetic3A_338, %mul3A_340 : vector<16xi32>
    %and3A_342 = arith.constant 255 : i32
    %and3A_343 = vector.broadcast %and3A_342 : i32 to vector<16xi32>
    %and3A_344 = arith.andi %get3A_335, %and3A_343 : vector<16xi32>
    %add3A_345 = arith.addi %mul3A_341, %and3A_344 : vector<16xi32>
    %swap3A_346 = arith.constant 48 : index
    %swap3A_347 = tpu.vector_load %arg10[%swap3A_346] {strides = array<i32>} : memref<64xi32, #tpu.memory_space<vmem>>, vector<16xi32>,
    %swap3A_348 = vector.shape_cast %swap3A_347 : vector<16xi32> to vector<16xi32>
    %swap3A_349 = vector.shape_cast %add3A_345 : vector<16xi32> to vector<16xi32>
    tpu.vector_store %arg10[%swap3A_346], %swap3A_349 {strides = array<i32>} : memref<64xi32, #tpu.memory_space<vmem>>, vector<16xi32>,
    %dma_start3A_350 = arith.constant 0 : i32
    %dma_start3A_351 = arith.constant 0 : i32
    %dma_start3A_352 = tpu.memref_slice %arg2[%dma_start3A_350, %dma_start3A_351] : memref<20000x128xf32, #tpu.memory_space<hbm>> -> memref<20000x128xf32, #tpu.memory_space<hbm>>
    tpu.enqueue_indirect_dma source(%dma_start3A_352 : memref<20000x128xf32, #tpu.memory_space<hbm>>) target(%arg20 : memref<64x128xf32, #tpu.memory_space<vmem>>) offsets(%arg10 : memref<64xi32, #tpu.memory_space<vmem>>) semaphore(%arg30 : memref<!tpu.dma_semaphore, #tpu.memory_space<semaphore_mem>>)
    %get3A_353 = arith.constant 320 : index
    %get3A_354 = tpu.vector_load %arg5[%get3A_353] {strides = array<i32>} : memref<25600xi32, #tpu.memory_space<vmem>>, vector<16xi32>,
    %get3A_355 = vector.shape_cast %get3A_354 : vector<16xi32> to vector<16xi32>
    %shift_right_arithmetic3A_356 = arith.constant 8 : i32
    %shift_right_arithmetic3A_357 = vector.broadcast %shift_right_arithmetic3A_356 : i32 to vector<16xi32>
    %shift_right_arithmetic3A_358 = arith.shrsi %get3A_355, %shift_right_arithmetic3A_357 : vector<16xi32>
    %mul3A_359 = arith.constant 200 : i32
    %mul3A_360 = vector.broadcast %mul3A_359 : i32 to vector<16xi32>
    %mul3A_361 = arith.muli %shift_right_arithmetic3A_358, %mul3A_360 : vector<16xi32>
    %and3A_362 = arith.constant 255 : i32
    %and3A_363 = vector.broadcast %and3A_362 : i32 to vector<16xi32>
    %and3A_364 = arith.andi %get3A_355, %and3A_363 : vector<16xi32>
    %add3A_365 = arith.addi %mul3A_361, %and3A_364 : vector<16xi32>
    %swap3A_366 = arith.constant 0 : index
    %swap3A_367 = tpu.vector_load %arg11[%swap3A_366] {strides = array<i32>} : memref<64xi32, #tpu.memory_space<vmem>>, vector<16xi32>,
    %swap3A_368 = vector.shape_cast %swap3A_367 : vector<16xi32> to vector<16xi32>
    %swap3A_369 = vector.shape_cast %add3A_365 : vector<16xi32> to vector<16xi32>
    tpu.vector_store %arg11[%swap3A_366], %swap3A_369 {strides = array<i32>} : memref<64xi32, #tpu.memory_space<vmem>>, vector<16xi32>,
    %get3A_370 = arith.constant 336 : index
    %get3A_371 = tpu.vector_load %arg5[%get3A_370] {strides = array<i32>} : memref<25600xi32, #tpu.memory_space<vmem>>, vector<16xi32>,
    %get3A_372 = vector.shape_cast %get3A_371 : vector<16xi32> to vector<16xi32>
    %shift_right_arithmetic3A_373 = arith.constant 8 : i32
    %shift_right_arithmetic3A_374 = vector.broadcast %shift_right_arithmetic3A_373 : i32 to vector<16xi32>
    %shift_right_arithmetic3A_375 = arith.shrsi %get3A_372, %shift_right_arithmetic3A_374 : vector<16xi32>
    %mul3A_376 = arith.constant 200 : i32
    %mul3A_377 = vector.broadcast %mul3A_376 : i32 to vector<16xi32>
    %mul3A_378 = arith.muli %shift_right_arithmetic3A_375, %mul3A_377 : vector<16xi32>
    %and3A_379 = arith.constant 255 : i32
    %and3A_380 = vector.broadcast %and3A_379 : i32 to vector<16xi32>
    %and3A_381 = arith.andi %get3A_372, %and3A_380 : vector<16xi32>
    %add3A_382 = arith.addi %mul3A_378, %and3A_381 : vector<16xi32>
    %swap3A_383 = arith.constant 16 : index
    %swap3A_384 = tpu.vector_load %arg11[%swap3A_383] {strides = array<i32>} : memref<64xi32, #tpu.memory_space<vmem>>, vector<16xi32>,
    %swap3A_385 = vector.shape_cast %swap3A_384 : vector<16xi32> to vector<16xi32>
    %swap3A_386 = vector.shape_cast %add3A_382 : vector<16xi32> to vector<16xi32>
    tpu.vector_store %arg11[%swap3A_383], %swap3A_386 {strides = array<i32>} : memref<64xi32, #tpu.memory_space<vmem>>, vector<16xi32>,
    %get3A_387 = arith.constant 352 : index
    %get3A_388 = tpu.vector_load %arg5[%get3A_387] {strides = array<i32>} : memref<25600xi32, #tpu.memory_space<vmem>>, vector<16xi32>,
    %get3A_389 = vector.shape_cast %get3A_388 : vector<16xi32> to vector<16xi32>
    %shift_right_arithmetic3A_390 = arith.constant 8 : i32
    %shift_right_arithmetic3A_391 = vector.broadcast %shift_right_arithmetic3A_390 : i32 to vector<16xi32>
    %shift_right_arithmetic3A_392 = arith.shrsi %get3A_389, %shift_right_arithmetic3A_391 : vector<16xi32>
    %mul3A_393 = arith.constant 200 : i32
    %mul3A_394 = vector.broadcast %mul3A_393 : i32 to vector<16xi32>
    %mul3A_395 = arith.muli %shift_right_arithmetic3A_392, %mul3A_394 : vector<16xi32>
    %and3A_396 = arith.constant 255 : i32
    %and3A_397 = vector.broadcast %and3A_396 : i32 to vector<16xi32>
    %and3A_398 = arith.andi %get3A_389, %and3A_397 : vector<16xi32>
    %add3A_399 = arith.addi %mul3A_395, %and3A_398 : vector<16xi32>
    %swap3A_400 = arith.constant 32 : index
    %swap3A_401 = tpu.vector_load %arg11[%swap3A_400] {strides = array<i32>} : memref<64xi32, #tpu.memory_space<vmem>>, vector<16xi32>,
    %swap3A_402 = vector.shape_cast %swap3A_401 : vector<16xi32> to vector<16xi32>
    %swap3A_403 = vector.shape_cast %add3A_399 : vector<16xi32> to vector<16xi32>
    tpu.vector_store %arg11[%swap3A_400], %swap3A_403 {strides = array<i32>} : memref<64xi32, #tpu.memory_space<vmem>>, vector<16xi32>,
    %get3A_404 = arith.constant 368 : index
    %get3A_405 = tpu.vector_load %arg5[%get3A_404] {strides = array<i32>} : memref<25600xi32, #tpu.memory_space<vmem>>, vector<16xi32>,
    %get3A_406 = vector.shape_cast %get3A_405 : vector<16xi32> to vector<16xi32>
    %shift_right_arithmetic3A_407 = arith.constant 8 : i32
    %shift_right_arithmetic3A_408 = vector.broadcast %shift_right_arithmetic3A_407 : i32 to vector<16xi32>
    %shift_right_arithmetic3A_409 = arith.shrsi %get3A_406, %shift_right_arithmetic3A_408 : vector<16xi32>
    %mul3A_410 = arith.constant 200 : i32
    %mul3A_411 = vector.broadcast %mul3A_410 : i32 to vector<16xi32>
    %mul3A_412 = arith.muli %shift_right_arithmetic3A_409, %mul3A_411 : vector<16xi32>
    %and3A_413 = arith.constant 255 : i32
    %and3A_414 = vector.broadcast %and3A_413 : i32 to vector<16xi32>
    %and3A_415 = arith.andi %get3A_406, %and3A_414 : vector<16xi32>
    %add3A_416 = arith.addi %mul3A_412, %and3A_415 : vector<16xi32>
    %swap3A_417 = arith.constant 48 : index
    %swap3A_418 = tpu.vector_load %arg11[%swap3A_417] {strides = array<i32>} : memref<64xi32, #tpu.memory_space<vmem>>, vector<16xi32>,
    %swap3A_419 = vector.shape_cast %swap3A_418 : vector<16xi32> to vector<16xi32>
    %swap3A_420 = vector.shape_cast %add3A_416 : vector<16xi32> to vector<16xi32>
    tpu.vector_store %arg11[%swap3A_417], %swap3A_420 {strides = array<i32>} : memref<64xi32, #tpu.memory_space<vmem>>, vector<16xi32>,
    %dma_start3A_421 = arith.constant 0 : i32
    %dma_start3A_422 = arith.constant 0 : i32
    %dma_start3A_423 = tpu.memref_slice %arg2[%dma_start3A_421, %dma_start3A_422] : memref<20000x128xf32, #tpu.memory_space<hbm>> -> memref<20000x128xf32, #tpu.memory_space<hbm>>
    tpu.enqueue_indirect_dma source(%dma_start3A_423 : memref<20000x128xf32, #tpu.memory_space<hbm>>) target(%arg21 : memref<64x128xf32, #tpu.memory_space<vmem>>) offsets(%arg11 : memref<64xi32, #tpu.memory_space<vmem>>) semaphore(%arg31 : memref<!tpu.dma_semaphore, #tpu.memory_space<semaphore_mem>>)
    %get3A_424 = arith.constant 384 : index
    %get3A_425 = tpu.vector_load %arg5[%get3A_424] {strides = array<i32>} : memref<25600xi32, #tpu.memory_space<vmem>>, vector<16xi32>,
    %get3A_426 = vector.shape_cast %get3A_425 : vector<16xi32> to vector<16xi32>
    %shift_right_arithmetic3A_427 = arith.constant 8 : i32
    %shift_right_arithmetic3A_428 = vector.broadcast %shift_right_arithmetic3A_427 : i32 to vector<16xi32>
    %shift_right_arithmetic3A_429 = arith.shrsi %get3A_426, %shift_right_arithmetic3A_428 : vector<16xi32>
    %mul3A_430 = arith.constant 200 : i32
    %mul3A_431 = vector.broadcast %mul3A_430 : i32 to vector<16xi32>
    %mul3A_432 = arith.muli %shift_right_arithmetic3A_429, %mul3A_431 : vector<16xi32>
    %and3A_433 = arith.constant 255 : i32
    %and3A_434 = vector.broadcast %and3A_433 : i32 to vector<16xi32>
    %and3A_435 = arith.andi %get3A_426, %and3A_434 : vector<16xi32>
    %add3A_436 = arith.addi %mul3A_432, %and3A_435 : vector<16xi32>
    %swap3A_437 = arith.constant 0 : index
    %swap3A_438 = tpu.vector_load %arg12[%swap3A_437] {strides = array<i32>} : memref<64xi32, #tpu.memory_space<vmem>>, vector<16xi32>,
    %swap3A_439 = vector.shape_cast %swap3A_438 : vector<16xi32> to vector<16xi32>
    %swap3A_440 = vector.shape_cast %add3A_436 : vector<16xi32> to vector<16xi32>
    tpu.vector_store %arg12[%swap3A_437], %swap3A_440 {strides = array<i32>} : memref<64xi32, #tpu.memory_space<vmem>>, vector<16xi32>,
    %get3A_441 = arith.constant 400 : index
    %get3A_442 = tpu.vector_load %arg5[%get3A_441] {strides = array<i32>} : memref<25600xi32, #tpu.memory_space<vmem>>, vector<16xi32>,
    %get3A_443 = vector.shape_cast %get3A_442 : vector<16xi32> to vector<16xi32>
    %shift_right_arithmetic3A_444 = arith.constant 8 : i32
    %shift_right_arithmetic3A_445 = vector.broadcast %shift_right_arithmetic3A_444 : i32 to vector<16xi32>
    %shift_right_arithmetic3A_446 = arith.shrsi %get3A_443, %shift_right_arithmetic3A_445 : vector<16xi32>
    %mul3A_447 = arith.constant 200 : i32
    %mul3A_448 = vector.broadcast %mul3A_447 : i32 to vector<16xi32>
    %mul3A_449 = arith.muli %shift_right_arithmetic3A_446, %mul3A_448 : vector<16xi32>
    %and3A_450 = arith.constant 255 : i32
    %and3A_451 = vector.broadcast %and3A_450 : i32 to vector<16xi32>
    %and3A_452 = arith.andi %get3A_443, %and3A_451 : vector<16xi32>
    %add3A_453 = arith.addi %mul3A_449, %and3A_452 : vector<16xi32>
    %swap3A_454 = arith.constant 16 : index
    %swap3A_455 = tpu.vector_load %arg12[%swap3A_454] {strides = array<i32>} : memref<64xi32, #tpu.memory_space<vmem>>, vector<16xi32>,
    %swap3A_456 = vector.shape_cast %swap3A_455 : vector<16xi32> to vector<16xi32>
    %swap3A_457 = vector.shape_cast %add3A_453 : vector<16xi32> to vector<16xi32>
    tpu.vector_store %arg12[%swap3A_454], %swap3A_457 {strides = array<i32>} : memref<64xi32, #tpu.memory_space<vmem>>, vector<16xi32>,
    %get3A_458 = arith.constant 416 : index
    %get3A_459 = tpu.vector_load %arg5[%get3A_458] {strides = array<i32>} : memref<25600xi32, #tpu.memory_space<vmem>>, vector<16xi32>,
    %get3A_460 = vector.shape_cast %get3A_459 : vector<16xi32> to vector<16xi32>
    %shift_right_arithmetic3A_461 = arith.constant 8 : i32
    %shift_right_arithmetic3A_462 = vector.broadcast %shift_right_arithmetic3A_461 : i32 to vector<16xi32>
    %shift_right_arithmetic3A_463 = arith.shrsi %get3A_460, %shift_right_arithmetic3A_462 : vector<16xi32>
    %mul3A_464 = arith.constant 200 : i32
    %mul3A_465 = vector.broadcast %mul3A_464 : i32 to vector<16xi32>
    %mul3A_466 = arith.muli %shift_right_arithmetic3A_463, %mul3A_465 : vector<16xi32>
    %and3A_467 = arith.constant 255 : i32
    %and3A_468 = vector.broadcast %and3A_467 : i32 to vector<16xi32>
    %and3A_469 = arith.andi %get3A_460, %and3A_468 : vector<16xi32>
    %add3A_470 = arith.addi %mul3A_466, %and3A_469 : vector<16xi32>
    %swap3A_471 = arith.constant 32 : index
    %swap3A_472 = tpu.vector_load %arg12[%swap3A_471] {strides = array<i32>} : memref<64xi32, #tpu.memory_space<vmem>>, vector<16xi32>,
    %swap3A_473 = vector.shape_cast %swap3A_472 : vector<16xi32> to vector<16xi32>
    %swap3A_474 = vector.shape_cast %add3A_470 : vector<16xi32> to vector<16xi32>
    tpu.vector_store %arg12[%swap3A_471], %swap3A_474 {strides = array<i32>} : memref<64xi32, #tpu.memory_space<vmem>>, vector<16xi32>,
    %get3A_475 = arith.constant 432 : index
    %get3A_476 = tpu.vector_load %arg5[%get3A_475] {strides = array<i32>} : memref<25600xi32, #tpu.memory_space<vmem>>, vector<16xi32>,
    %get3A_477 = vector.shape_cast %get3A_476 : vector<16xi32> to vector<16xi32>
    %shift_right_arithmetic3A_478 = arith.constant 8 : i32
    %shift_right_arithmetic3A_479 = vector.broadcast %shift_right_arithmetic3A_478 : i32 to vector<16xi32>
    %shift_right_arithmetic3A_480 = arith.shrsi %get3A_477, %shift_right_arithmetic3A_479 : vector<16xi32>
    %mul3A_481 = arith.constant 200 : i32
    %mul3A_482 = vector.broadcast %mul3A_481 : i32 to vector<16xi32>
    %mul3A_483 = arith.muli %shift_right_arithmetic3A_480, %mul3A_482 : vector<16xi32>
    %and3A_484 = arith.constant 255 : i32
    %and3A_485 = vector.broadcast %and3A_484 : i32 to vector<16xi32>
    %and3A_486 = arith.andi %get3A_477, %and3A_485 : vector<16xi32>
    %add3A_487 = arith.addi %mul3A_483, %and3A_486 : vector<16xi32>
    %swap3A_488 = arith.constant 48 : index
    %swap3A_489 = tpu.vector_load %arg12[%swap3A_488] {strides = array<i32>} : memref<64xi32, #tpu.memory_space<vmem>>, vector<16xi32>,
    %swap3A_490 = vector.shape_cast %swap3A_489 : vector<16xi32> to vector<16xi32>
    %swap3A_491 = vector.shape_cast %add3A_487 : vector<16xi32> to vector<16xi32>
    tpu.vector_store %arg12[%swap3A_488], %swap3A_491 {strides = array<i32>} : memref<64xi32, #tpu.memory_space<vmem>>, vector<16xi32>,
    %dma_start3A_492 = arith.constant 0 : i32
    %dma_start3A_493 = arith.constant 0 : i32
    %dma_start3A_494 = tpu.memref_slice %arg2[%dma_start3A_492, %dma_start3A_493] : memref<20000x128xf32, #tpu.memory_space<hbm>> -> memref<20000x128xf32, #tpu.memory_space<hbm>>
    tpu.enqueue_indirect_dma source(%dma_start3A_494 : memref<20000x128xf32, #tpu.memory_space<hbm>>) target(%arg22 : memref<64x128xf32, #tpu.memory_space<vmem>>) offsets(%arg12 : memref<64xi32, #tpu.memory_space<vmem>>) semaphore(%arg32 : memref<!tpu.dma_semaphore, #tpu.memory_space<semaphore_mem>>)
    %get3A_495 = arith.constant 448 : index
    %get3A_496 = tpu.vector_load %arg5[%get3A_495] {strides = array<i32>} : memref<25600xi32, #tpu.memory_space<vmem>>, vector<16xi32>,
    %get3A_497 = vector.shape_cast %get3A_496 : vector<16xi32> to vector<16xi32>
    %shift_right_arithmetic3A_498 = arith.constant 8 : i32
    %shift_right_arithmetic3A_499 = vector.broadcast %shift_right_arithmetic3A_498 : i32 to vector<16xi32>
    %shift_right_arithmetic3A_500 = arith.shrsi %get3A_497, %shift_right_arithmetic3A_499 : vector<16xi32>
    %mul3A_501 = arith.constant 200 : i32
    %mul3A_502 = vector.broadcast %mul3A_501 : i32 to vector<16xi32>
    %mul3A_503 = arith.muli %shift_right_arithmetic3A_500, %mul3A_502 : vector<16xi32>
    %and3A_504 = arith.constant 255 : i32
    %and3A_505 = vector.broadcast %and3A_504 : i32 to vector<16xi32>
    %and3A_506 = arith.andi %get3A_497, %and3A_505 : vector<16xi32>
    %add3A_507 = arith.addi %mul3A_503, %and3A_506 : vector<16xi32>
    %swap3A_508 = arith.constant 0 : index
    %swap3A_509 = tpu.vector_load %arg13[%swap3A_508] {strides = array<i32>} : memref<64xi32, #tpu.memory_space<vmem>>, vector<16xi32>,
    %swap3A_510 = vector.shape_cast %swap3A_509 : vector<16xi32> to vector<16xi32>
    %swap3A_511 = vector.shape_cast %add3A_507 : vector<16xi32> to vector<16xi32>
    tpu.vector_store %arg13[%swap3A_508], %swap3A_511 {strides = array<i32>} : memref<64xi32, #tpu.memory_space<vmem>>, vector<16xi32>,
    %get3A_512 = arith.constant 464 : index
    %get3A_513 = tpu.vector_load %arg5[%get3A_512] {strides = array<i32>} : memref<25600xi32, #tpu.memory_space<vmem>>, vector<16xi32>,
    %get3A_514 = vector.shape_cast %get3A_513 : vector<16xi32> to vector<16xi32>
    %shift_right_arithmetic3A_515 = arith.constant 8 : i32
    %shift_right_arithmetic3A_516 = vector.broadcast %shift_right_arithmetic3A_515 : i32 to vector<16xi32>
    %shift_right_arithmetic3A_517 = arith.shrsi %get3A_514, %shift_right_arithmetic3A_516 : vector<16xi32>
    %mul3A_518 = arith.constant 200 : i32
    %mul3A_519 = vector.broadcast %mul3A_518 : i32 to vector<16xi32>
    %mul3A_520 = arith.muli %shift_right_arithmetic3A_517, %mul3A_519 : vector<16xi32>
    %and3A_521 = arith.constant 255 : i32
    %and3A_522 = vector.broadcast %and3A_521 : i32 to vector<16xi32>
    %and3A_523 = arith.andi %get3A_514, %and3A_522 : vector<16xi32>
    %add3A_524 = arith.addi %mul3A_520, %and3A_523 : vector<16xi32>
    %swap3A_525 = arith.constant 16 : index
    %swap3A_526 = tpu.vector_load %arg13[%swap3A_525] {strides = array<i32>} : memref<64xi32, #tpu.memory_space<vmem>>, vector<16xi32>,
    %swap3A_527 = vector.shape_cast %swap3A_526 : vector<16xi32> to vector<16xi32>
    %swap3A_528 = vector.shape_cast %add3A_524 : vector<16xi32> to vector<16xi32>
    tpu.vector_store %arg13[%swap3A_525], %swap3A_528 {strides = array<i32>} : memref<64xi32, #tpu.memory_space<vmem>>, vector<16xi32>,
    %get3A_529 = arith.constant 480 : index
    %get3A_530 = tpu.vector_load %arg5[%get3A_529] {strides = array<i32>} : memref<25600xi32, #tpu.memory_space<vmem>>, vector<16xi32>,
    %get3A_531 = vector.shape_cast %get3A_530 : vector<16xi32> to vector<16xi32>
    %shift_right_arithmetic3A_532 = arith.constant 8 : i32
    %shift_right_arithmetic3A_533 = vector.broadcast %shift_right_arithmetic3A_532 : i32 to vector<16xi32>
    %shift_right_arithmetic3A_534 = arith.shrsi %get3A_531, %shift_right_arithmetic3A_533 : vector<16xi32>
    %mul3A_535 = arith.constant 200 : i32
    %mul3A_536 = vector.broadcast %mul3A_535 : i32 to vector<16xi32>
    %mul3A_537 = arith.muli %shift_right_arithmetic3A_534, %mul3A_536 : vector<16xi32>
    %and3A_538 = arith.constant 255 : i32
    %and3A_539 = vector.broadcast %and3A_538 : i32 to vector<16xi32>
    %and3A_540 = arith.andi %get3A_531, %and3A_539 : vector<16xi32>
    %add3A_541 = arith.addi %mul3A_537, %and3A_540 : vector<16xi32>
    %swap3A_542 = arith.constant 32 : index
    %swap3A_543 = tpu.vector_load %arg13[%swap3A_542] {strides = array<i32>} : memref<64xi32, #tpu.memory_space<vmem>>, vector<16xi32>,
    %swap3A_544 = vector.shape_cast %swap3A_543 : vector<16xi32> to vector<16xi32>
    %swap3A_545 = vector.shape_cast %add3A_541 : vector<16xi32> to vector<16xi32>
    tpu.vector_store %arg13[%swap3A_542], %swap3A_545 {strides = array<i32>} : memref<64xi32, #tpu.memory_space<vmem>>, vector<16xi32>,
    %get3A_546 = arith.constant 496 : index
    %get3A_547 = tpu.vector_load %arg5[%get3A_546] {strides = array<i32>} : memref<25600xi32, #tpu.memory_space<vmem>>, vector<16xi32>,
    %get3A_548 = vector.shape_cast %get3A_547 : vector<16xi32> to vector<16xi32>
    %shift_right_arithmetic3A_549 = arith.constant 8 : i32
    %shift_right_arithmetic3A_550 = vector.broadcast %shift_right_arithmetic3A_549 : i32 to vector<16xi32>
    %shift_right_arithmetic3A_551 = arith.shrsi %get3A_548, %shift_right_arithmetic3A_550 : vector<16xi32>
    %mul3A_552 = arith.constant 200 : i32
    %mul3A_553 = vector.broadcast %mul3A_552 : i32 to vector<16xi32>
    %mul3A_554 = arith.muli %shift_right_arithmetic3A_551, %mul3A_553 : vector<16xi32>
    %and3A_555 = arith.constant 255 : i32
    %and3A_556 = vector.broadcast %and3A_555 : i32 to vector<16xi32>
    %and3A_557 = arith.andi %get3A_548, %and3A_556 : vector<16xi32>
    %add3A_558 = arith.addi %mul3A_554, %and3A_557 : vector<16xi32>
    %swap3A_559 = arith.constant 48 : index
    %swap3A_560 = tpu.vector_load %arg13[%swap3A_559] {strides = array<i32>} : memref<64xi32, #tpu.memory_space<vmem>>, vector<16xi32>,
    %swap3A_561 = vector.shape_cast %swap3A_560 : vector<16xi32> to vector<16xi32>
    %swap3A_562 = vector.shape_cast %add3A_558 : vector<16xi32> to vector<16xi32>
    tpu.vector_store %arg13[%swap3A_559], %swap3A_562 {strides = array<i32>} : memref<64xi32, #tpu.memory_space<vmem>>, vector<16xi32>,
    %dma_start3A_563 = arith.constant 0 : i32
    %dma_start3A_564 = arith.constant 0 : i32
    %dma_start3A_565 = tpu.memref_slice %arg2[%dma_start3A_563, %dma_start3A_564] : memref<20000x128xf32, #tpu.memory_space<hbm>> -> memref<20000x128xf32, #tpu.memory_space<hbm>>
    tpu.enqueue_indirect_dma source(%dma_start3A_565 : memref<20000x128xf32, #tpu.memory_space<hbm>>) target(%arg23 : memref<64x128xf32, #tpu.memory_space<vmem>>) offsets(%arg13 : memref<64xi32, #tpu.memory_space<vmem>>) semaphore(%arg33 : memref<!tpu.dma_semaphore, #tpu.memory_space<semaphore_mem>>)
    %get3A_566 = arith.constant 512 : index
    %get3A_567 = tpu.vector_load %arg5[%get3A_566] {strides = array<i32>} : memref<25600xi32, #tpu.memory_space<vmem>>, vector<16xi32>,
    %get3A_568 = vector.shape_cast %get3A_567 : vector<16xi32> to vector<16xi32>
    %shift_right_arithmetic3A_569 = arith.constant 8 : i32
    %shift_right_arithmetic3A_570 = vector.broadcast %shift_right_arithmetic3A_569 : i32 to vector<16xi32>
    %shift_right_arithmetic3A_571 = arith.shrsi %get3A_568, %shift_right_arithmetic3A_570 : vector<16xi32>
    %mul3A_572 = arith.constant 200 : i32
    %mul3A_573 = vector.broadcast %mul3A_572 : i32 to vector<16xi32>
    %mul3A_574 = arith.muli %shift_right_arithmetic3A_571, %mul3A_573 : vector<16xi32>
    %and3A_575 = arith.constant 255 : i32
    %and3A_576 = vector.broadcast %and3A_575 : i32 to vector<16xi32>
    %and3A_577 = arith.andi %get3A_568, %and3A_576 : vector<16xi32>
    %add3A_578 = arith.addi %mul3A_574, %and3A_577 : vector<16xi32>
    %swap3A_579 = arith.constant 0 : index
    %swap3A_580 = tpu.vector_load %arg14[%swap3A_579] {strides = array<i32>} : memref<64xi32, #tpu.memory_space<vmem>>, vector<16xi32>,
    %swap3A_581 = vector.shape_cast %swap3A_580 : vector<16xi32> to vector<16xi32>
    %swap3A_582 = vector.shape_cast %add3A_578 : vector<16xi32> to vector<16xi32>
    tpu.vector_store %arg14[%swap3A_579], %swap3A_582 {strides = array<i32>} : memref<64xi32, #tpu.memory_space<vmem>>, vector<16xi32>,
    %get3A_583 = arith.constant 528 : index
    %get3A_584 = tpu.vector_load %arg5[%get3A_583] {strides = array<i32>} : memref<25600xi32, #tpu.memory_space<vmem>>, vector<16xi32>,
    %get3A_585 = vector.shape_cast %get3A_584 : vector<16xi32> to vector<16xi32>
    %shift_right_arithmetic3A_586 = arith.constant 8 : i32
    %shift_right_arithmetic3A_587 = vector.broadcast %shift_right_arithmetic3A_586 : i32 to vector<16xi32>
    %shift_right_arithmetic3A_588 = arith.shrsi %get3A_585, %shift_right_arithmetic3A_587 : vector<16xi32>
    %mul3A_589 = arith.constant 200 : i32
    %mul3A_590 = vector.broadcast %mul3A_589 : i32 to vector<16xi32>
    %mul3A_591 = arith.muli %shift_right_arithmetic3A_588, %mul3A_590 : vector<16xi32>
    %and3A_592 = arith.constant 255 : i32
    %and3A_593 = vector.broadcast %and3A_592 : i32 to vector<16xi32>
    %and3A_594 = arith.andi %get3A_585, %and3A_593 : vector<16xi32>
    %add3A_595 = arith.addi %mul3A_591, %and3A_594 : vector<16xi32>
    %swap3A_596 = arith.constant 16 : index
    %swap3A_597 = tpu.vector_load %arg14[%swap3A_596] {strides = array<i32>} : memref<64xi32, #tpu.memory_space<vmem>>, vector<16xi32>,
    %swap3A_598 = vector.shape_cast %swap3A_597 : vector<16xi32> to vector<16xi32>
    %swap3A_599 = vector.shape_cast %add3A_595 : vector<16xi32> to vector<16xi32>
    tpu.vector_store %arg14[%swap3A_596], %swap3A_599 {strides = array<i32>} : memref<64xi32, #tpu.memory_space<vmem>>, vector<16xi32>,
    %get3A_600 = arith.constant 544 : index
    %get3A_601 = tpu.vector_load %arg5[%get3A_600] {strides = array<i32>} : memref<25600xi32, #tpu.memory_space<vmem>>, vector<16xi32>,
    %get3A_602 = vector.shape_cast %get3A_601 : vector<16xi32> to vector<16xi32>
    %shift_right_arithmetic3A_603 = arith.constant 8 : i32
    %shift_right_arithmetic3A_604 = vector.broadcast %shift_right_arithmetic3A_603 : i32 to vector<16xi32>
    %shift_right_arithmetic3A_605 = arith.shrsi %get3A_602, %shift_right_arithmetic3A_604 : vector<16xi32>
    %mul3A_606 = arith.constant 200 : i32
    %mul3A_607 = vector.broadcast %mul3A_606 : i32 to vector<16xi32>
    %mul3A_608 = arith.muli %shift_right_arithmetic3A_605, %mul3A_607 : vector<16xi32>
    %and3A_609 = arith.constant 255 : i32
    %and3A_610 = vector.broadcast %and3A_609 : i32 to vector<16xi32>
    %and3A_611 = arith.andi %get3A_602, %and3A_610 : vector<16xi32>
    %add3A_612 = arith.addi %mul3A_608, %and3A_611 : vector<16xi32>
    %swap3A_613 = arith.constant 32 : index
    %swap3A_614 = tpu.vector_load %arg14[%swap3A_613] {strides = array<i32>} : memref<64xi32, #tpu.memory_space<vmem>>, vector<16xi32>,
    %swap3A_615 = vector.shape_cast %swap3A_614 : vector<16xi32> to vector<16xi32>
    %swap3A_616 = vector.shape_cast %add3A_612 : vector<16xi32> to vector<16xi32>
    tpu.vector_store %arg14[%swap3A_613], %swap3A_616 {strides = array<i32>} : memref<64xi32, #tpu.memory_space<vmem>>, vector<16xi32>,
    %get3A_617 = arith.constant 560 : index
    %get3A_618 = tpu.vector_load %arg5[%get3A_617] {strides = array<i32>} : memref<25600xi32, #tpu.memory_space<vmem>>, vector<16xi32>,
    %get3A_619 = vector.shape_cast %get3A_618 : vector<16xi32> to vector<16xi32>
    %shift_right_arithmetic3A_620 = arith.constant 8 : i32
    %shift_right_arithmetic3A_621 = vector.broadcast %shift_right_arithmetic3A_620 : i32 to vector<16xi32>
    %shift_right_arithmetic3A_622 = arith.shrsi %get3A_619, %shift_right_arithmetic3A_621 : vector<16xi32>
    %mul3A_623 = arith.constant 200 : i32
    %mul3A_624 = vector.broadcast %mul3A_623 : i32 to vector<16xi32>
    %mul3A_625 = arith.muli %shift_right_arithmetic3A_622, %mul3A_624 : vector<16xi32>
    %and3A_626 = arith.constant 255 : i32
    %and3A_627 = vector.broadcast %and3A_626 : i32 to vector<16xi32>
    %and3A_628 = arith.andi %get3A_619, %and3A_627 : vector<16xi32>
    %add3A_629 = arith.addi %mul3A_625, %and3A_628 : vector<16xi32>
    %swap3A_630 = arith.constant 48 : index
    %swap3A_631 = tpu.vector_load %arg14[%swap3A_630] {strides = array<i32>} : memref<64xi32, #tpu.memory_space<vmem>>, vector<16xi32>,
    %swap3A_632 = vector.shape_cast %swap3A_631 : vector<16xi32> to vector<16xi32>
    %swap3A_633 = vector.shape_cast %add3A_629 : vector<16xi32> to vector<16xi32>
    tpu.vector_store %arg14[%swap3A_630], %swap3A_633 {strides = array<i32>} : memref<64xi32, #tpu.memory_space<vmem>>, vector<16xi32>,
    %dma_start3A_634 = arith.constant 0 : i32
    %dma_start3A_635 = arith.constant 0 : i32
    %dma_start3A_636 = tpu.memref_slice %arg2[%dma_start3A_634, %dma_start3A_635] : memref<20000x128xf32, #tpu.memory_space<hbm>> -> memref<20000x128xf32, #tpu.memory_space<hbm>>
    tpu.enqueue_indirect_dma source(%dma_start3A_636 : memref<20000x128xf32, #tpu.memory_space<hbm>>) target(%arg24 : memref<64x128xf32, #tpu.memory_space<vmem>>) offsets(%arg14 : memref<64xi32, #tpu.memory_space<vmem>>) semaphore(%arg34 : memref<!tpu.dma_semaphore, #tpu.memory_space<semaphore_mem>>)
    %dma_wait3A = arith.constant 0 : i32
    %dma_wait3A_637 = arith.constant 0 : i32
    %dma_wait3A_638 = tpu.memref_slice %arg2[%dma_wait3A, %dma_wait3A_637] : memref<20000x128xf32, #tpu.memory_space<hbm>> -> memref<20000x128xf32, #tpu.memory_space<hbm>>
    tpu.wait_indirect_dma semaphore(%arg26 : memref<!tpu.dma_semaphore, #tpu.memory_space<semaphore_mem>>) src(%dma_wait3A_638 : memref<20000x128xf32, #tpu.memory_space<hbm>>) dst(%arg16 : memref<64x128xf32, #tpu.memory_space<vmem>>)
    %add3A_639 = arith.constant 0 : i32
    %add3A_640 = arith.addi %mul3A_2, %add3A_639 : i32
    %dma_start3A_641 = arith.constant 0 : i32
    %dma_start3A_642 = tpu.memref_slice %arg4[%add3A_640, %dma_start3A_641] : memref<819200x128xf32, #tpu.memory_space<hbm>> -> memref<64x128xf32, #tpu.memory_space<hbm>>
    %dma_start3A_643 = arith.constant 0 : i32
    %dma_start3A_644 = tpu.memref_slice %arg4[%add3A_640, %dma_start3A_643] : memref<819200x128xf32, #tpu.memory_space<hbm>> -> memref<64x128xf32, #tpu.memory_space<hbm>>
    tpu.enqueue_dma source(%arg16 : memref<64x128xf32, #tpu.memory_space<vmem>>) target(%dma_start3A_644 : memref<64x128xf32, #tpu.memory_space<hbm>>) target_semaphore(%arg36 : memref<!tpu.dma_semaphore, #tpu.memory_space<semaphore_mem>>)
    %get3A_645 = arith.constant 576 : index
    %get3A_646 = tpu.vector_load %arg5[%get3A_645] {strides = array<i32>} : memref<25600xi32, #tpu.memory_space<vmem>>, vector<16xi32>,
    %get3A_647 = vector.shape_cast %get3A_646 : vector<16xi32> to vector<16xi32>
    %shift_right_arithmetic3A_648 = arith.constant 8 : i32
    %shift_right_arithmetic3A_649 = vector.broadcast %shift_right_arithmetic3A_648 : i32 to vector<16xi32>
    %shift_right_arithmetic3A_650 = arith.shrsi %get3A_647, %shift_right_arithmetic3A_649 : vector<16xi32>
    %mul3A_651 = arith.constant 200 : i32
    %mul3A_652 = vector.broadcast %mul3A_651 : i32 to vector<16xi32>
    %mul3A_653 = arith.muli %shift_right_arithmetic3A_650, %mul3A_652 : vector<16xi32>
    %and3A_654 = arith.constant 255 : i32
    %and3A_655 = vector.broadcast %and3A_654 : i32 to vector<16xi32>
    %and3A_656 = arith.andi %get3A_647, %and3A_655 : vector<16xi32>
    %add3A_657 = arith.addi %mul3A_653, %and3A_656 : vector<16xi32>
    %swap3A_658 = arith.constant 0 : index
    %swap3A_659 = tpu.vector_load %arg15[%swap3A_658] {strides = array<i32>} : memref<64xi32, #tpu.memory_space<vmem>>, vector<16xi32>,
    %swap3A_660 = vector.shape_cast %swap3A_659 : vector<16xi32> to vector<16xi32>
    %swap3A_661 = vector.shape_cast %add3A_657 : vector<16xi32> to vector<16xi32>
    tpu.vector_store %arg15[%swap3A_658], %swap3A_661 {strides = array<i32>} : memref<64xi32, #tpu.memory_space<vmem>>, vector<16xi32>,
    %get3A_662 = arith.constant 592 : index
    %get3A_663 = tpu.vector_load %arg5[%get3A_662] {strides = array<i32>} : memref<25600xi32, #tpu.memory_space<vmem>>, vector<16xi32>,
    %get3A_664 = vector.shape_cast %get3A_663 : vector<16xi32> to vector<16xi32>
    %shift_right_arithmetic3A_665 = arith.constant 8 : i32
    %shift_right_arithmetic3A_666 = vector.broadcast %shift_right_arithmetic3A_665 : i32 to vector<16xi32>
    %shift_right_arithmetic3A_667 = arith.shrsi %get3A_664, %shift_right_arithmetic3A_666 : vector<16xi32>
    %mul3A_668 = arith.constant 200 : i32
    %mul3A_669 = vector.broadcast %mul3A_668 : i32 to vector<16xi32>
    %mul3A_670 = arith.muli %shift_right_arithmetic3A_667, %mul3A_669 : vector<16xi32>
    %and3A_671 = arith.constant 255 : i32
    %and3A_672 = vector.broadcast %and3A_671 : i32 to vector<16xi32>
    %and3A_673 = arith.andi %get3A_664, %and3A_672 : vector<16xi32>
    %add3A_674 = arith.addi %mul3A_670, %and3A_673 : vector<16xi32>
    %swap3A_675 = arith.constant 16 : index
    %swap3A_676 = tpu.vector_load %arg15[%swap3A_675] {strides = array<i32>} : memref<64xi32, #tpu.memory_space<vmem>>, vector<16xi32>,
    %swap3A_677 = vector.shape_cast %swap3A_676 : vector<16xi32> to vector<16xi32>
    %swap3A_678 = vector.shape_cast %add3A_674 : vector<16xi32> to vector<16xi32>
    tpu.vector_store %arg15[%swap3A_675], %swap3A_678 {strides = array<i32>} : memref<64xi32, #tpu.memory_space<vmem>>, vector<16xi32>,
    %get3A_679 = arith.constant 608 : index
    %get3A_680 = tpu.vector_load %arg5[%get3A_679] {strides = array<i32>} : memref<25600xi32, #tpu.memory_space<vmem>>, vector<16xi32>,
    %get3A_681 = vector.shape_cast %get3A_680 : vector<16xi32> to vector<16xi32>
    %shift_right_arithmetic3A_682 = arith.constant 8 : i32
    %shift_right_arithmetic3A_683 = vector.broadcast %shift_right_arithmetic3A_682 : i32 to vector<16xi32>
    %shift_right_arithmetic3A_684 = arith.shrsi %get3A_681, %shift_right_arithmetic3A_683 : vector<16xi32>
    %mul3A_685 = arith.constant 200 : i32
    %mul3A_686 = vector.broadcast %mul3A_685 : i32 to vector<16xi32>
    %mul3A_687 = arith.muli %shift_right_arithmetic3A_684, %mul3A_686 : vector<16xi32>
    %and3A_688 = arith.constant 255 : i32
    %and3A_689 = vector.broadcast %and3A_688 : i32 to vector<16xi32>
    %and3A_690 = arith.andi %get3A_681, %and3A_689 : vector<16xi32>
    %add3A_691 = arith.addi %mul3A_687, %and3A_690 : vector<16xi32>
    %swap3A_692 = arith.constant 32 : index
    %swap3A_693 = tpu.vector_load %arg15[%swap3A_692] {strides = array<i32>} : memref<64xi32, #tpu.memory_space<vmem>>, vector<16xi32>,
    %swap3A_694 = vector.shape_cast %swap3A_693 : vector<16xi32> to vector<16xi32>
    %swap3A_695 = vector.shape_cast %add3A_691 : vector<16xi32> to vector<16xi32>
    tpu.vector_store %arg15[%swap3A_692], %swap3A_695 {strides = array<i32>} : memref<64xi32, #tpu.memory_space<vmem>>, vector<16xi32>,
    %get3A_696 = arith.constant 624 : index
    %get3A_697 = tpu.vector_load %arg5[%get3A_696] {strides = array<i32>} : memref<25600xi32, #tpu.memory_space<vmem>>, vector<16xi32>,
    %get3A_698 = vector.shape_cast %get3A_697 : vector<16xi32> to vector<16xi32>
    %shift_right_arithmetic3A_699 = arith.constant 8 : i32
    %shift_right_arithmetic3A_700 = vector.broadcast %shift_right_arithmetic3A_699 : i32 to vector<16xi32>
    %shift_right_arithmetic3A_701 = arith.shrsi %get3A_698, %shift_right_arithmetic3A_700 : vector<16xi32>
    %mul3A_702 = arith.constant 200 : i32
    %mul3A_703 = vector.broadcast %mul3A_702 : i32 to vector<16xi32>
    %mul3A_704 = arith.muli %shift_right_arithmetic3A_701, %mul3A_703 : vector<16xi32>
    %and3A_705 = arith.constant 255 : i32
    %and3A_706 = vector.broadcast %and3A_705 : i32 to vector<16xi32>
    %and3A_707 = arith.andi %get3A_698, %and3A_706 : vector<16xi32>
    %add3A_708 = arith.addi %mul3A_704, %and3A_707 : vector<16xi32>
    %swap3A_709 = arith.constant 48 : index
    %swap3A_710 = tpu.vector_load %arg15[%swap3A_709] {strides = array<i32>} : memref<64xi32, #tpu.memory_space<vmem>>, vector<16xi32>,
    %swap3A_711 = vector.shape_cast %swap3A_710 : vector<16xi32> to vector<16xi32>
    %swap3A_712 = vector.shape_cast %add3A_708 : vector<16xi32> to vector<16xi32>
    tpu.vector_store %arg15[%swap3A_709], %swap3A_712 {strides = array<i32>} : memref<64xi32, #tpu.memory_space<vmem>>, vector<16xi32>,
    %dma_start3A_713 = arith.constant 0 : i32
    %dma_start3A_714 = arith.constant 0 : i32
    %dma_start3A_715 = tpu.memref_slice %arg2[%dma_start3A_713, %dma_start3A_714] : memref<20000x128xf32, #tpu.memory_space<hbm>> -> memref<20000x128xf32, #tpu.memory_space<hbm>>
    tpu.enqueue_indirect_dma source(%dma_start3A_715 : memref<20000x128xf32, #tpu.memory_space<hbm>>) target(%arg25 : memref<64x128xf32, #tpu.memory_space<vmem>>) offsets(%arg15 : memref<64xi32, #tpu.memory_space<vmem>>) semaphore(%arg35 : memref<!tpu.dma_semaphore, #tpu.memory_space<semaphore_mem>>)
    %scan3A = arith.constant 0 : i32
    %scan3A_716 = arith.constant 0 : i32
    %scan3A_717 = arith.constant 39 : i32
    %scan3A_718 = arith.addi %scan3A_716, %scan3A_717 : i32
    %scan3A_719 = arith.constant 1 : i32
    scf.for %scan3A_842 = %scan3A_716 to %scan3A_718 step %scan3A_719  : i32 {
      %mul3A_843 = arith.constant 10 : i32
      %mul3A_844 = arith.muli %mul3A_843, %scan3A_842 : i32
      %add3A_845 = arith.constant 1 : i32
      %add3A_846 = arith.addi %add3A_845, %mul3A_844 : i32
      %add3A_847 = arith.constant 0 : i32
      %add3A_848 = arith.addi %add3A_846, %add3A_847 : i32
      %dma_wait3A_849 = arith.constant 0 : i32
      %dma_wait3A_850 = arith.constant 0 : i32
      %dma_wait3A_851 = tpu.memref_slice %arg2[%dma_wait3A_849, %dma_wait3A_850] : memref<20000x128xf32, #tpu.memory_space<hbm>> -> memref<20000x128xf32, #tpu.memory_space<hbm>>
      tpu.wait_indirect_dma semaphore(%arg27 : memref<!tpu.dma_semaphore, #tpu.memory_space<semaphore_mem>>) src(%dma_wait3A_851 : memref<20000x128xf32, #tpu.memory_space<hbm>>) dst(%arg17 : memref<64x128xf32, #tpu.memory_space<vmem>>)
      %mul3A_852 = arith.constant 64 : i32
      %mul3A_853 = arith.muli %add3A_848, %mul3A_852 : i32
      %add3A_854 = arith.addi %mul3A_2, %mul3A_853 : i32
      %dma_start3A_855 = arith.constant 0 : i32
      %dma_start3A_856 = tpu.memref_slice %arg4[%add3A_854, %dma_start3A_855] : memref<819200x128xf32, #tpu.memory_space<hbm>> -> memref<64x128xf32, #tpu.memory_space<hbm>>
      %dma_start3A_857 = arith.constant 0 : i32
      %dma_start3A_858 = tpu.memref_slice %arg4[%add3A_854, %dma_start3A_857] : memref<819200x128xf32, #tpu.memory_space<hbm>> -> memref<64x128xf32, #tpu.memory_space<hbm>>
      tpu.enqueue_dma source(%arg17 : memref<64x128xf32, #tpu.memory_space<vmem>>) target(%dma_start3A_858 : memref<64x128xf32, #tpu.memory_space<hbm>>) target_semaphore(%arg37 : memref<!tpu.dma_semaphore, #tpu.memory_space<semaphore_mem>>)
      %dma_wait3A_859 = arith.constant 0 : i32
      %dma_wait3A_860 = tpu.memref_slice %arg4[%mul3A_2, %dma_wait3A_859] : memref<819200x128xf32, #tpu.memory_space<hbm>> -> memref<64x128xf32, #tpu.memory_space<hbm>>
      %dma_wait3A_861 = arith.constant 0 : i32
      %dma_wait3A_862 = tpu.memref_slice %arg4[%mul3A_2, %dma_wait3A_861] : memref<819200x128xf32, #tpu.memory_space<hbm>> -> memref<64x128xf32, #tpu.memory_space<hbm>>
      tpu.wait_dma2 semaphore(%arg36 : memref<!tpu.dma_semaphore, #tpu.memory_space<semaphore_mem>>) src(%arg16 : memref<64x128xf32, #tpu.memory_space<vmem>>) dst(%dma_wait3A_862 : memref<64x128xf32, #tpu.memory_space<hbm>>)
      %add3A_863 = arith.constant 10 : i32
      %add3A_864 = arith.addi %add3A_848, %add3A_863 : i32
      %sub3A = arith.constant 1 : i32
      %sub3A_865 = arith.subi %add3A_864, %sub3A : i32
      %mul3A_866 = arith.constant 64 : i32
      %mul3A_867 = arith.muli %sub3A_865, %mul3A_866 : i32
      %add3A_868 = arith.constant 0 : i32
      %add3A_869 = arith.addi %mul3A_867, %add3A_868 : i32
      %get3A_870 = arith.index_cast %add3A_869 : i32 to index
      %get3A_871 = tpu.vector_load %arg5[%get3A_870] {strides = array<i32>} : memref<25600xi32, #tpu.memory_space<vmem>>, vector<16xi32>,
      %get3A_872 = vector.shape_cast %get3A_871 : vector<16xi32> to vector<16xi32>
      %shift_right_arithmetic3A_873 = arith.constant 8 : i32
      %shift_right_arithmetic3A_874 = vector.broadcast %shift_right_arithmetic3A_873 : i32 to vector<16xi32>
      %shift_right_arithmetic3A_875 = arith.shrsi %get3A_872, %shift_right_arithmetic3A_874 : vector<16xi32>
      %mul3A_876 = arith.constant 200 : i32
      %mul3A_877 = vector.broadcast %mul3A_876 : i32 to vector<16xi32>
      %mul3A_878 = arith.muli %shift_right_arithmetic3A_875, %mul3A_877 : vector<16xi32>
      %and3A_879 = arith.constant 255 : i32
      %and3A_880 = vector.broadcast %and3A_879 : i32 to vector<16xi32>
      %and3A_881 = arith.andi %get3A_872, %and3A_880 : vector<16xi32>
      %add3A_882 = arith.addi %mul3A_878, %and3A_881 : vector<16xi32>
      %swap3A_883 = arith.constant 0 : index
      %swap3A_884 = tpu.vector_load %arg6[%swap3A_883] {strides = array<i32>} : memref<64xi32, #tpu.memory_space<vmem>>, vector<16xi32>,
      %swap3A_885 = vector.shape_cast %swap3A_884 : vector<16xi32> to vector<16xi32>
      %swap3A_886 = vector.shape_cast %add3A_882 : vector<16xi32> to vector<16xi32>
      tpu.vector_store %arg6[%swap3A_883], %swap3A_886 {strides = array<i32>} : memref<64xi32, #tpu.memory_space<vmem>>, vector<16xi32>,
      %mul3A_887 = arith.constant 64 : i32
      %mul3A_888 = arith.muli %sub3A_865, %mul3A_887 : i32
      %add3A_889 = arith.constant 16 : i32
      %add3A_890 = arith.addi %mul3A_888, %add3A_889 : i32
      %get3A_891 = arith.index_cast %add3A_890 : i32 to index
      %get3A_892 = tpu.vector_load %arg5[%get3A_891] {strides = array<i32>} : memref<25600xi32, #tpu.memory_space<vmem>>, vector<16xi32>,
      %get3A_893 = vector.shape_cast %get3A_892 : vector<16xi32> to vector<16xi32>
      %shift_right_arithmetic3A_894 = arith.constant 8 : i32
      %shift_right_arithmetic3A_895 = vector.broadcast %shift_right_arithmetic3A_894 : i32 to vector<16xi32>
      %shift_right_arithmetic3A_896 = arith.shrsi %get3A_893, %shift_right_arithmetic3A_895 : vector<16xi32>
      %mul3A_897 = arith.constant 200 : i32
      %mul3A_898 = vector.broadcast %mul3A_897 : i32 to vector<16xi32>
      %mul3A_899 = arith.muli %shift_right_arithmetic3A_896, %mul3A_898 : vector<16xi32>
      %and3A_900 = arith.constant 255 : i32
      %and3A_901 = vector.broadcast %and3A_900 : i32 to vector<16xi32>
      %and3A_902 = arith.andi %get3A_893, %and3A_901 : vector<16xi32>
      %add3A_903 = arith.addi %mul3A_899, %and3A_902 : vector<16xi32>
      %swap3A_904 = arith.constant 16 : index
      %swap3A_905 = tpu.vector_load %arg6[%swap3A_904] {strides = array<i32>} : memref<64xi32, #tpu.memory_space<vmem>>, vector<16xi32>,
      %swap3A_906 = vector.shape_cast %swap3A_905 : vector<16xi32> to vector<16xi32>
      %swap3A_907 = vector.shape_cast %add3A_903 : vector<16xi32> to vector<16xi32>
      tpu.vector_store %arg6[%swap3A_904], %swap3A_907 {strides = array<i32>} : memref<64xi32, #tpu.memory_space<vmem>>, vector<16xi32>,
      %mul3A_908 = arith.constant 64 : i32
      %mul3A_909 = arith.muli %sub3A_865, %mul3A_908 : i32
      %add3A_910 = arith.constant 32 : i32
      %add3A_911 = arith.addi %mul3A_909, %add3A_910 : i32
      %get3A_912 = arith.index_cast %add3A_911 : i32 to index
      %get3A_913 = tpu.vector_load %arg5[%get3A_912] {strides = array<i32>} : memref<25600xi32, #tpu.memory_space<vmem>>, vector<16xi32>,
      %get3A_914 = vector.shape_cast %get3A_913 : vector<16xi32> to vector<16xi32>
      %shift_right_arithmetic3A_915 = arith.constant 8 : i32
      %shift_right_arithmetic3A_916 = vector.broadcast %shift_right_arithmetic3A_915 : i32 to vector<16xi32>
      %shift_right_arithmetic3A_917 = arith.shrsi %get3A_914, %shift_right_arithmetic3A_916 : vector<16xi32>
      %mul3A_918 = arith.constant 200 : i32
      %mul3A_919 = vector.broadcast %mul3A_918 : i32 to vector<16xi32>
      %mul3A_920 = arith.muli %shift_right_arithmetic3A_917, %mul3A_919 : vector<16xi32>
      %and3A_921 = arith.constant 255 : i32
      %and3A_922 = vector.broadcast %and3A_921 : i32 to vector<16xi32>
      %and3A_923 = arith.andi %get3A_914, %and3A_922 : vector<16xi32>
      %add3A_924 = arith.addi %mul3A_920, %and3A_923 : vector<16xi32>
      %swap3A_925 = arith.constant 32 : index
      %swap3A_926 = tpu.vector_load %arg6[%swap3A_925] {strides = array<i32>} : memref<64xi32, #tpu.memory_space<vmem>>, vector<16xi32>,
      %swap3A_927 = vector.shape_cast %swap3A_926 : vector<16xi32> to vector<16xi32>
      %swap3A_928 = vector.shape_cast %add3A_924 : vector<16xi32> to vector<16xi32>
      tpu.vector_store %arg6[%swap3A_925], %swap3A_928 {strides = array<i32>} : memref<64xi32, #tpu.memory_space<vmem>>, vector<16xi32>,
      %mul3A_929 = arith.constant 64 : i32
      %mul3A_930 = arith.muli %sub3A_865, %mul3A_929 : i32
      %add3A_931 = arith.constant 48 : i32
      %add3A_932 = arith.addi %mul3A_930, %add3A_931 : i32
      %get3A_933 = arith.index_cast %add3A_932 : i32 to index
      %get3A_934 = tpu.vector_load %arg5[%get3A_933] {strides = array<i32>} : memref<25600xi32, #tpu.memory_space<vmem>>, vector<16xi32>,
      %get3A_935 = vector.shape_cast %get3A_934 : vector<16xi32> to vector<16xi32>
      %shift_right_arithmetic3A_936 = arith.constant 8 : i32
      %shift_right_arithmetic3A_937 = vector.broadcast %shift_right_arithmetic3A_936 : i32 to vector<16xi32>
      %shift_right_arithmetic3A_938 = arith.shrsi %get3A_935, %shift_right_arithmetic3A_937 : vector<16xi32>
      %mul3A_939 = arith.constant 200 : i32
      %mul3A_940 = vector.broadcast %mul3A_939 : i32 to vector<16xi32>
      %mul3A_941 = arith.muli %shift_right_arithmetic3A_938, %mul3A_940 : vector<16xi32>
      %and3A_942 = arith.constant 255 : i32
      %and3A_943 = vector.broadcast %and3A_942 : i32 to vector<16xi32>
      %and3A_944 = arith.andi %get3A_935, %and3A_943 : vector<16xi32>
      %add3A_945 = arith.addi %mul3A_941, %and3A_944 : vector<16xi32>
      %swap3A_946 = arith.constant 48 : index
      %swap3A_947 = tpu.vector_load %arg6[%swap3A_946] {strides = array<i32>} : memref<64xi32, #tpu.memory_space<vmem>>, vector<16xi32>,
      %swap3A_948 = vector.shape_cast %swap3A_947 : vector<16xi32> to vector<16xi32>
      %swap3A_949 = vector.shape_cast %add3A_945 : vector<16xi32> to vector<16xi32>
      tpu.vector_store %arg6[%swap3A_946], %swap3A_949 {strides = array<i32>} : memref<64xi32, #tpu.memory_space<vmem>>, vector<16xi32>,
      %dma_start3A_950 = arith.constant 0 : i32
      %dma_start3A_951 = arith.constant 0 : i32
      %dma_start3A_952 = tpu.memref_slice %arg2[%dma_start3A_950, %dma_start3A_951] : memref<20000x128xf32, #tpu.memory_space<hbm>> -> memref<20000x128xf32, #tpu.memory_space<hbm>>
      tpu.enqueue_indirect_dma source(%dma_start3A_952 : memref<20000x128xf32, #tpu.memory_space<hbm>>) target(%arg16 : memref<64x128xf32, #tpu.memory_space<vmem>>) offsets(%arg6 : memref<64xi32, #tpu.memory_space<vmem>>) semaphore(%arg26 : memref<!tpu.dma_semaphore, #tpu.memory_space<semaphore_mem>>)
      %add3A_953 = arith.constant 1 : i32
      %add3A_954 = arith.addi %add3A_846, %add3A_953 : i32
      %dma_wait3A_955 = arith.constant 0 : i32
      %dma_wait3A_956 = arith.constant 0 : i32
      %dma_wait3A_957 = tpu.memref_slice %arg2[%dma_wait3A_955, %dma_wait3A_956] : memref<20000x128xf32, #tpu.memory_space<hbm>> -> memref<20000x128xf32, #tpu.memory_space<hbm>>
      tpu.wait_indirect_dma semaphore(%arg28 : memref<!tpu.dma_semaphore, #tpu.memory_space<semaphore_mem>>) src(%dma_wait3A_957 : memref<20000x128xf32, #tpu.memory_space<hbm>>) dst(%arg18 : memref<64x128xf32, #tpu.memory_space<vmem>>)
      %mul3A_958 = arith.constant 64 : i32
      %mul3A_959 = arith.muli %add3A_954, %mul3A_958 : i32
      %add3A_960 = arith.addi %mul3A_2, %mul3A_959 : i32
      %dma_start3A_961 = arith.constant 0 : i32
      %dma_start3A_962 = tpu.memref_slice %arg4[%add3A_960, %dma_start3A_961] : memref<819200x128xf32, #tpu.memory_space<hbm>> -> memref<64x128xf32, #tpu.memory_space<hbm>>
      %dma_start3A_963 = arith.constant 0 : i32
      %dma_start3A_964 = tpu.memref_slice %arg4[%add3A_960, %dma_start3A_963] : memref<819200x128xf32, #tpu.memory_space<hbm>> -> memref<64x128xf32, #tpu.memory_space<hbm>>
      tpu.enqueue_dma source(%arg18 : memref<64x128xf32, #tpu.memory_space<vmem>>) target(%dma_start3A_964 : memref<64x128xf32, #tpu.memory_space<hbm>>) target_semaphore(%arg38 : memref<!tpu.dma_semaphore, #tpu.memory_space<semaphore_mem>>)
      %dma_wait3A_965 = arith.constant 0 : i32
      %dma_wait3A_966 = tpu.memref_slice %arg4[%mul3A_2, %dma_wait3A_965] : memref<819200x128xf32, #tpu.memory_space<hbm>> -> memref<64x128xf32, #tpu.memory_space<hbm>>
      %dma_wait3A_967 = arith.constant 0 : i32
      %dma_wait3A_968 = tpu.memref_slice %arg4[%mul3A_2, %dma_wait3A_967] : memref<819200x128xf32, #tpu.memory_space<hbm>> -> memref<64x128xf32, #tpu.memory_space<hbm>>
      tpu.wait_dma2 semaphore(%arg37 : memref<!tpu.dma_semaphore, #tpu.memory_space<semaphore_mem>>) src(%arg17 : memref<64x128xf32, #tpu.memory_space<vmem>>) dst(%dma_wait3A_968 : memref<64x128xf32, #tpu.memory_space<hbm>>)
      %add3A_969 = arith.constant 10 : i32
      %add3A_970 = arith.addi %add3A_954, %add3A_969 : i32
      %sub3A_971 = arith.constant 1 : i32
      %sub3A_972 = arith.subi %add3A_970, %sub3A_971 : i32
      %mul3A_973 = arith.constant 64 : i32
      %mul3A_974 = arith.muli %sub3A_972, %mul3A_973 : i32
      %add3A_975 = arith.constant 0 : i32
      %add3A_976 = arith.addi %mul3A_974, %add3A_975 : i32
      %get3A_977 = arith.index_cast %add3A_976 : i32 to index
      %get3A_978 = tpu.vector_load %arg5[%get3A_977] {strides = array<i32>} : memref<25600xi32, #tpu.memory_space<vmem>>, vector<16xi32>,
      %get3A_979 = vector.shape_cast %get3A_978 : vector<16xi32> to vector<16xi32>
      %shift_right_arithmetic3A_980 = arith.constant 8 : i32
      %shift_right_arithmetic3A_981 = vector.broadcast %shift_right_arithmetic3A_980 : i32 to vector<16xi32>
      %shift_right_arithmetic3A_982 = arith.shrsi %get3A_979, %shift_right_arithmetic3A_981 : vector<16xi32>
      %mul3A_983 = arith.constant 200 : i32
      %mul3A_984 = vector.broadcast %mul3A_983 : i32 to vector<16xi32>
      %mul3A_985 = arith.muli %shift_right_arithmetic3A_982, %mul3A_984 : vector<16xi32>
      %and3A_986 = arith.constant 255 : i32
      %and3A_987 = vector.broadcast %and3A_986 : i32 to vector<16xi32>
      %and3A_988 = arith.andi %get3A_979, %and3A_987 : vector<16xi32>
      %add3A_989 = arith.addi %mul3A_985, %and3A_988 : vector<16xi32>
      %swap3A_990 = arith.constant 0 : index
      %swap3A_991 = tpu.vector_load %arg7[%swap3A_990] {strides = array<i32>} : memref<64xi32, #tpu.memory_space<vmem>>, vector<16xi32>,
      %swap3A_992 = vector.shape_cast %swap3A_991 : vector<16xi32> to vector<16xi32>
      %swap3A_993 = vector.shape_cast %add3A_989 : vector<16xi32> to vector<16xi32>
      tpu.vector_store %arg7[%swap3A_990], %swap3A_993 {strides = array<i32>} : memref<64xi32, #tpu.memory_space<vmem>>, vector<16xi32>,
      %mul3A_994 = arith.constant 64 : i32
      %mul3A_995 = arith.muli %sub3A_972, %mul3A_994 : i32
      %add3A_996 = arith.constant 16 : i32
      %add3A_997 = arith.addi %mul3A_995, %add3A_996 : i32
      %get3A_998 = arith.index_cast %add3A_997 : i32 to index
      %get3A_999 = tpu.vector_load %arg5[%get3A_998] {strides = array<i32>} : memref<25600xi32, #tpu.memory_space<vmem>>, vector<16xi32>,
      %get3A_1000 = vector.shape_cast %get3A_999 : vector<16xi32> to vector<16xi32>
      %shift_right_arithmetic3A_1001 = arith.constant 8 : i32
      %shift_right_arithmetic3A_1002 = vector.broadcast %shift_right_arithmetic3A_1001 : i32 to vector<16xi32>
      %shift_right_arithmetic3A_1003 = arith.shrsi %get3A_1000, %shift_right_arithmetic3A_1002 : vector<16xi32>
      %mul3A_1004 = arith.constant 200 : i32
      %mul3A_1005 = vector.broadcast %mul3A_1004 : i32 to vector<16xi32>
      %mul3A_1006 = arith.muli %shift_right_arithmetic3A_1003, %mul3A_1005 : vector<16xi32>
      %and3A_1007 = arith.constant 255 : i32
      %and3A_1008 = vector.broadcast %and3A_1007 : i32 to vector<16xi32>
      %and3A_1009 = arith.andi %get3A_1000, %and3A_1008 : vector<16xi32>
      %add3A_1010 = arith.addi %mul3A_1006, %and3A_1009 : vector<16xi32>
      %swap3A_1011 = arith.constant 16 : index
      %swap3A_1012 = tpu.vector_load %arg7[%swap3A_1011] {strides = array<i32>} : memref<64xi32, #tpu.memory_space<vmem>>, vector<16xi32>,
      %swap3A_1013 = vector.shape_cast %swap3A_1012 : vector<16xi32> to vector<16xi32>
      %swap3A_1014 = vector.shape_cast %add3A_1010 : vector<16xi32> to vector<16xi32>
      tpu.vector_store %arg7[%swap3A_1011], %swap3A_1014 {strides = array<i32>} : memref<64xi32, #tpu.memory_space<vmem>>, vector<16xi32>,
      %mul3A_1015 = arith.constant 64 : i32
      %mul3A_1016 = arith.muli %sub3A_972, %mul3A_1015 : i32
      %add3A_1017 = arith.constant 32 : i32
      %add3A_1018 = arith.addi %mul3A_1016, %add3A_1017 : i32
      %get3A_1019 = arith.index_cast %add3A_1018 : i32 to index
      %get3A_1020 = tpu.vector_load %arg5[%get3A_1019] {strides = array<i32>} : memref<25600xi32, #tpu.memory_space<vmem>>, vector<16xi32>,
      %get3A_1021 = vector.shape_cast %get3A_1020 : vector<16xi32> to vector<16xi32>
      %shift_right_arithmetic3A_1022 = arith.constant 8 : i32
      %shift_right_arithmetic3A_1023 = vector.broadcast %shift_right_arithmetic3A_1022 : i32 to vector<16xi32>
      %shift_right_arithmetic3A_1024 = arith.shrsi %get3A_1021, %shift_right_arithmetic3A_1023 : vector<16xi32>
      %mul3A_1025 = arith.constant 200 : i32
      %mul3A_1026 = vector.broadcast %mul3A_1025 : i32 to vector<16xi32>
      %mul3A_1027 = arith.muli %shift_right_arithmetic3A_1024, %mul3A_1026 : vector<16xi32>
      %and3A_1028 = arith.constant 255 : i32
      %and3A_1029 = vector.broadcast %and3A_1028 : i32 to vector<16xi32>
      %and3A_1030 = arith.andi %get3A_1021, %and3A_1029 : vector<16xi32>
      %add3A_1031 = arith.addi %mul3A_1027, %and3A_1030 : vector<16xi32>
      %swap3A_1032 = arith.constant 32 : index
      %swap3A_1033 = tpu.vector_load %arg7[%swap3A_1032] {strides = array<i32>} : memref<64xi32, #tpu.memory_space<vmem>>, vector<16xi32>,
      %swap3A_1034 = vector.shape_cast %swap3A_1033 : vector<16xi32> to vector<16xi32>
      %swap3A_1035 = vector.shape_cast %add3A_1031 : vector<16xi32> to vector<16xi32>
      tpu.vector_store %arg7[%swap3A_1032], %swap3A_1035 {strides = array<i32>} : memref<64xi32, #tpu.memory_space<vmem>>, vector<16xi32>,
      %mul3A_1036 = arith.constant 64 : i32
      %mul3A_1037 = arith.muli %sub3A_972, %mul3A_1036 : i32
      %add3A_1038 = arith.constant 48 : i32
      %add3A_1039 = arith.addi %mul3A_1037, %add3A_1038 : i32
      %get3A_1040 = arith.index_cast %add3A_1039 : i32 to index
      %get3A_1041 = tpu.vector_load %arg5[%get3A_1040] {strides = array<i32>} : memref<25600xi32, #tpu.memory_space<vmem>>, vector<16xi32>,
      %get3A_1042 = vector.shape_cast %get3A_1041 : vector<16xi32> to vector<16xi32>
      %shift_right_arithmetic3A_1043 = arith.constant 8 : i32
      %shift_right_arithmetic3A_1044 = vector.broadcast %shift_right_arithmetic3A_1043 : i32 to vector<16xi32>
      %shift_right_arithmetic3A_1045 = arith.shrsi %get3A_1042, %shift_right_arithmetic3A_1044 : vector<16xi32>
      %mul3A_1046 = arith.constant 200 : i32
      %mul3A_1047 = vector.broadcast %mul3A_1046 : i32 to vector<16xi32>
      %mul3A_1048 = arith.muli %shift_right_arithmetic3A_1045, %mul3A_1047 : vector<16xi32>
      %and3A_1049 = arith.constant 255 : i32
      %and3A_1050 = vector.broadcast %and3A_1049 : i32 to vector<16xi32>
      %and3A_1051 = arith.andi %get3A_1042, %and3A_1050 : vector<16xi32>
      %add3A_1052 = arith.addi %mul3A_1048, %and3A_1051 : vector<16xi32>
      %swap3A_1053 = arith.constant 48 : index
      %swap3A_1054 = tpu.vector_load %arg7[%swap3A_1053] {strides = array<i32>} : memref<64xi32, #tpu.memory_space<vmem>>, vector<16xi32>,
      %swap3A_1055 = vector.shape_cast %swap3A_1054 : vector<16xi32> to vector<16xi32>
      %swap3A_1056 = vector.shape_cast %add3A_1052 : vector<16xi32> to vector<16xi32>
      tpu.vector_store %arg7[%swap3A_1053], %swap3A_1056 {strides = array<i32>} : memref<64xi32, #tpu.memory_space<vmem>>, vector<16xi32>,
      %dma_start3A_1057 = arith.constant 0 : i32
      %dma_start3A_1058 = arith.constant 0 : i32
      %dma_start3A_1059 = tpu.memref_slice %arg2[%dma_start3A_1057, %dma_start3A_1058] : memref<20000x128xf32, #tpu.memory_space<hbm>> -> memref<20000x128xf32, #tpu.memory_space<hbm>>
      tpu.enqueue_indirect_dma source(%dma_start3A_1059 : memref<20000x128xf32, #tpu.memory_space<hbm>>) target(%arg17 : memref<64x128xf32, #tpu.memory_space<vmem>>) offsets(%arg7 : memref<64xi32, #tpu.memory_space<vmem>>) semaphore(%arg27 : memref<!tpu.dma_semaphore, #tpu.memory_space<semaphore_mem>>)
      %add3A_1060 = arith.constant 2 : i32
      %add3A_1061 = arith.addi %add3A_846, %add3A_1060 : i32
      %dma_wait3A_1062 = arith.constant 0 : i32
      %dma_wait3A_1063 = arith.constant 0 : i32
      %dma_wait3A_1064 = tpu.memref_slice %arg2[%dma_wait3A_1062, %dma_wait3A_1063] : memref<20000x128xf32, #tpu.memory_space<hbm>> -> memref<20000x128xf32, #tpu.memory_space<hbm>>
      tpu.wait_indirect_dma semaphore(%arg29 : memref<!tpu.dma_semaphore, #tpu.memory_space<semaphore_mem>>) src(%dma_wait3A_1064 : memref<20000x128xf32, #tpu.memory_space<hbm>>) dst(%arg19 : memref<64x128xf32, #tpu.memory_space<vmem>>)
      %mul3A_1065 = arith.constant 64 : i32
      %mul3A_1066 = arith.muli %add3A_1061, %mul3A_1065 : i32
      %add3A_1067 = arith.addi %mul3A_2, %mul3A_1066 : i32
      %dma_start3A_1068 = arith.constant 0 : i32
      %dma_start3A_1069 = tpu.memref_slice %arg4[%add3A_1067, %dma_start3A_1068] : memref<819200x128xf32, #tpu.memory_space<hbm>> -> memref<64x128xf32, #tpu.memory_space<hbm>>
      %dma_start3A_1070 = arith.constant 0 : i32
      %dma_start3A_1071 = tpu.memref_slice %arg4[%add3A_1067, %dma_start3A_1070] : memref<819200x128xf32, #tpu.memory_space<hbm>> -> memref<64x128xf32, #tpu.memory_space<hbm>>
      tpu.enqueue_dma source(%arg19 : memref<64x128xf32, #tpu.memory_space<vmem>>) target(%dma_start3A_1071 : memref<64x128xf32, #tpu.memory_space<hbm>>) target_semaphore(%arg39 : memref<!tpu.dma_semaphore, #tpu.memory_space<semaphore_mem>>)
      %dma_wait3A_1072 = arith.constant 0 : i32
      %dma_wait3A_1073 = tpu.memref_slice %arg4[%mul3A_2, %dma_wait3A_1072] : memref<819200x128xf32, #tpu.memory_space<hbm>> -> memref<64x128xf32, #tpu.memory_space<hbm>>
      %dma_wait3A_1074 = arith.constant 0 : i32
      %dma_wait3A_1075 = tpu.memref_slice %arg4[%mul3A_2, %dma_wait3A_1074] : memref<819200x128xf32, #tpu.memory_space<hbm>> -> memref<64x128xf32, #tpu.memory_space<hbm>>
      tpu.wait_dma2 semaphore(%arg38 : memref<!tpu.dma_semaphore, #tpu.memory_space<semaphore_mem>>) src(%arg18 : memref<64x128xf32, #tpu.memory_space<vmem>>) dst(%dma_wait3A_1075 : memref<64x128xf32, #tpu.memory_space<hbm>>)
      %add3A_1076 = arith.constant 10 : i32
      %add3A_1077 = arith.addi %add3A_1061, %add3A_1076 : i32
      %sub3A_1078 = arith.constant 1 : i32
      %sub3A_1079 = arith.subi %add3A_1077, %sub3A_1078 : i32
      %mul3A_1080 = arith.constant 64 : i32
      %mul3A_1081 = arith.muli %sub3A_1079, %mul3A_1080 : i32
      %add3A_1082 = arith.constant 0 : i32
      %add3A_1083 = arith.addi %mul3A_1081, %add3A_1082 : i32
      %get3A_1084 = arith.index_cast %add3A_1083 : i32 to index
      %get3A_1085 = tpu.vector_load %arg5[%get3A_1084] {strides = array<i32>} : memref<25600xi32, #tpu.memory_space<vmem>>, vector<16xi32>,
      %get3A_1086 = vector.shape_cast %get3A_1085 : vector<16xi32> to vector<16xi32>
      %shift_right_arithmetic3A_1087 = arith.constant 8 : i32
      %shift_right_arithmetic3A_1088 = vector.broadcast %shift_right_arithmetic3A_1087 : i32 to vector<16xi32>
      %shift_right_arithmetic3A_1089 = arith.shrsi %get3A_1086, %shift_right_arithmetic3A_1088 : vector<16xi32>
      %mul3A_1090 = arith.constant 200 : i32
      %mul3A_1091 = vector.broadcast %mul3A_1090 : i32 to vector<16xi32>
      %mul3A_1092 = arith.muli %shift_right_arithmetic3A_1089, %mul3A_1091 : vector<16xi32>
      %and3A_1093 = arith.constant 255 : i32
      %and3A_1094 = vector.broadcast %and3A_1093 : i32 to vector<16xi32>
      %and3A_1095 = arith.andi %get3A_1086, %and3A_1094 : vector<16xi32>
      %add3A_1096 = arith.addi %mul3A_1092, %and3A_1095 : vector<16xi32>
      %swap3A_1097 = arith.constant 0 : index
      %swap3A_1098 = tpu.vector_load %arg8[%swap3A_1097] {strides = array<i32>} : memref<64xi32, #tpu.memory_space<vmem>>, vector<16xi32>,
      %swap3A_1099 = vector.shape_cast %swap3A_1098 : vector<16xi32> to vector<16xi32>
      %swap3A_1100 = vector.shape_cast %add3A_1096 : vector<16xi32> to vector<16xi32>
      tpu.vector_store %arg8[%swap3A_1097], %swap3A_1100 {strides = array<i32>} : memref<64xi32, #tpu.memory_space<vmem>>, vector<16xi32>,
      %mul3A_1101 = arith.constant 64 : i32
      %mul3A_1102 = arith.muli %sub3A_1079, %mul3A_1101 : i32
      %add3A_1103 = arith.constant 16 : i32
      %add3A_1104 = arith.addi %mul3A_1102, %add3A_1103 : i32
      %get3A_1105 = arith.index_cast %add3A_1104 : i32 to index
      %get3A_1106 = tpu.vector_load %arg5[%get3A_1105] {strides = array<i32>} : memref<25600xi32, #tpu.memory_space<vmem>>, vector<16xi32>,
      %get3A_1107 = vector.shape_cast %get3A_1106 : vector<16xi32> to vector<16xi32>
      %shift_right_arithmetic3A_1108 = arith.constant 8 : i32
      %shift_right_arithmetic3A_1109 = vector.broadcast %shift_right_arithmetic3A_1108 : i32 to vector<16xi32>
      %shift_right_arithmetic3A_1110 = arith.shrsi %get3A_1107, %shift_right_arithmetic3A_1109 : vector<16xi32>
      %mul3A_1111 = arith.constant 200 : i32
      %mul3A_1112 = vector.broadcast %mul3A_1111 : i32 to vector<16xi32>
      %mul3A_1113 = arith.muli %shift_right_arithmetic3A_1110, %mul3A_1112 : vector<16xi32>
      %and3A_1114 = arith.constant 255 : i32
      %and3A_1115 = vector.broadcast %and3A_1114 : i32 to vector<16xi32>
      %and3A_1116 = arith.andi %get3A_1107, %and3A_1115 : vector<16xi32>
      %add3A_1117 = arith.addi %mul3A_1113, %and3A_1116 : vector<16xi32>
      %swap3A_1118 = arith.constant 16 : index
      %swap3A_1119 = tpu.vector_load %arg8[%swap3A_1118] {strides = array<i32>} : memref<64xi32, #tpu.memory_space<vmem>>, vector<16xi32>,
      %swap3A_1120 = vector.shape_cast %swap3A_1119 : vector<16xi32> to vector<16xi32>
      %swap3A_1121 = vector.shape_cast %add3A_1117 : vector<16xi32> to vector<16xi32>
      tpu.vector_store %arg8[%swap3A_1118], %swap3A_1121 {strides = array<i32>} : memref<64xi32, #tpu.memory_space<vmem>>, vector<16xi32>,
      %mul3A_1122 = arith.constant 64 : i32
      %mul3A_1123 = arith.muli %sub3A_1079, %mul3A_1122 : i32
      %add3A_1124 = arith.constant 32 : i32
      %add3A_1125 = arith.addi %mul3A_1123, %add3A_1124 : i32
      %get3A_1126 = arith.index_cast %add3A_1125 : i32 to index
      %get3A_1127 = tpu.vector_load %arg5[%get3A_1126] {strides = array<i32>} : memref<25600xi32, #tpu.memory_space<vmem>>, vector<16xi32>,
      %get3A_1128 = vector.shape_cast %get3A_1127 : vector<16xi32> to vector<16xi32>
      %shift_right_arithmetic3A_1129 = arith.constant 8 : i32
      %shift_right_arithmetic3A_1130 = vector.broadcast %shift_right_arithmetic3A_1129 : i32 to vector<16xi32>
      %shift_right_arithmetic3A_1131 = arith.shrsi %get3A_1128, %shift_right_arithmetic3A_1130 : vector<16xi32>
      %mul3A_1132 = arith.constant 200 : i32
      %mul3A_1133 = vector.broadcast %mul3A_1132 : i32 to vector<16xi32>
      %mul3A_1134 = arith.muli %shift_right_arithmetic3A_1131, %mul3A_1133 : vector<16xi32>
      %and3A_1135 = arith.constant 255 : i32
      %and3A_1136 = vector.broadcast %and3A_1135 : i32 to vector<16xi32>
      %and3A_1137 = arith.andi %get3A_1128, %and3A_1136 : vector<16xi32>
      %add3A_1138 = arith.addi %mul3A_1134, %and3A_1137 : vector<16xi32>
      %swap3A_1139 = arith.constant 32 : index
      %swap3A_1140 = tpu.vector_load %arg8[%swap3A_1139] {strides = array<i32>} : memref<64xi32, #tpu.memory_space<vmem>>, vector<16xi32>,
      %swap3A_1141 = vector.shape_cast %swap3A_1140 : vector<16xi32> to vector<16xi32>
      %swap3A_1142 = vector.shape_cast %add3A_1138 : vector<16xi32> to vector<16xi32>
      tpu.vector_store %arg8[%swap3A_1139], %swap3A_1142 {strides = array<i32>} : memref<64xi32, #tpu.memory_space<vmem>>, vector<16xi32>,
      %mul3A_1143 = arith.constant 64 : i32
      %mul3A_1144 = arith.muli %sub3A_1079, %mul3A_1143 : i32
      %add3A_1145 = arith.constant 48 : i32
      %add3A_1146 = arith.addi %mul3A_1144, %add3A_1145 : i32
      %get3A_1147 = arith.index_cast %add3A_1146 : i32 to index
      %get3A_1148 = tpu.vector_load %arg5[%get3A_1147] {strides = array<i32>} : memref<25600xi32, #tpu.memory_space<vmem>>, vector<16xi32>,
      %get3A_1149 = vector.shape_cast %get3A_1148 : vector<16xi32> to vector<16xi32>
      %shift_right_arithmetic3A_1150 = arith.constant 8 : i32
      %shift_right_arithmetic3A_1151 = vector.broadcast %shift_right_arithmetic3A_1150 : i32 to vector<16xi32>
      %shift_right_arithmetic3A_1152 = arith.shrsi %get3A_1149, %shift_right_arithmetic3A_1151 : vector<16xi32>
      %mul3A_1153 = arith.constant 200 : i32
      %mul3A_1154 = vector.broadcast %mul3A_1153 : i32 to vector<16xi32>
      %mul3A_1155 = arith.muli %shift_right_arithmetic3A_1152, %mul3A_1154 : vector<16xi32>
      %and3A_1156 = arith.constant 255 : i32
      %and3A_1157 = vector.broadcast %and3A_1156 : i32 to vector<16xi32>
      %and3A_1158 = arith.andi %get3A_1149, %and3A_1157 : vector<16xi32>
      %add3A_1159 = arith.addi %mul3A_1155, %and3A_1158 : vector<16xi32>
      %swap3A_1160 = arith.constant 48 : index
      %swap3A_1161 = tpu.vector_load %arg8[%swap3A_1160] {strides = array<i32>} : memref<64xi32, #tpu.memory_space<vmem>>, vector<16xi32>,
      %swap3A_1162 = vector.shape_cast %swap3A_1161 : vector<16xi32> to vector<16xi32>
      %swap3A_1163 = vector.shape_cast %add3A_1159 : vector<16xi32> to vector<16xi32>
      tpu.vector_store %arg8[%swap3A_1160], %swap3A_1163 {strides = array<i32>} : memref<64xi32, #tpu.memory_space<vmem>>, vector<16xi32>,
      %dma_start3A_1164 = arith.constant 0 : i32
      %dma_start3A_1165 = arith.constant 0 : i32
      %dma_start3A_1166 = tpu.memref_slice %arg2[%dma_start3A_1164, %dma_start3A_1165] : memref<20000x128xf32, #tpu.memory_space<hbm>> -> memref<20000x128xf32, #tpu.memory_space<hbm>>
      tpu.enqueue_indirect_dma source(%dma_start3A_1166 : memref<20000x128xf32, #tpu.memory_space<hbm>>) target(%arg18 : memref<64x128xf32, #tpu.memory_space<vmem>>) offsets(%arg8 : memref<64xi32, #tpu.memory_space<vmem>>) semaphore(%arg28 : memref<!tpu.dma_semaphore, #tpu.memory_space<semaphore_mem>>)
      %add3A_1167 = arith.constant 3 : i32
      %add3A_1168 = arith.addi %add3A_846, %add3A_1167 : i32
      %dma_wait3A_1169 = arith.constant 0 : i32
      %dma_wait3A_1170 = arith.constant 0 : i32
      %dma_wait3A_1171 = tpu.memref_slice %arg2[%dma_wait3A_1169, %dma_wait3A_1170] : memref<20000x128xf32, #tpu.memory_space<hbm>> -> memref<20000x128xf32, #tpu.memory_space<hbm>>
      tpu.wait_indirect_dma semaphore(%arg30 : memref<!tpu.dma_semaphore, #tpu.memory_space<semaphore_mem>>) src(%dma_wait3A_1171 : memref<20000x128xf32, #tpu.memory_space<hbm>>) dst(%arg20 : memref<64x128xf32, #tpu.memory_space<vmem>>)
      %mul3A_1172 = arith.constant 64 : i32
      %mul3A_1173 = arith.muli %add3A_1168, %mul3A_1172 : i32
      %add3A_1174 = arith.addi %mul3A_2, %mul3A_1173 : i32
      %dma_start3A_1175 = arith.constant 0 : i32
      %dma_start3A_1176 = tpu.memref_slice %arg4[%add3A_1174, %dma_start3A_1175] : memref<819200x128xf32, #tpu.memory_space<hbm>> -> memref<64x128xf32, #tpu.memory_space<hbm>>
      %dma_start3A_1177 = arith.constant 0 : i32
      %dma_start3A_1178 = tpu.memref_slice %arg4[%add3A_1174, %dma_start3A_1177] : memref<819200x128xf32, #tpu.memory_space<hbm>> -> memref<64x128xf32, #tpu.memory_space<hbm>>
      tpu.enqueue_dma source(%arg20 : memref<64x128xf32, #tpu.memory_space<vmem>>) target(%dma_start3A_1178 : memref<64x128xf32, #tpu.memory_space<hbm>>) target_semaphore(%arg40 : memref<!tpu.dma_semaphore, #tpu.memory_space<semaphore_mem>>)
      %dma_wait3A_1179 = arith.constant 0 : i32
      %dma_wait3A_1180 = tpu.memref_slice %arg4[%mul3A_2, %dma_wait3A_1179] : memref<819200x128xf32, #tpu.memory_space<hbm>> -> memref<64x128xf32, #tpu.memory_space<hbm>>
      %dma_wait3A_1181 = arith.constant 0 : i32
      %dma_wait3A_1182 = tpu.memref_slice %arg4[%mul3A_2, %dma_wait3A_1181] : memref<819200x128xf32, #tpu.memory_space<hbm>> -> memref<64x128xf32, #tpu.memory_space<hbm>>
      tpu.wait_dma2 semaphore(%arg39 : memref<!tpu.dma_semaphore, #tpu.memory_space<semaphore_mem>>) src(%arg19 : memref<64x128xf32, #tpu.memory_space<vmem>>) dst(%dma_wait3A_1182 : memref<64x128xf32, #tpu.memory_space<hbm>>)
      %add3A_1183 = arith.constant 10 : i32
      %add3A_1184 = arith.addi %add3A_1168, %add3A_1183 : i32
      %sub3A_1185 = arith.constant 1 : i32
      %sub3A_1186 = arith.subi %add3A_1184, %sub3A_1185 : i32
      %mul3A_1187 = arith.constant 64 : i32
      %mul3A_1188 = arith.muli %sub3A_1186, %mul3A_1187 : i32
      %add3A_1189 = arith.constant 0 : i32
      %add3A_1190 = arith.addi %mul3A_1188, %add3A_1189 : i32
      %get3A_1191 = arith.index_cast %add3A_1190 : i32 to index
      %get3A_1192 = tpu.vector_load %arg5[%get3A_1191] {strides = array<i32>} : memref<25600xi32, #tpu.memory_space<vmem>>, vector<16xi32>,
      %get3A_1193 = vector.shape_cast %get3A_1192 : vector<16xi32> to vector<16xi32>
      %shift_right_arithmetic3A_1194 = arith.constant 8 : i32
      %shift_right_arithmetic3A_1195 = vector.broadcast %shift_right_arithmetic3A_1194 : i32 to vector<16xi32>
      %shift_right_arithmetic3A_1196 = arith.shrsi %get3A_1193, %shift_right_arithmetic3A_1195 : vector<16xi32>
      %mul3A_1197 = arith.constant 200 : i32
      %mul3A_1198 = vector.broadcast %mul3A_1197 : i32 to vector<16xi32>
      %mul3A_1199 = arith.muli %shift_right_arithmetic3A_1196, %mul3A_1198 : vector<16xi32>
      %and3A_1200 = arith.constant 255 : i32
      %and3A_1201 = vector.broadcast %and3A_1200 : i32 to vector<16xi32>
      %and3A_1202 = arith.andi %get3A_1193, %and3A_1201 : vector<16xi32>
      %add3A_1203 = arith.addi %mul3A_1199, %and3A_1202 : vector<16xi32>
      %swap3A_1204 = arith.constant 0 : index
      %swap3A_1205 = tpu.vector_load %arg9[%swap3A_1204] {strides = array<i32>} : memref<64xi32, #tpu.memory_space<vmem>>, vector<16xi32>,
      %swap3A_1206 = vector.shape_cast %swap3A_1205 : vector<16xi32> to vector<16xi32>
      %swap3A_1207 = vector.shape_cast %add3A_1203 : vector<16xi32> to vector<16xi32>
      tpu.vector_store %arg9[%swap3A_1204], %swap3A_1207 {strides = array<i32>} : memref<64xi32, #tpu.memory_space<vmem>>, vector<16xi32>,
      %mul3A_1208 = arith.constant 64 : i32
      %mul3A_1209 = arith.muli %sub3A_1186, %mul3A_1208 : i32
      %add3A_1210 = arith.constant 16 : i32
      %add3A_1211 = arith.addi %mul3A_1209, %add3A_1210 : i32
      %get3A_1212 = arith.index_cast %add3A_1211 : i32 to index
      %get3A_1213 = tpu.vector_load %arg5[%get3A_1212] {strides = array<i32>} : memref<25600xi32, #tpu.memory_space<vmem>>, vector<16xi32>,
      %get3A_1214 = vector.shape_cast %get3A_1213 : vector<16xi32> to vector<16xi32>
      %shift_right_arithmetic3A_1215 = arith.constant 8 : i32
      %shift_right_arithmetic3A_1216 = vector.broadcast %shift_right_arithmetic3A_1215 : i32 to vector<16xi32>
      %shift_right_arithmetic3A_1217 = arith.shrsi %get3A_1214, %shift_right_arithmetic3A_1216 : vector<16xi32>
      %mul3A_1218 = arith.constant 200 : i32
      %mul3A_1219 = vector.broadcast %mul3A_1218 : i32 to vector<16xi32>
      %mul3A_1220 = arith.muli %shift_right_arithmetic3A_1217, %mul3A_1219 : vector<16xi32>
      %and3A_1221 = arith.constant 255 : i32
      %and3A_1222 = vector.broadcast %and3A_1221 : i32 to vector<16xi32>
      %and3A_1223 = arith.andi %get3A_1214, %and3A_1222 : vector<16xi32>
      %add3A_1224 = arith.addi %mul3A_1220, %and3A_1223 : vector<16xi32>
      %swap3A_1225 = arith.constant 16 : index
      %swap3A_1226 = tpu.vector_load %arg9[%swap3A_1225] {strides = array<i32>} : memref<64xi32, #tpu.memory_space<vmem>>, vector<16xi32>,
      %swap3A_1227 = vector.shape_cast %swap3A_1226 : vector<16xi32> to vector<16xi32>
      %swap3A_1228 = vector.shape_cast %add3A_1224 : vector<16xi32> to vector<16xi32>
      tpu.vector_store %arg9[%swap3A_1225], %swap3A_1228 {strides = array<i32>} : memref<64xi32, #tpu.memory_space<vmem>>, vector<16xi32>,
      %mul3A_1229 = arith.constant 64 : i32
      %mul3A_1230 = arith.muli %sub3A_1186, %mul3A_1229 : i32
      %add3A_1231 = arith.constant 32 : i32
      %add3A_1232 = arith.addi %mul3A_1230, %add3A_1231 : i32
      %get3A_1233 = arith.index_cast %add3A_1232 : i32 to index
      %get3A_1234 = tpu.vector_load %arg5[%get3A_1233] {strides = array<i32>} : memref<25600xi32, #tpu.memory_space<vmem>>, vector<16xi32>,
      %get3A_1235 = vector.shape_cast %get3A_1234 : vector<16xi32> to vector<16xi32>
      %shift_right_arithmetic3A_1236 = arith.constant 8 : i32
      %shift_right_arithmetic3A_1237 = vector.broadcast %shift_right_arithmetic3A_1236 : i32 to vector<16xi32>
      %shift_right_arithmetic3A_1238 = arith.shrsi %get3A_1235, %shift_right_arithmetic3A_1237 : vector<16xi32>
      %mul3A_1239 = arith.constant 200 : i32
      %mul3A_1240 = vector.broadcast %mul3A_1239 : i32 to vector<16xi32>
      %mul3A_1241 = arith.muli %shift_right_arithmetic3A_1238, %mul3A_1240 : vector<16xi32>
      %and3A_1242 = arith.constant 255 : i32
      %and3A_1243 = vector.broadcast %and3A_1242 : i32 to vector<16xi32>
      %and3A_1244 = arith.andi %get3A_1235, %and3A_1243 : vector<16xi32>
      %add3A_1245 = arith.addi %mul3A_1241, %and3A_1244 : vector<16xi32>
      %swap3A_1246 = arith.constant 32 : index
      %swap3A_1247 = tpu.vector_load %arg9[%swap3A_1246] {strides = array<i32>} : memref<64xi32, #tpu.memory_space<vmem>>, vector<16xi32>,
      %swap3A_1248 = vector.shape_cast %swap3A_1247 : vector<16xi32> to vector<16xi32>
      %swap3A_1249 = vector.shape_cast %add3A_1245 : vector<16xi32> to vector<16xi32>
      tpu.vector_store %arg9[%swap3A_1246], %swap3A_1249 {strides = array<i32>} : memref<64xi32, #tpu.memory_space<vmem>>, vector<16xi32>,
      %mul3A_1250 = arith.constant 64 : i32
      %mul3A_1251 = arith.muli %sub3A_1186, %mul3A_1250 : i32
      %add3A_1252 = arith.constant 48 : i32
      %add3A_1253 = arith.addi %mul3A_1251, %add3A_1252 : i32
      %get3A_1254 = arith.index_cast %add3A_1253 : i32 to index
      %get3A_1255 = tpu.vector_load %arg5[%get3A_1254] {strides = array<i32>} : memref<25600xi32, #tpu.memory_space<vmem>>, vector<16xi32>,
      %get3A_1256 = vector.shape_cast %get3A_1255 : vector<16xi32> to vector<16xi32>
      %shift_right_arithmetic3A_1257 = arith.constant 8 : i32
      %shift_right_arithmetic3A_1258 = vector.broadcast %shift_right_arithmetic3A_1257 : i32 to vector<16xi32>
      %shift_right_arithmetic3A_1259 = arith.shrsi %get3A_1256, %shift_right_arithmetic3A_1258 : vector<16xi32>
      %mul3A_1260 = arith.constant 200 : i32
      %mul3A_1261 = vector.broadcast %mul3A_1260 : i32 to vector<16xi32>
      %mul3A_1262 = arith.muli %shift_right_arithmetic3A_1259, %mul3A_1261 : vector<16xi32>
      %and3A_1263 = arith.constant 255 : i32
      %and3A_1264 = vector.broadcast %and3A_1263 : i32 to vector<16xi32>
      %and3A_1265 = arith.andi %get3A_1256, %and3A_1264 : vector<16xi32>
      %add3A_1266 = arith.addi %mul3A_1262, %and3A_1265 : vector<16xi32>
      %swap3A_1267 = arith.constant 48 : index
      %swap3A_1268 = tpu.vector_load %arg9[%swap3A_1267] {strides = array<i32>} : memref<64xi32, #tpu.memory_space<vmem>>, vector<16xi32>,
      %swap3A_1269 = vector.shape_cast %swap3A_1268 : vector<16xi32> to vector<16xi32>
      %swap3A_1270 = vector.shape_cast %add3A_1266 : vector<16xi32> to vector<16xi32>
      tpu.vector_store %arg9[%swap3A_1267], %swap3A_1270 {strides = array<i32>} : memref<64xi32, #tpu.memory_space<vmem>>, vector<16xi32>,
      %dma_start3A_1271 = arith.constant 0 : i32
      %dma_start3A_1272 = arith.constant 0 : i32
      %dma_start3A_1273 = tpu.memref_slice %arg2[%dma_start3A_1271, %dma_start3A_1272] : memref<20000x128xf32, #tpu.memory_space<hbm>> -> memref<20000x128xf32, #tpu.memory_space<hbm>>
      tpu.enqueue_indirect_dma source(%dma_start3A_1273 : memref<20000x128xf32, #tpu.memory_space<hbm>>) target(%arg19 : memref<64x128xf32, #tpu.memory_space<vmem>>) offsets(%arg9 : memref<64xi32, #tpu.memory_space<vmem>>) semaphore(%arg29 : memref<!tpu.dma_semaphore, #tpu.memory_space<semaphore_mem>>)
      %add3A_1274 = arith.constant 4 : i32
      %add3A_1275 = arith.addi %add3A_846, %add3A_1274 : i32
      %dma_wait3A_1276 = arith.constant 0 : i32
      %dma_wait3A_1277 = arith.constant 0 : i32
      %dma_wait3A_1278 = tpu.memref_slice %arg2[%dma_wait3A_1276, %dma_wait3A_1277] : memref<20000x128xf32, #tpu.memory_space<hbm>> -> memref<20000x128xf32, #tpu.memory_space<hbm>>
      tpu.wait_indirect_dma semaphore(%arg31 : memref<!tpu.dma_semaphore, #tpu.memory_space<semaphore_mem>>) src(%dma_wait3A_1278 : memref<20000x128xf32, #tpu.memory_space<hbm>>) dst(%arg21 : memref<64x128xf32, #tpu.memory_space<vmem>>)
      %mul3A_1279 = arith.constant 64 : i32
      %mul3A_1280 = arith.muli %add3A_1275, %mul3A_1279 : i32
      %add3A_1281 = arith.addi %mul3A_2, %mul3A_1280 : i32
      %dma_start3A_1282 = arith.constant 0 : i32
      %dma_start3A_1283 = tpu.memref_slice %arg4[%add3A_1281, %dma_start3A_1282] : memref<819200x128xf32, #tpu.memory_space<hbm>> -> memref<64x128xf32, #tpu.memory_space<hbm>>
      %dma_start3A_1284 = arith.constant 0 : i32
      %dma_start3A_1285 = tpu.memref_slice %arg4[%add3A_1281, %dma_start3A_1284] : memref<819200x128xf32, #tpu.memory_space<hbm>> -> memref<64x128xf32, #tpu.memory_space<hbm>>
      tpu.enqueue_dma source(%arg21 : memref<64x128xf32, #tpu.memory_space<vmem>>) target(%dma_start3A_1285 : memref<64x128xf32, #tpu.memory_space<hbm>>) target_semaphore(%arg41 : memref<!tpu.dma_semaphore, #tpu.memory_space<semaphore_mem>>)
      %dma_wait3A_1286 = arith.constant 0 : i32
      %dma_wait3A_1287 = tpu.memref_slice %arg4[%mul3A_2, %dma_wait3A_1286] : memref<819200x128xf32, #tpu.memory_space<hbm>> -> memref<64x128xf32, #tpu.memory_space<hbm>>
      %dma_wait3A_1288 = arith.constant 0 : i32
      %dma_wait3A_1289 = tpu.memref_slice %arg4[%mul3A_2, %dma_wait3A_1288] : memref<819200x128xf32, #tpu.memory_space<hbm>> -> memref<64x128xf32, #tpu.memory_space<hbm>>
      tpu.wait_dma2 semaphore(%arg40 : memref<!tpu.dma_semaphore, #tpu.memory_space<semaphore_mem>>) src(%arg20 : memref<64x128xf32, #tpu.memory_space<vmem>>) dst(%dma_wait3A_1289 : memref<64x128xf32, #tpu.memory_space<hbm>>)
      %add3A_1290 = arith.constant 10 : i32
      %add3A_1291 = arith.addi %add3A_1275, %add3A_1290 : i32
      %sub3A_1292 = arith.constant 1 : i32
      %sub3A_1293 = arith.subi %add3A_1291, %sub3A_1292 : i32
      %mul3A_1294 = arith.constant 64 : i32
      %mul3A_1295 = arith.muli %sub3A_1293, %mul3A_1294 : i32
      %add3A_1296 = arith.constant 0 : i32
      %add3A_1297 = arith.addi %mul3A_1295, %add3A_1296 : i32
      %get3A_1298 = arith.index_cast %add3A_1297 : i32 to index
      %get3A_1299 = tpu.vector_load %arg5[%get3A_1298] {strides = array<i32>} : memref<25600xi32, #tpu.memory_space<vmem>>, vector<16xi32>,
      %get3A_1300 = vector.shape_cast %get3A_1299 : vector<16xi32> to vector<16xi32>
      %shift_right_arithmetic3A_1301 = arith.constant 8 : i32
      %shift_right_arithmetic3A_1302 = vector.broadcast %shift_right_arithmetic3A_1301 : i32 to vector<16xi32>
      %shift_right_arithmetic3A_1303 = arith.shrsi %get3A_1300, %shift_right_arithmetic3A_1302 : vector<16xi32>
      %mul3A_1304 = arith.constant 200 : i32
      %mul3A_1305 = vector.broadcast %mul3A_1304 : i32 to vector<16xi32>
      %mul3A_1306 = arith.muli %shift_right_arithmetic3A_1303, %mul3A_1305 : vector<16xi32>
      %and3A_1307 = arith.constant 255 : i32
      %and3A_1308 = vector.broadcast %and3A_1307 : i32 to vector<16xi32>
      %and3A_1309 = arith.andi %get3A_1300, %and3A_1308 : vector<16xi32>
      %add3A_1310 = arith.addi %mul3A_1306, %and3A_1309 : vector<16xi32>
      %swap3A_1311 = arith.constant 0 : index
      %swap3A_1312 = tpu.vector_load %arg10[%swap3A_1311] {strides = array<i32>} : memref<64xi32, #tpu.memory_space<vmem>>, vector<16xi32>,
      %swap3A_1313 = vector.shape_cast %swap3A_1312 : vector<16xi32> to vector<16xi32>
      %swap3A_1314 = vector.shape_cast %add3A_1310 : vector<16xi32> to vector<16xi32>
      tpu.vector_store %arg10[%swap3A_1311], %swap3A_1314 {strides = array<i32>} : memref<64xi32, #tpu.memory_space<vmem>>, vector<16xi32>,
      %mul3A_1315 = arith.constant 64 : i32
      %mul3A_1316 = arith.muli %sub3A_1293, %mul3A_1315 : i32
      %add3A_1317 = arith.constant 16 : i32
      %add3A_1318 = arith.addi %mul3A_1316, %add3A_1317 : i32
      %get3A_1319 = arith.index_cast %add3A_1318 : i32 to index
      %get3A_1320 = tpu.vector_load %arg5[%get3A_1319] {strides = array<i32>} : memref<25600xi32, #tpu.memory_space<vmem>>, vector<16xi32>,
      %get3A_1321 = vector.shape_cast %get3A_1320 : vector<16xi32> to vector<16xi32>
      %shift_right_arithmetic3A_1322 = arith.constant 8 : i32
      %shift_right_arithmetic3A_1323 = vector.broadcast %shift_right_arithmetic3A_1322 : i32 to vector<16xi32>
      %shift_right_arithmetic3A_1324 = arith.shrsi %get3A_1321, %shift_right_arithmetic3A_1323 : vector<16xi32>
      %mul3A_1325 = arith.constant 200 : i32
      %mul3A_1326 = vector.broadcast %mul3A_1325 : i32 to vector<16xi32>
      %mul3A_1327 = arith.muli %shift_right_arithmetic3A_1324, %mul3A_1326 : vector<16xi32>
      %and3A_1328 = arith.constant 255 : i32
      %and3A_1329 = vector.broadcast %and3A_1328 : i32 to vector<16xi32>
      %and3A_1330 = arith.andi %get3A_1321, %and3A_1329 : vector<16xi32>
      %add3A_1331 = arith.addi %mul3A_1327, %and3A_1330 : vector<16xi32>
      %swap3A_1332 = arith.constant 16 : index
      %swap3A_1333 = tpu.vector_load %arg10[%swap3A_1332] {strides = array<i32>} : memref<64xi32, #tpu.memory_space<vmem>>, vector<16xi32>,
      %swap3A_1334 = vector.shape_cast %swap3A_1333 : vector<16xi32> to vector<16xi32>
      %swap3A_1335 = vector.shape_cast %add3A_1331 : vector<16xi32> to vector<16xi32>
      tpu.vector_store %arg10[%swap3A_1332], %swap3A_1335 {strides = array<i32>} : memref<64xi32, #tpu.memory_space<vmem>>, vector<16xi32>,
      %mul3A_1336 = arith.constant 64 : i32
      %mul3A_1337 = arith.muli %sub3A_1293, %mul3A_1336 : i32
      %add3A_1338 = arith.constant 32 : i32
      %add3A_1339 = arith.addi %mul3A_1337, %add3A_1338 : i32
      %get3A_1340 = arith.index_cast %add3A_1339 : i32 to index
      %get3A_1341 = tpu.vector_load %arg5[%get3A_1340] {strides = array<i32>} : memref<25600xi32, #tpu.memory_space<vmem>>, vector<16xi32>,
      %get3A_1342 = vector.shape_cast %get3A_1341 : vector<16xi32> to vector<16xi32>
      %shift_right_arithmetic3A_1343 = arith.constant 8 : i32
      %shift_right_arithmetic3A_1344 = vector.broadcast %shift_right_arithmetic3A_1343 : i32 to vector<16xi32>
      %shift_right_arithmetic3A_1345 = arith.shrsi %get3A_1342, %shift_right_arithmetic3A_1344 : vector<16xi32>
      %mul3A_1346 = arith.constant 200 : i32
      %mul3A_1347 = vector.broadcast %mul3A_1346 : i32 to vector<16xi32>
      %mul3A_1348 = arith.muli %shift_right_arithmetic3A_1345, %mul3A_1347 : vector<16xi32>
      %and3A_1349 = arith.constant 255 : i32
      %and3A_1350 = vector.broadcast %and3A_1349 : i32 to vector<16xi32>
      %and3A_1351 = arith.andi %get3A_1342, %and3A_1350 : vector<16xi32>
      %add3A_1352 = arith.addi %mul3A_1348, %and3A_1351 : vector<16xi32>
      %swap3A_1353 = arith.constant 32 : index
      %swap3A_1354 = tpu.vector_load %arg10[%swap3A_1353] {strides = array<i32>} : memref<64xi32, #tpu.memory_space<vmem>>, vector<16xi32>,
      %swap3A_1355 = vector.shape_cast %swap3A_1354 : vector<16xi32> to vector<16xi32>
      %swap3A_1356 = vector.shape_cast %add3A_1352 : vector<16xi32> to vector<16xi32>
      tpu.vector_store %arg10[%swap3A_1353], %swap3A_1356 {strides = array<i32>} : memref<64xi32, #tpu.memory_space<vmem>>, vector<16xi32>,
      %mul3A_1357 = arith.constant 64 : i32
      %mul3A_1358 = arith.muli %sub3A_1293, %mul3A_1357 : i32
      %add3A_1359 = arith.constant 48 : i32
      %add3A_1360 = arith.addi %mul3A_1358, %add3A_1359 : i32
      %get3A_1361 = arith.index_cast %add3A_1360 : i32 to index
      %get3A_1362 = tpu.vector_load %arg5[%get3A_1361] {strides = array<i32>} : memref<25600xi32, #tpu.memory_space<vmem>>, vector<16xi32>,
      %get3A_1363 = vector.shape_cast %get3A_1362 : vector<16xi32> to vector<16xi32>
      %shift_right_arithmetic3A_1364 = arith.constant 8 : i32
      %shift_right_arithmetic3A_1365 = vector.broadcast %shift_right_arithmetic3A_1364 : i32 to vector<16xi32>
      %shift_right_arithmetic3A_1366 = arith.shrsi %get3A_1363, %shift_right_arithmetic3A_1365 : vector<16xi32>
      %mul3A_1367 = arith.constant 200 : i32
      %mul3A_1368 = vector.broadcast %mul3A_1367 : i32 to vector<16xi32>
      %mul3A_1369 = arith.muli %shift_right_arithmetic3A_1366, %mul3A_1368 : vector<16xi32>
      %and3A_1370 = arith.constant 255 : i32
      %and3A_1371 = vector.broadcast %and3A_1370 : i32 to vector<16xi32>
      %and3A_1372 = arith.andi %get3A_1363, %and3A_1371 : vector<16xi32>
      %add3A_1373 = arith.addi %mul3A_1369, %and3A_1372 : vector<16xi32>
      %swap3A_1374 = arith.constant 48 : index
      %swap3A_1375 = tpu.vector_load %arg10[%swap3A_1374] {strides = array<i32>} : memref<64xi32, #tpu.memory_space<vmem>>, vector<16xi32>,
      %swap3A_1376 = vector.shape_cast %swap3A_1375 : vector<16xi32> to vector<16xi32>
      %swap3A_1377 = vector.shape_cast %add3A_1373 : vector<16xi32> to vector<16xi32>
      tpu.vector_store %arg10[%swap3A_1374], %swap3A_1377 {strides = array<i32>} : memref<64xi32, #tpu.memory_space<vmem>>, vector<16xi32>,
      %dma_start3A_1378 = arith.constant 0 : i32
      %dma_start3A_1379 = arith.constant 0 : i32
      %dma_start3A_1380 = tpu.memref_slice %arg2[%dma_start3A_1378, %dma_start3A_1379] : memref<20000x128xf32, #tpu.memory_space<hbm>> -> memref<20000x128xf32, #tpu.memory_space<hbm>>
      tpu.enqueue_indirect_dma source(%dma_start3A_1380 : memref<20000x128xf32, #tpu.memory_space<hbm>>) target(%arg20 : memref<64x128xf32, #tpu.memory_space<vmem>>) offsets(%arg10 : memref<64xi32, #tpu.memory_space<vmem>>) semaphore(%arg30 : memref<!tpu.dma_semaphore, #tpu.memory_space<semaphore_mem>>)
      %add3A_1381 = arith.constant 5 : i32
      %add3A_1382 = arith.addi %add3A_846, %add3A_1381 : i32
      %dma_wait3A_1383 = arith.constant 0 : i32
      %dma_wait3A_1384 = arith.constant 0 : i32
      %dma_wait3A_1385 = tpu.memref_slice %arg2[%dma_wait3A_1383, %dma_wait3A_1384] : memref<20000x128xf32, #tpu.memory_space<hbm>> -> memref<20000x128xf32, #tpu.memory_space<hbm>>
      tpu.wait_indirect_dma semaphore(%arg32 : memref<!tpu.dma_semaphore, #tpu.memory_space<semaphore_mem>>) src(%dma_wait3A_1385 : memref<20000x128xf32, #tpu.memory_space<hbm>>) dst(%arg22 : memref<64x128xf32, #tpu.memory_space<vmem>>)
      %mul3A_1386 = arith.constant 64 : i32
      %mul3A_1387 = arith.muli %add3A_1382, %mul3A_1386 : i32
      %add3A_1388 = arith.addi %mul3A_2, %mul3A_1387 : i32
      %dma_start3A_1389 = arith.constant 0 : i32
      %dma_start3A_1390 = tpu.memref_slice %arg4[%add3A_1388, %dma_start3A_1389] : memref<819200x128xf32, #tpu.memory_space<hbm>> -> memref<64x128xf32, #tpu.memory_space<hbm>>
      %dma_start3A_1391 = arith.constant 0 : i32
      %dma_start3A_1392 = tpu.memref_slice %arg4[%add3A_1388, %dma_start3A_1391] : memref<819200x128xf32, #tpu.memory_space<hbm>> -> memref<64x128xf32, #tpu.memory_space<hbm>>
      tpu.enqueue_dma source(%arg22 : memref<64x128xf32, #tpu.memory_space<vmem>>) target(%dma_start3A_1392 : memref<64x128xf32, #tpu.memory_space<hbm>>) target_semaphore(%arg42 : memref<!tpu.dma_semaphore, #tpu.memory_space<semaphore_mem>>)
      %dma_wait3A_1393 = arith.constant 0 : i32
      %dma_wait3A_1394 = tpu.memref_slice %arg4[%mul3A_2, %dma_wait3A_1393] : memref<819200x128xf32, #tpu.memory_space<hbm>> -> memref<64x128xf32, #tpu.memory_space<hbm>>
      %dma_wait3A_1395 = arith.constant 0 : i32
      %dma_wait3A_1396 = tpu.memref_slice %arg4[%mul3A_2, %dma_wait3A_1395] : memref<819200x128xf32, #tpu.memory_space<hbm>> -> memref<64x128xf32, #tpu.memory_space<hbm>>
      tpu.wait_dma2 semaphore(%arg41 : memref<!tpu.dma_semaphore, #tpu.memory_space<semaphore_mem>>) src(%arg21 : memref<64x128xf32, #tpu.memory_space<vmem>>) dst(%dma_wait3A_1396 : memref<64x128xf32, #tpu.memory_space<hbm>>)
      %add3A_1397 = arith.constant 10 : i32
      %add3A_1398 = arith.addi %add3A_1382, %add3A_1397 : i32
      %sub3A_1399 = arith.constant 1 : i32
      %sub3A_1400 = arith.subi %add3A_1398, %sub3A_1399 : i32
      %mul3A_1401 = arith.constant 64 : i32
      %mul3A_1402 = arith.muli %sub3A_1400, %mul3A_1401 : i32
      %add3A_1403 = arith.constant 0 : i32
      %add3A_1404 = arith.addi %mul3A_1402, %add3A_1403 : i32
      %get3A_1405 = arith.index_cast %add3A_1404 : i32 to index
      %get3A_1406 = tpu.vector_load %arg5[%get3A_1405] {strides = array<i32>} : memref<25600xi32, #tpu.memory_space<vmem>>, vector<16xi32>,
      %get3A_1407 = vector.shape_cast %get3A_1406 : vector<16xi32> to vector<16xi32>
      %shift_right_arithmetic3A_1408 = arith.constant 8 : i32
      %shift_right_arithmetic3A_1409 = vector.broadcast %shift_right_arithmetic3A_1408 : i32 to vector<16xi32>
      %shift_right_arithmetic3A_1410 = arith.shrsi %get3A_1407, %shift_right_arithmetic3A_1409 : vector<16xi32>
      %mul3A_1411 = arith.constant 200 : i32
      %mul3A_1412 = vector.broadcast %mul3A_1411 : i32 to vector<16xi32>
      %mul3A_1413 = arith.muli %shift_right_arithmetic3A_1410, %mul3A_1412 : vector<16xi32>
      %and3A_1414 = arith.constant 255 : i32
      %and3A_1415 = vector.broadcast %and3A_1414 : i32 to vector<16xi32>
      %and3A_1416 = arith.andi %get3A_1407, %and3A_1415 : vector<16xi32>
      %add3A_1417 = arith.addi %mul3A_1413, %and3A_1416 : vector<16xi32>
      %swap3A_1418 = arith.constant 0 : index
      %swap3A_1419 = tpu.vector_load %arg11[%swap3A_1418] {strides = array<i32>} : memref<64xi32, #tpu.memory_space<vmem>>, vector<16xi32>,
      %swap3A_1420 = vector.shape_cast %swap3A_1419 : vector<16xi32> to vector<16xi32>
      %swap3A_1421 = vector.shape_cast %add3A_1417 : vector<16xi32> to vector<16xi32>
      tpu.vector_store %arg11[%swap3A_1418], %swap3A_1421 {strides = array<i32>} : memref<64xi32, #tpu.memory_space<vmem>>, vector<16xi32>,
      %mul3A_1422 = arith.constant 64 : i32
      %mul3A_1423 = arith.muli %sub3A_1400, %mul3A_1422 : i32
      %add3A_1424 = arith.constant 16 : i32
      %add3A_1425 = arith.addi %mul3A_1423, %add3A_1424 : i32
      %get3A_1426 = arith.index_cast %add3A_1425 : i32 to index
      %get3A_1427 = tpu.vector_load %arg5[%get3A_1426] {strides = array<i32>} : memref<25600xi32, #tpu.memory_space<vmem>>, vector<16xi32>,
      %get3A_1428 = vector.shape_cast %get3A_1427 : vector<16xi32> to vector<16xi32>
      %shift_right_arithmetic3A_1429 = arith.constant 8 : i32
      %shift_right_arithmetic3A_1430 = vector.broadcast %shift_right_arithmetic3A_1429 : i32 to vector<16xi32>
      %shift_right_arithmetic3A_1431 = arith.shrsi %get3A_1428, %shift_right_arithmetic3A_1430 : vector<16xi32>
      %mul3A_1432 = arith.constant 200 : i32
      %mul3A_1433 = vector.broadcast %mul3A_1432 : i32 to vector<16xi32>
      %mul3A_1434 = arith.muli %shift_right_arithmetic3A_1431, %mul3A_1433 : vector<16xi32>
      %and3A_1435 = arith.constant 255 : i32
      %and3A_1436 = vector.broadcast %and3A_1435 : i32 to vector<16xi32>
      %and3A_1437 = arith.andi %get3A_1428, %and3A_1436 : vector<16xi32>
      %add3A_1438 = arith.addi %mul3A_1434, %and3A_1437 : vector<16xi32>
      %swap3A_1439 = arith.constant 16 : index
      %swap3A_1440 = tpu.vector_load %arg11[%swap3A_1439] {strides = array<i32>} : memref<64xi32, #tpu.memory_space<vmem>>, vector<16xi32>,
      %swap3A_1441 = vector.shape_cast %swap3A_1440 : vector<16xi32> to vector<16xi32>
      %swap3A_1442 = vector.shape_cast %add3A_1438 : vector<16xi32> to vector<16xi32>
      tpu.vector_store %arg11[%swap3A_1439], %swap3A_1442 {strides = array<i32>} : memref<64xi32, #tpu.memory_space<vmem>>, vector<16xi32>,
      %mul3A_1443 = arith.constant 64 : i32
      %mul3A_1444 = arith.muli %sub3A_1400, %mul3A_1443 : i32
      %add3A_1445 = arith.constant 32 : i32
      %add3A_1446 = arith.addi %mul3A_1444, %add3A_1445 : i32
      %get3A_1447 = arith.index_cast %add3A_1446 : i32 to index
      %get3A_1448 = tpu.vector_load %arg5[%get3A_1447] {strides = array<i32>} : memref<25600xi32, #tpu.memory_space<vmem>>, vector<16xi32>,
      %get3A_1449 = vector.shape_cast %get3A_1448 : vector<16xi32> to vector<16xi32>
      %shift_right_arithmetic3A_1450 = arith.constant 8 : i32
      %shift_right_arithmetic3A_1451 = vector.broadcast %shift_right_arithmetic3A_1450 : i32 to vector<16xi32>
      %shift_right_arithmetic3A_1452 = arith.shrsi %get3A_1449, %shift_right_arithmetic3A_1451 : vector<16xi32>
      %mul3A_1453 = arith.constant 200 : i32
      %mul3A_1454 = vector.broadcast %mul3A_1453 : i32 to vector<16xi32>
      %mul3A_1455 = arith.muli %shift_right_arithmetic3A_1452, %mul3A_1454 : vector<16xi32>
      %and3A_1456 = arith.constant 255 : i32
      %and3A_1457 = vector.broadcast %and3A_1456 : i32 to vector<16xi32>
      %and3A_1458 = arith.andi %get3A_1449, %and3A_1457 : vector<16xi32>
      %add3A_1459 = arith.addi %mul3A_1455, %and3A_1458 : vector<16xi32>
      %swap3A_1460 = arith.constant 32 : index
      %swap3A_1461 = tpu.vector_load %arg11[%swap3A_1460] {strides = array<i32>} : memref<64xi32, #tpu.memory_space<vmem>>, vector<16xi32>,
      %swap3A_1462 = vector.shape_cast %swap3A_1461 : vector<16xi32> to vector<16xi32>
      %swap3A_1463 = vector.shape_cast %add3A_1459 : vector<16xi32> to vector<16xi32>
      tpu.vector_store %arg11[%swap3A_1460], %swap3A_1463 {strides = array<i32>} : memref<64xi32, #tpu.memory_space<vmem>>, vector<16xi32>,
      %mul3A_1464 = arith.constant 64 : i32
      %mul3A_1465 = arith.muli %sub3A_1400, %mul3A_1464 : i32
      %add3A_1466 = arith.constant 48 : i32
      %add3A_1467 = arith.addi %mul3A_1465, %add3A_1466 : i32
      %get3A_1468 = arith.index_cast %add3A_1467 : i32 to index
      %get3A_1469 = tpu.vector_load %arg5[%get3A_1468] {strides = array<i32>} : memref<25600xi32, #tpu.memory_space<vmem>>, vector<16xi32>,
      %get3A_1470 = vector.shape_cast %get3A_1469 : vector<16xi32> to vector<16xi32>
      %shift_right_arithmetic3A_1471 = arith.constant 8 : i32
      %shift_right_arithmetic3A_1472 = vector.broadcast %shift_right_arithmetic3A_1471 : i32 to vector<16xi32>
      %shift_right_arithmetic3A_1473 = arith.shrsi %get3A_1470, %shift_right_arithmetic3A_1472 : vector<16xi32>
      %mul3A_1474 = arith.constant 200 : i32
      %mul3A_1475 = vector.broadcast %mul3A_1474 : i32 to vector<16xi32>
      %mul3A_1476 = arith.muli %shift_right_arithmetic3A_1473, %mul3A_1475 : vector<16xi32>
      %and3A_1477 = arith.constant 255 : i32
      %and3A_1478 = vector.broadcast %and3A_1477 : i32 to vector<16xi32>
      %and3A_1479 = arith.andi %get3A_1470, %and3A_1478 : vector<16xi32>
      %add3A_1480 = arith.addi %mul3A_1476, %and3A_1479 : vector<16xi32>
      %swap3A_1481 = arith.constant 48 : index
      %swap3A_1482 = tpu.vector_load %arg11[%swap3A_1481] {strides = array<i32>} : memref<64xi32, #tpu.memory_space<vmem>>, vector<16xi32>,
      %swap3A_1483 = vector.shape_cast %swap3A_1482 : vector<16xi32> to vector<16xi32>
      %swap3A_1484 = vector.shape_cast %add3A_1480 : vector<16xi32> to vector<16xi32>
      tpu.vector_store %arg11[%swap3A_1481], %swap3A_1484 {strides = array<i32>} : memref<64xi32, #tpu.memory_space<vmem>>, vector<16xi32>,
      %dma_start3A_1485 = arith.constant 0 : i32
      %dma_start3A_1486 = arith.constant 0 : i32
      %dma_start3A_1487 = tpu.memref_slice %arg2[%dma_start3A_1485, %dma_start3A_1486] : memref<20000x128xf32, #tpu.memory_space<hbm>> -> memref<20000x128xf32, #tpu.memory_space<hbm>>
      tpu.enqueue_indirect_dma source(%dma_start3A_1487 : memref<20000x128xf32, #tpu.memory_space<hbm>>) target(%arg21 : memref<64x128xf32, #tpu.memory_space<vmem>>) offsets(%arg11 : memref<64xi32, #tpu.memory_space<vmem>>) semaphore(%arg31 : memref<!tpu.dma_semaphore, #tpu.memory_space<semaphore_mem>>)
      %add3A_1488 = arith.constant 6 : i32
      %add3A_1489 = arith.addi %add3A_846, %add3A_1488 : i32
      %dma_wait3A_1490 = arith.constant 0 : i32
      %dma_wait3A_1491 = arith.constant 0 : i32
      %dma_wait3A_1492 = tpu.memref_slice %arg2[%dma_wait3A_1490, %dma_wait3A_1491] : memref<20000x128xf32, #tpu.memory_space<hbm>> -> memref<20000x128xf32, #tpu.memory_space<hbm>>
      tpu.wait_indirect_dma semaphore(%arg33 : memref<!tpu.dma_semaphore, #tpu.memory_space<semaphore_mem>>) src(%dma_wait3A_1492 : memref<20000x128xf32, #tpu.memory_space<hbm>>) dst(%arg23 : memref<64x128xf32, #tpu.memory_space<vmem>>)
      %mul3A_1493 = arith.constant 64 : i32
      %mul3A_1494 = arith.muli %add3A_1489, %mul3A_1493 : i32
      %add3A_1495 = arith.addi %mul3A_2, %mul3A_1494 : i32
      %dma_start3A_1496 = arith.constant 0 : i32
      %dma_start3A_1497 = tpu.memref_slice %arg4[%add3A_1495, %dma_start3A_1496] : memref<819200x128xf32, #tpu.memory_space<hbm>> -> memref<64x128xf32, #tpu.memory_space<hbm>>
      %dma_start3A_1498 = arith.constant 0 : i32
      %dma_start3A_1499 = tpu.memref_slice %arg4[%add3A_1495, %dma_start3A_1498] : memref<819200x128xf32, #tpu.memory_space<hbm>> -> memref<64x128xf32, #tpu.memory_space<hbm>>
      tpu.enqueue_dma source(%arg23 : memref<64x128xf32, #tpu.memory_space<vmem>>) target(%dma_start3A_1499 : memref<64x128xf32, #tpu.memory_space<hbm>>) target_semaphore(%arg43 : memref<!tpu.dma_semaphore, #tpu.memory_space<semaphore_mem>>)
      %dma_wait3A_1500 = arith.constant 0 : i32
      %dma_wait3A_1501 = tpu.memref_slice %arg4[%mul3A_2, %dma_wait3A_1500] : memref<819200x128xf32, #tpu.memory_space<hbm>> -> memref<64x128xf32, #tpu.memory_space<hbm>>
      %dma_wait3A_1502 = arith.constant 0 : i32
      %dma_wait3A_1503 = tpu.memref_slice %arg4[%mul3A_2, %dma_wait3A_1502] : memref<819200x128xf32, #tpu.memory_space<hbm>> -> memref<64x128xf32, #tpu.memory_space<hbm>>
      tpu.wait_dma2 semaphore(%arg42 : memref<!tpu.dma_semaphore, #tpu.memory_space<semaphore_mem>>) src(%arg22 : memref<64x128xf32, #tpu.memory_space<vmem>>) dst(%dma_wait3A_1503 : memref<64x128xf32, #tpu.memory_space<hbm>>)
      %add3A_1504 = arith.constant 10 : i32
      %add3A_1505 = arith.addi %add3A_1489, %add3A_1504 : i32
      %sub3A_1506 = arith.constant 1 : i32
      %sub3A_1507 = arith.subi %add3A_1505, %sub3A_1506 : i32
      %mul3A_1508 = arith.constant 64 : i32
      %mul3A_1509 = arith.muli %sub3A_1507, %mul3A_1508 : i32
      %add3A_1510 = arith.constant 0 : i32
      %add3A_1511 = arith.addi %mul3A_1509, %add3A_1510 : i32
      %get3A_1512 = arith.index_cast %add3A_1511 : i32 to index
      %get3A_1513 = tpu.vector_load %arg5[%get3A_1512] {strides = array<i32>} : memref<25600xi32, #tpu.memory_space<vmem>>, vector<16xi32>,
      %get3A_1514 = vector.shape_cast %get3A_1513 : vector<16xi32> to vector<16xi32>
      %shift_right_arithmetic3A_1515 = arith.constant 8 : i32
      %shift_right_arithmetic3A_1516 = vector.broadcast %shift_right_arithmetic3A_1515 : i32 to vector<16xi32>
      %shift_right_arithmetic3A_1517 = arith.shrsi %get3A_1514, %shift_right_arithmetic3A_1516 : vector<16xi32>
      %mul3A_1518 = arith.constant 200 : i32
      %mul3A_1519 = vector.broadcast %mul3A_1518 : i32 to vector<16xi32>
      %mul3A_1520 = arith.muli %shift_right_arithmetic3A_1517, %mul3A_1519 : vector<16xi32>
      %and3A_1521 = arith.constant 255 : i32
      %and3A_1522 = vector.broadcast %and3A_1521 : i32 to vector<16xi32>
      %and3A_1523 = arith.andi %get3A_1514, %and3A_1522 : vector<16xi32>
      %add3A_1524 = arith.addi %mul3A_1520, %and3A_1523 : vector<16xi32>
      %swap3A_1525 = arith.constant 0 : index
      %swap3A_1526 = tpu.vector_load %arg12[%swap3A_1525] {strides = array<i32>} : memref<64xi32, #tpu.memory_space<vmem>>, vector<16xi32>,
      %swap3A_1527 = vector.shape_cast %swap3A_1526 : vector<16xi32> to vector<16xi32>
      %swap3A_1528 = vector.shape_cast %add3A_1524 : vector<16xi32> to vector<16xi32>
      tpu.vector_store %arg12[%swap3A_1525], %swap3A_1528 {strides = array<i32>} : memref<64xi32, #tpu.memory_space<vmem>>, vector<16xi32>,
      %mul3A_1529 = arith.constant 64 : i32
      %mul3A_1530 = arith.muli %sub3A_1507, %mul3A_1529 : i32
      %add3A_1531 = arith.constant 16 : i32
      %add3A_1532 = arith.addi %mul3A_1530, %add3A_1531 : i32
      %get3A_1533 = arith.index_cast %add3A_1532 : i32 to index
      %get3A_1534 = tpu.vector_load %arg5[%get3A_1533] {strides = array<i32>} : memref<25600xi32, #tpu.memory_space<vmem>>, vector<16xi32>,
      %get3A_1535 = vector.shape_cast %get3A_1534 : vector<16xi32> to vector<16xi32>
      %shift_right_arithmetic3A_1536 = arith.constant 8 : i32
      %shift_right_arithmetic3A_1537 = vector.broadcast %shift_right_arithmetic3A_1536 : i32 to vector<16xi32>
      %shift_right_arithmetic3A_1538 = arith.shrsi %get3A_1535, %shift_right_arithmetic3A_1537 : vector<16xi32>
      %mul3A_1539 = arith.constant 200 : i32
      %mul3A_1540 = vector.broadcast %mul3A_1539 : i32 to vector<16xi32>
      %mul3A_1541 = arith.muli %shift_right_arithmetic3A_1538, %mul3A_1540 : vector<16xi32>
      %and3A_1542 = arith.constant 255 : i32
      %and3A_1543 = vector.broadcast %and3A_1542 : i32 to vector<16xi32>
      %and3A_1544 = arith.andi %get3A_1535, %and3A_1543 : vector<16xi32>
      %add3A_1545 = arith.addi %mul3A_1541, %and3A_1544 : vector<16xi32>
      %swap3A_1546 = arith.constant 16 : index
      %swap3A_1547 = tpu.vector_load %arg12[%swap3A_1546] {strides = array<i32>} : memref<64xi32, #tpu.memory_space<vmem>>, vector<16xi32>,
      %swap3A_1548 = vector.shape_cast %swap3A_1547 : vector<16xi32> to vector<16xi32>
      %swap3A_1549 = vector.shape_cast %add3A_1545 : vector<16xi32> to vector<16xi32>
      tpu.vector_store %arg12[%swap3A_1546], %swap3A_1549 {strides = array<i32>} : memref<64xi32, #tpu.memory_space<vmem>>, vector<16xi32>,
      %mul3A_1550 = arith.constant 64 : i32
      %mul3A_1551 = arith.muli %sub3A_1507, %mul3A_1550 : i32
      %add3A_1552 = arith.constant 32 : i32
      %add3A_1553 = arith.addi %mul3A_1551, %add3A_1552 : i32
      %get3A_1554 = arith.index_cast %add3A_1553 : i32 to index
      %get3A_1555 = tpu.vector_load %arg5[%get3A_1554] {strides = array<i32>} : memref<25600xi32, #tpu.memory_space<vmem>>, vector<16xi32>,
      %get3A_1556 = vector.shape_cast %get3A_1555 : vector<16xi32> to vector<16xi32>
      %shift_right_arithmetic3A_1557 = arith.constant 8 : i32
      %shift_right_arithmetic3A_1558 = vector.broadcast %shift_right_arithmetic3A_1557 : i32 to vector<16xi32>
      %shift_right_arithmetic3A_1559 = arith.shrsi %get3A_1556, %shift_right_arithmetic3A_1558 : vector<16xi32>
      %mul3A_1560 = arith.constant 200 : i32
      %mul3A_1561 = vector.broadcast %mul3A_1560 : i32 to vector<16xi32>
      %mul3A_1562 = arith.muli %shift_right_arithmetic3A_1559, %mul3A_1561 : vector<16xi32>
      %and3A_1563 = arith.constant 255 : i32
      %and3A_1564 = vector.broadcast %and3A_1563 : i32 to vector<16xi32>
      %and3A_1565 = arith.andi %get3A_1556, %and3A_1564 : vector<16xi32>
      %add3A_1566 = arith.addi %mul3A_1562, %and3A_1565 : vector<16xi32>
      %swap3A_1567 = arith.constant 32 : index
      %swap3A_1568 = tpu.vector_load %arg12[%swap3A_1567] {strides = array<i32>} : memref<64xi32, #tpu.memory_space<vmem>>, vector<16xi32>,
      %swap3A_1569 = vector.shape_cast %swap3A_1568 : vector<16xi32> to vector<16xi32>
      %swap3A_1570 = vector.shape_cast %add3A_1566 : vector<16xi32> to vector<16xi32>
      tpu.vector_store %arg12[%swap3A_1567], %swap3A_1570 {strides = array<i32>} : memref<64xi32, #tpu.memory_space<vmem>>, vector<16xi32>,
      %mul3A_1571 = arith.constant 64 : i32
      %mul3A_1572 = arith.muli %sub3A_1507, %mul3A_1571 : i32
      %add3A_1573 = arith.constant 48 : i32
      %add3A_1574 = arith.addi %mul3A_1572, %add3A_1573 : i32
      %get3A_1575 = arith.index_cast %add3A_1574 : i32 to index
      %get3A_1576 = tpu.vector_load %arg5[%get3A_1575] {strides = array<i32>} : memref<25600xi32, #tpu.memory_space<vmem>>, vector<16xi32>,
      %get3A_1577 = vector.shape_cast %get3A_1576 : vector<16xi32> to vector<16xi32>
      %shift_right_arithmetic3A_1578 = arith.constant 8 : i32
      %shift_right_arithmetic3A_1579 = vector.broadcast %shift_right_arithmetic3A_1578 : i32 to vector<16xi32>
      %shift_right_arithmetic3A_1580 = arith.shrsi %get3A_1577, %shift_right_arithmetic3A_1579 : vector<16xi32>
      %mul3A_1581 = arith.constant 200 : i32
      %mul3A_1582 = vector.broadcast %mul3A_1581 : i32 to vector<16xi32>
      %mul3A_1583 = arith.muli %shift_right_arithmetic3A_1580, %mul3A_1582 : vector<16xi32>
      %and3A_1584 = arith.constant 255 : i32
      %and3A_1585 = vector.broadcast %and3A_1584 : i32 to vector<16xi32>
      %and3A_1586 = arith.andi %get3A_1577, %and3A_1585 : vector<16xi32>
      %add3A_1587 = arith.addi %mul3A_1583, %and3A_1586 : vector<16xi32>
      %swap3A_1588 = arith.constant 48 : index
      %swap3A_1589 = tpu.vector_load %arg12[%swap3A_1588] {strides = array<i32>} : memref<64xi32, #tpu.memory_space<vmem>>, vector<16xi32>,
      %swap3A_1590 = vector.shape_cast %swap3A_1589 : vector<16xi32> to vector<16xi32>
      %swap3A_1591 = vector.shape_cast %add3A_1587 : vector<16xi32> to vector<16xi32>
      tpu.vector_store %arg12[%swap3A_1588], %swap3A_1591 {strides = array<i32>} : memref<64xi32, #tpu.memory_space<vmem>>, vector<16xi32>,
      %dma_start3A_1592 = arith.constant 0 : i32
      %dma_start3A_1593 = arith.constant 0 : i32
      %dma_start3A_1594 = tpu.memref_slice %arg2[%dma_start3A_1592, %dma_start3A_1593] : memref<20000x128xf32, #tpu.memory_space<hbm>> -> memref<20000x128xf32, #tpu.memory_space<hbm>>
      tpu.enqueue_indirect_dma source(%dma_start3A_1594 : memref<20000x128xf32, #tpu.memory_space<hbm>>) target(%arg22 : memref<64x128xf32, #tpu.memory_space<vmem>>) offsets(%arg12 : memref<64xi32, #tpu.memory_space<vmem>>) semaphore(%arg32 : memref<!tpu.dma_semaphore, #tpu.memory_space<semaphore_mem>>)
      %add3A_1595 = arith.constant 7 : i32
      %add3A_1596 = arith.addi %add3A_846, %add3A_1595 : i32
      %dma_wait3A_1597 = arith.constant 0 : i32
      %dma_wait3A_1598 = arith.constant 0 : i32
      %dma_wait3A_1599 = tpu.memref_slice %arg2[%dma_wait3A_1597, %dma_wait3A_1598] : memref<20000x128xf32, #tpu.memory_space<hbm>> -> memref<20000x128xf32, #tpu.memory_space<hbm>>
      tpu.wait_indirect_dma semaphore(%arg34 : memref<!tpu.dma_semaphore, #tpu.memory_space<semaphore_mem>>) src(%dma_wait3A_1599 : memref<20000x128xf32, #tpu.memory_space<hbm>>) dst(%arg24 : memref<64x128xf32, #tpu.memory_space<vmem>>)
      %mul3A_1600 = arith.constant 64 : i32
      %mul3A_1601 = arith.muli %add3A_1596, %mul3A_1600 : i32
      %add3A_1602 = arith.addi %mul3A_2, %mul3A_1601 : i32
      %dma_start3A_1603 = arith.constant 0 : i32
      %dma_start3A_1604 = tpu.memref_slice %arg4[%add3A_1602, %dma_start3A_1603] : memref<819200x128xf32, #tpu.memory_space<hbm>> -> memref<64x128xf32, #tpu.memory_space<hbm>>
      %dma_start3A_1605 = arith.constant 0 : i32
      %dma_start3A_1606 = tpu.memref_slice %arg4[%add3A_1602, %dma_start3A_1605] : memref<819200x128xf32, #tpu.memory_space<hbm>> -> memref<64x128xf32, #tpu.memory_space<hbm>>
      tpu.enqueue_dma source(%arg24 : memref<64x128xf32, #tpu.memory_space<vmem>>) target(%dma_start3A_1606 : memref<64x128xf32, #tpu.memory_space<hbm>>) target_semaphore(%arg44 : memref<!tpu.dma_semaphore, #tpu.memory_space<semaphore_mem>>)
      %dma_wait3A_1607 = arith.constant 0 : i32
      %dma_wait3A_1608 = tpu.memref_slice %arg4[%mul3A_2, %dma_wait3A_1607] : memref<819200x128xf32, #tpu.memory_space<hbm>> -> memref<64x128xf32, #tpu.memory_space<hbm>>
      %dma_wait3A_1609 = arith.constant 0 : i32
      %dma_wait3A_1610 = tpu.memref_slice %arg4[%mul3A_2, %dma_wait3A_1609] : memref<819200x128xf32, #tpu.memory_space<hbm>> -> memref<64x128xf32, #tpu.memory_space<hbm>>
      tpu.wait_dma2 semaphore(%arg43 : memref<!tpu.dma_semaphore, #tpu.memory_space<semaphore_mem>>) src(%arg23 : memref<64x128xf32, #tpu.memory_space<vmem>>) dst(%dma_wait3A_1610 : memref<64x128xf32, #tpu.memory_space<hbm>>)
      %add3A_1611 = arith.constant 10 : i32
      %add3A_1612 = arith.addi %add3A_1596, %add3A_1611 : i32
      %sub3A_1613 = arith.constant 1 : i32
      %sub3A_1614 = arith.subi %add3A_1612, %sub3A_1613 : i32
      %mul3A_1615 = arith.constant 64 : i32
      %mul3A_1616 = arith.muli %sub3A_1614, %mul3A_1615 : i32
      %add3A_1617 = arith.constant 0 : i32
      %add3A_1618 = arith.addi %mul3A_1616, %add3A_1617 : i32
      %get3A_1619 = arith.index_cast %add3A_1618 : i32 to index
      %get3A_1620 = tpu.vector_load %arg5[%get3A_1619] {strides = array<i32>} : memref<25600xi32, #tpu.memory_space<vmem>>, vector<16xi32>,
      %get3A_1621 = vector.shape_cast %get3A_1620 : vector<16xi32> to vector<16xi32>
      %shift_right_arithmetic3A_1622 = arith.constant 8 : i32
      %shift_right_arithmetic3A_1623 = vector.broadcast %shift_right_arithmetic3A_1622 : i32 to vector<16xi32>
      %shift_right_arithmetic3A_1624 = arith.shrsi %get3A_1621, %shift_right_arithmetic3A_1623 : vector<16xi32>
      %mul3A_1625 = arith.constant 200 : i32
      %mul3A_1626 = vector.broadcast %mul3A_1625 : i32 to vector<16xi32>
      %mul3A_1627 = arith.muli %shift_right_arithmetic3A_1624, %mul3A_1626 : vector<16xi32>
      %and3A_1628 = arith.constant 255 : i32
      %and3A_1629 = vector.broadcast %and3A_1628 : i32 to vector<16xi32>
      %and3A_1630 = arith.andi %get3A_1621, %and3A_1629 : vector<16xi32>
      %add3A_1631 = arith.addi %mul3A_1627, %and3A_1630 : vector<16xi32>
      %swap3A_1632 = arith.constant 0 : index
      %swap3A_1633 = tpu.vector_load %arg13[%swap3A_1632] {strides = array<i32>} : memref<64xi32, #tpu.memory_space<vmem>>, vector<16xi32>,
      %swap3A_1634 = vector.shape_cast %swap3A_1633 : vector<16xi32> to vector<16xi32>
      %swap3A_1635 = vector.shape_cast %add3A_1631 : vector<16xi32> to vector<16xi32>
      tpu.vector_store %arg13[%swap3A_1632], %swap3A_1635 {strides = array<i32>} : memref<64xi32, #tpu.memory_space<vmem>>, vector<16xi32>,
      %mul3A_1636 = arith.constant 64 : i32
      %mul3A_1637 = arith.muli %sub3A_1614, %mul3A_1636 : i32
      %add3A_1638 = arith.constant 16 : i32
      %add3A_1639 = arith.addi %mul3A_1637, %add3A_1638 : i32
      %get3A_1640 = arith.index_cast %add3A_1639 : i32 to index
      %get3A_1641 = tpu.vector_load %arg5[%get3A_1640] {strides = array<i32>} : memref<25600xi32, #tpu.memory_space<vmem>>, vector<16xi32>,
      %get3A_1642 = vector.shape_cast %get3A_1641 : vector<16xi32> to vector<16xi32>
      %shift_right_arithmetic3A_1643 = arith.constant 8 : i32
      %shift_right_arithmetic3A_1644 = vector.broadcast %shift_right_arithmetic3A_1643 : i32 to vector<16xi32>
      %shift_right_arithmetic3A_1645 = arith.shrsi %get3A_1642, %shift_right_arithmetic3A_1644 : vector<16xi32>
      %mul3A_1646 = arith.constant 200 : i32
      %mul3A_1647 = vector.broadcast %mul3A_1646 : i32 to vector<16xi32>
      %mul3A_1648 = arith.muli %shift_right_arithmetic3A_1645, %mul3A_1647 : vector<16xi32>
      %and3A_1649 = arith.constant 255 : i32
      %and3A_1650 = vector.broadcast %and3A_1649 : i32 to vector<16xi32>
      %and3A_1651 = arith.andi %get3A_1642, %and3A_1650 : vector<16xi32>
      %add3A_1652 = arith.addi %mul3A_1648, %and3A_1651 : vector<16xi32>
      %swap3A_1653 = arith.constant 16 : index
      %swap3A_1654 = tpu.vector_load %arg13[%swap3A_1653] {strides = array<i32>} : memref<64xi32, #tpu.memory_space<vmem>>, vector<16xi32>,
      %swap3A_1655 = vector.shape_cast %swap3A_1654 : vector<16xi32> to vector<16xi32>
      %swap3A_1656 = vector.shape_cast %add3A_1652 : vector<16xi32> to vector<16xi32>
      tpu.vector_store %arg13[%swap3A_1653], %swap3A_1656 {strides = array<i32>} : memref<64xi32, #tpu.memory_space<vmem>>, vector<16xi32>,
      %mul3A_1657 = arith.constant 64 : i32
      %mul3A_1658 = arith.muli %sub3A_1614, %mul3A_1657 : i32
      %add3A_1659 = arith.constant 32 : i32
      %add3A_1660 = arith.addi %mul3A_1658, %add3A_1659 : i32
      %get3A_1661 = arith.index_cast %add3A_1660 : i32 to index
      %get3A_1662 = tpu.vector_load %arg5[%get3A_1661] {strides = array<i32>} : memref<25600xi32, #tpu.memory_space<vmem>>, vector<16xi32>,
      %get3A_1663 = vector.shape_cast %get3A_1662 : vector<16xi32> to vector<16xi32>
      %shift_right_arithmetic3A_1664 = arith.constant 8 : i32
      %shift_right_arithmetic3A_1665 = vector.broadcast %shift_right_arithmetic3A_1664 : i32 to vector<16xi32>
      %shift_right_arithmetic3A_1666 = arith.shrsi %get3A_1663, %shift_right_arithmetic3A_1665 : vector<16xi32>
      %mul3A_1667 = arith.constant 200 : i32
      %mul3A_1668 = vector.broadcast %mul3A_1667 : i32 to vector<16xi32>
      %mul3A_1669 = arith.muli %shift_right_arithmetic3A_1666, %mul3A_1668 : vector<16xi32>
      %and3A_1670 = arith.constant 255 : i32
      %and3A_1671 = vector.broadcast %and3A_1670 : i32 to vector<16xi32>
      %and3A_1672 = arith.andi %get3A_1663, %and3A_1671 : vector<16xi32>
      %add3A_1673 = arith.addi %mul3A_1669, %and3A_1672 : vector<16xi32>
      %swap3A_1674 = arith.constant 32 : index
      %swap3A_1675 = tpu.vector_load %arg13[%swap3A_1674] {strides = array<i32>} : memref<64xi32, #tpu.memory_space<vmem>>, vector<16xi32>,
      %swap3A_1676 = vector.shape_cast %swap3A_1675 : vector<16xi32> to vector<16xi32>
      %swap3A_1677 = vector.shape_cast %add3A_1673 : vector<16xi32> to vector<16xi32>
      tpu.vector_store %arg13[%swap3A_1674], %swap3A_1677 {strides = array<i32>} : memref<64xi32, #tpu.memory_space<vmem>>, vector<16xi32>,
      %mul3A_1678 = arith.constant 64 : i32
      %mul3A_1679 = arith.muli %sub3A_1614, %mul3A_1678 : i32
      %add3A_1680 = arith.constant 48 : i32
      %add3A_1681 = arith.addi %mul3A_1679, %add3A_1680 : i32
      %get3A_1682 = arith.index_cast %add3A_1681 : i32 to index
      %get3A_1683 = tpu.vector_load %arg5[%get3A_1682] {strides = array<i32>} : memref<25600xi32, #tpu.memory_space<vmem>>, vector<16xi32>,
      %get3A_1684 = vector.shape_cast %get3A_1683 : vector<16xi32> to vector<16xi32>
      %shift_right_arithmetic3A_1685 = arith.constant 8 : i32
      %shift_right_arithmetic3A_1686 = vector.broadcast %shift_right_arithmetic3A_1685 : i32 to vector<16xi32>
      %shift_right_arithmetic3A_1687 = arith.shrsi %get3A_1684, %shift_right_arithmetic3A_1686 : vector<16xi32>
      %mul3A_1688 = arith.constant 200 : i32
      %mul3A_1689 = vector.broadcast %mul3A_1688 : i32 to vector<16xi32>
      %mul3A_1690 = arith.muli %shift_right_arithmetic3A_1687, %mul3A_1689 : vector<16xi32>
      %and3A_1691 = arith.constant 255 : i32
      %and3A_1692 = vector.broadcast %and3A_1691 : i32 to vector<16xi32>
      %and3A_1693 = arith.andi %get3A_1684, %and3A_1692 : vector<16xi32>
      %add3A_1694 = arith.addi %mul3A_1690, %and3A_1693 : vector<16xi32>
      %swap3A_1695 = arith.constant 48 : index
      %swap3A_1696 = tpu.vector_load %arg13[%swap3A_1695] {strides = array<i32>} : memref<64xi32, #tpu.memory_space<vmem>>, vector<16xi32>,
      %swap3A_1697 = vector.shape_cast %swap3A_1696 : vector<16xi32> to vector<16xi32>
      %swap3A_1698 = vector.shape_cast %add3A_1694 : vector<16xi32> to vector<16xi32>
      tpu.vector_store %arg13[%swap3A_1695], %swap3A_1698 {strides = array<i32>} : memref<64xi32, #tpu.memory_space<vmem>>, vector<16xi32>,
      %dma_start3A_1699 = arith.constant 0 : i32
      %dma_start3A_1700 = arith.constant 0 : i32
      %dma_start3A_1701 = tpu.memref_slice %arg2[%dma_start3A_1699, %dma_start3A_1700] : memref<20000x128xf32, #tpu.memory_space<hbm>> -> memref<20000x128xf32, #tpu.memory_space<hbm>>
      tpu.enqueue_indirect_dma source(%dma_start3A_1701 : memref<20000x128xf32, #tpu.memory_space<hbm>>) target(%arg23 : memref<64x128xf32, #tpu.memory_space<vmem>>) offsets(%arg13 : memref<64xi32, #tpu.memory_space<vmem>>) semaphore(%arg33 : memref<!tpu.dma_semaphore, #tpu.memory_space<semaphore_mem>>)
      %add3A_1702 = arith.constant 8 : i32
      %add3A_1703 = arith.addi %add3A_846, %add3A_1702 : i32
      %dma_wait3A_1704 = arith.constant 0 : i32
      %dma_wait3A_1705 = arith.constant 0 : i32
      %dma_wait3A_1706 = tpu.memref_slice %arg2[%dma_wait3A_1704, %dma_wait3A_1705] : memref<20000x128xf32, #tpu.memory_space<hbm>> -> memref<20000x128xf32, #tpu.memory_space<hbm>>
      tpu.wait_indirect_dma semaphore(%arg35 : memref<!tpu.dma_semaphore, #tpu.memory_space<semaphore_mem>>) src(%dma_wait3A_1706 : memref<20000x128xf32, #tpu.memory_space<hbm>>) dst(%arg25 : memref<64x128xf32, #tpu.memory_space<vmem>>)
      %mul3A_1707 = arith.constant 64 : i32
      %mul3A_1708 = arith.muli %add3A_1703, %mul3A_1707 : i32
      %add3A_1709 = arith.addi %mul3A_2, %mul3A_1708 : i32
      %dma_start3A_1710 = arith.constant 0 : i32
      %dma_start3A_1711 = tpu.memref_slice %arg4[%add3A_1709, %dma_start3A_1710] : memref<819200x128xf32, #tpu.memory_space<hbm>> -> memref<64x128xf32, #tpu.memory_space<hbm>>
      %dma_start3A_1712 = arith.constant 0 : i32
      %dma_start3A_1713 = tpu.memref_slice %arg4[%add3A_1709, %dma_start3A_1712] : memref<819200x128xf32, #tpu.memory_space<hbm>> -> memref<64x128xf32, #tpu.memory_space<hbm>>
      tpu.enqueue_dma source(%arg25 : memref<64x128xf32, #tpu.memory_space<vmem>>) target(%dma_start3A_1713 : memref<64x128xf32, #tpu.memory_space<hbm>>) target_semaphore(%arg45 : memref<!tpu.dma_semaphore, #tpu.memory_space<semaphore_mem>>)
      %dma_wait3A_1714 = arith.constant 0 : i32
      %dma_wait3A_1715 = tpu.memref_slice %arg4[%mul3A_2, %dma_wait3A_1714] : memref<819200x128xf32, #tpu.memory_space<hbm>> -> memref<64x128xf32, #tpu.memory_space<hbm>>
      %dma_wait3A_1716 = arith.constant 0 : i32
      %dma_wait3A_1717 = tpu.memref_slice %arg4[%mul3A_2, %dma_wait3A_1716] : memref<819200x128xf32, #tpu.memory_space<hbm>> -> memref<64x128xf32, #tpu.memory_space<hbm>>
      tpu.wait_dma2 semaphore(%arg44 : memref<!tpu.dma_semaphore, #tpu.memory_space<semaphore_mem>>) src(%arg24 : memref<64x128xf32, #tpu.memory_space<vmem>>) dst(%dma_wait3A_1717 : memref<64x128xf32, #tpu.memory_space<hbm>>)
      %add3A_1718 = arith.constant 10 : i32
      %add3A_1719 = arith.addi %add3A_1703, %add3A_1718 : i32
      %sub3A_1720 = arith.constant 1 : i32
      %sub3A_1721 = arith.subi %add3A_1719, %sub3A_1720 : i32
      %mul3A_1722 = arith.constant 64 : i32
      %mul3A_1723 = arith.muli %sub3A_1721, %mul3A_1722 : i32
      %add3A_1724 = arith.constant 0 : i32
      %add3A_1725 = arith.addi %mul3A_1723, %add3A_1724 : i32
      %get3A_1726 = arith.index_cast %add3A_1725 : i32 to index
      %get3A_1727 = tpu.vector_load %arg5[%get3A_1726] {strides = array<i32>} : memref<25600xi32, #tpu.memory_space<vmem>>, vector<16xi32>,
      %get3A_1728 = vector.shape_cast %get3A_1727 : vector<16xi32> to vector<16xi32>
      %shift_right_arithmetic3A_1729 = arith.constant 8 : i32
      %shift_right_arithmetic3A_1730 = vector.broadcast %shift_right_arithmetic3A_1729 : i32 to vector<16xi32>
      %shift_right_arithmetic3A_1731 = arith.shrsi %get3A_1728, %shift_right_arithmetic3A_1730 : vector<16xi32>
      %mul3A_1732 = arith.constant 200 : i32
      %mul3A_1733 = vector.broadcast %mul3A_1732 : i32 to vector<16xi32>
      %mul3A_1734 = arith.muli %shift_right_arithmetic3A_1731, %mul3A_1733 : vector<16xi32>
      %and3A_1735 = arith.constant 255 : i32
      %and3A_1736 = vector.broadcast %and3A_1735 : i32 to vector<16xi32>
      %and3A_1737 = arith.andi %get3A_1728, %and3A_1736 : vector<16xi32>
      %add3A_1738 = arith.addi %mul3A_1734, %and3A_1737 : vector<16xi32>
      %swap3A_1739 = arith.constant 0 : index
      %swap3A_1740 = tpu.vector_load %arg14[%swap3A_1739] {strides = array<i32>} : memref<64xi32, #tpu.memory_space<vmem>>, vector<16xi32>,
      %swap3A_1741 = vector.shape_cast %swap3A_1740 : vector<16xi32> to vector<16xi32>
      %swap3A_1742 = vector.shape_cast %add3A_1738 : vector<16xi32> to vector<16xi32>
      tpu.vector_store %arg14[%swap3A_1739], %swap3A_1742 {strides = array<i32>} : memref<64xi32, #tpu.memory_space<vmem>>, vector<16xi32>,
      %mul3A_1743 = arith.constant 64 : i32
      %mul3A_1744 = arith.muli %sub3A_1721, %mul3A_1743 : i32
      %add3A_1745 = arith.constant 16 : i32
      %add3A_1746 = arith.addi %mul3A_1744, %add3A_1745 : i32
      %get3A_1747 = arith.index_cast %add3A_1746 : i32 to index
      %get3A_1748 = tpu.vector_load %arg5[%get3A_1747] {strides = array<i32>} : memref<25600xi32, #tpu.memory_space<vmem>>, vector<16xi32>,
      %get3A_1749 = vector.shape_cast %get3A_1748 : vector<16xi32> to vector<16xi32>
      %shift_right_arithmetic3A_1750 = arith.constant 8 : i32
      %shift_right_arithmetic3A_1751 = vector.broadcast %shift_right_arithmetic3A_1750 : i32 to vector<16xi32>
      %shift_right_arithmetic3A_1752 = arith.shrsi %get3A_1749, %shift_right_arithmetic3A_1751 : vector<16xi32>
      %mul3A_1753 = arith.constant 200 : i32
      %mul3A_1754 = vector.broadcast %mul3A_1753 : i32 to vector<16xi32>
      %mul3A_1755 = arith.muli %shift_right_arithmetic3A_1752, %mul3A_1754 : vector<16xi32>
      %and3A_1756 = arith.constant 255 : i32
      %and3A_1757 = vector.broadcast %and3A_1756 : i32 to vector<16xi32>
      %and3A_1758 = arith.andi %get3A_1749, %and3A_1757 : vector<16xi32>
      %add3A_1759 = arith.addi %mul3A_1755, %and3A_1758 : vector<16xi32>
      %swap3A_1760 = arith.constant 16 : index
      %swap3A_1761 = tpu.vector_load %arg14[%swap3A_1760] {strides = array<i32>} : memref<64xi32, #tpu.memory_space<vmem>>, vector<16xi32>,
      %swap3A_1762 = vector.shape_cast %swap3A_1761 : vector<16xi32> to vector<16xi32>
      %swap3A_1763 = vector.shape_cast %add3A_1759 : vector<16xi32> to vector<16xi32>
      tpu.vector_store %arg14[%swap3A_1760], %swap3A_1763 {strides = array<i32>} : memref<64xi32, #tpu.memory_space<vmem>>, vector<16xi32>,
      %mul3A_1764 = arith.constant 64 : i32
      %mul3A_1765 = arith.muli %sub3A_1721, %mul3A_1764 : i32
      %add3A_1766 = arith.constant 32 : i32
      %add3A_1767 = arith.addi %mul3A_1765, %add3A_1766 : i32
      %get3A_1768 = arith.index_cast %add3A_1767 : i32 to index
      %get3A_1769 = tpu.vector_load %arg5[%get3A_1768] {strides = array<i32>} : memref<25600xi32, #tpu.memory_space<vmem>>, vector<16xi32>,
      %get3A_1770 = vector.shape_cast %get3A_1769 : vector<16xi32> to vector<16xi32>
      %shift_right_arithmetic3A_1771 = arith.constant 8 : i32
      %shift_right_arithmetic3A_1772 = vector.broadcast %shift_right_arithmetic3A_1771 : i32 to vector<16xi32>
      %shift_right_arithmetic3A_1773 = arith.shrsi %get3A_1770, %shift_right_arithmetic3A_1772 : vector<16xi32>
      %mul3A_1774 = arith.constant 200 : i32
      %mul3A_1775 = vector.broadcast %mul3A_1774 : i32 to vector<16xi32>
      %mul3A_1776 = arith.muli %shift_right_arithmetic3A_1773, %mul3A_1775 : vector<16xi32>
      %and3A_1777 = arith.constant 255 : i32
      %and3A_1778 = vector.broadcast %and3A_1777 : i32 to vector<16xi32>
      %and3A_1779 = arith.andi %get3A_1770, %and3A_1778 : vector<16xi32>
      %add3A_1780 = arith.addi %mul3A_1776, %and3A_1779 : vector<16xi32>
      %swap3A_1781 = arith.constant 32 : index
      %swap3A_1782 = tpu.vector_load %arg14[%swap3A_1781] {strides = array<i32>} : memref<64xi32, #tpu.memory_space<vmem>>, vector<16xi32>,
      %swap3A_1783 = vector.shape_cast %swap3A_1782 : vector<16xi32> to vector<16xi32>
      %swap3A_1784 = vector.shape_cast %add3A_1780 : vector<16xi32> to vector<16xi32>
      tpu.vector_store %arg14[%swap3A_1781], %swap3A_1784 {strides = array<i32>} : memref<64xi32, #tpu.memory_space<vmem>>, vector<16xi32>,
      %mul3A_1785 = arith.constant 64 : i32
      %mul3A_1786 = arith.muli %sub3A_1721, %mul3A_1785 : i32
      %add3A_1787 = arith.constant 48 : i32
      %add3A_1788 = arith.addi %mul3A_1786, %add3A_1787 : i32
      %get3A_1789 = arith.index_cast %add3A_1788 : i32 to index
      %get3A_1790 = tpu.vector_load %arg5[%get3A_1789] {strides = array<i32>} : memref<25600xi32, #tpu.memory_space<vmem>>, vector<16xi32>,
      %get3A_1791 = vector.shape_cast %get3A_1790 : vector<16xi32> to vector<16xi32>
      %shift_right_arithmetic3A_1792 = arith.constant 8 : i32
      %shift_right_arithmetic3A_1793 = vector.broadcast %shift_right_arithmetic3A_1792 : i32 to vector<16xi32>
      %shift_right_arithmetic3A_1794 = arith.shrsi %get3A_1791, %shift_right_arithmetic3A_1793 : vector<16xi32>
      %mul3A_1795 = arith.constant 200 : i32
      %mul3A_1796 = vector.broadcast %mul3A_1795 : i32 to vector<16xi32>
      %mul3A_1797 = arith.muli %shift_right_arithmetic3A_1794, %mul3A_1796 : vector<16xi32>
      %and3A_1798 = arith.constant 255 : i32
      %and3A_1799 = vector.broadcast %and3A_1798 : i32 to vector<16xi32>
      %and3A_1800 = arith.andi %get3A_1791, %and3A_1799 : vector<16xi32>
      %add3A_1801 = arith.addi %mul3A_1797, %and3A_1800 : vector<16xi32>
      %swap3A_1802 = arith.constant 48 : index
      %swap3A_1803 = tpu.vector_load %arg14[%swap3A_1802] {strides = array<i32>} : memref<64xi32, #tpu.memory_space<vmem>>, vector<16xi32>,
      %swap3A_1804 = vector.shape_cast %swap3A_1803 : vector<16xi32> to vector<16xi32>
      %swap3A_1805 = vector.shape_cast %add3A_1801 : vector<16xi32> to vector<16xi32>
      tpu.vector_store %arg14[%swap3A_1802], %swap3A_1805 {strides = array<i32>} : memref<64xi32, #tpu.memory_space<vmem>>, vector<16xi32>,
      %dma_start3A_1806 = arith.constant 0 : i32
      %dma_start3A_1807 = arith.constant 0 : i32
      %dma_start3A_1808 = tpu.memref_slice %arg2[%dma_start3A_1806, %dma_start3A_1807] : memref<20000x128xf32, #tpu.memory_space<hbm>> -> memref<20000x128xf32, #tpu.memory_space<hbm>>
      tpu.enqueue_indirect_dma source(%dma_start3A_1808 : memref<20000x128xf32, #tpu.memory_space<hbm>>) target(%arg24 : memref<64x128xf32, #tpu.memory_space<vmem>>) offsets(%arg14 : memref<64xi32, #tpu.memory_space<vmem>>) semaphore(%arg34 : memref<!tpu.dma_semaphore, #tpu.memory_space<semaphore_mem>>)
      %add3A_1809 = arith.constant 9 : i32
      %add3A_1810 = arith.addi %add3A_846, %add3A_1809 : i32
      %dma_wait3A_1811 = arith.constant 0 : i32
      %dma_wait3A_1812 = arith.constant 0 : i32
      %dma_wait3A_1813 = tpu.memref_slice %arg2[%dma_wait3A_1811, %dma_wait3A_1812] : memref<20000x128xf32, #tpu.memory_space<hbm>> -> memref<20000x128xf32, #tpu.memory_space<hbm>>
      tpu.wait_indirect_dma semaphore(%arg26 : memref<!tpu.dma_semaphore, #tpu.memory_space<semaphore_mem>>) src(%dma_wait3A_1813 : memref<20000x128xf32, #tpu.memory_space<hbm>>) dst(%arg16 : memref<64x128xf32, #tpu.memory_space<vmem>>)
      %mul3A_1814 = arith.constant 64 : i32
      %mul3A_1815 = arith.muli %add3A_1810, %mul3A_1814 : i32
      %add3A_1816 = arith.addi %mul3A_2, %mul3A_1815 : i32
      %dma_start3A_1817 = arith.constant 0 : i32
      %dma_start3A_1818 = tpu.memref_slice %arg4[%add3A_1816, %dma_start3A_1817] : memref<819200x128xf32, #tpu.memory_space<hbm>> -> memref<64x128xf32, #tpu.memory_space<hbm>>
      %dma_start3A_1819 = arith.constant 0 : i32
      %dma_start3A_1820 = tpu.memref_slice %arg4[%add3A_1816, %dma_start3A_1819] : memref<819200x128xf32, #tpu.memory_space<hbm>> -> memref<64x128xf32, #tpu.memory_space<hbm>>
      tpu.enqueue_dma source(%arg16 : memref<64x128xf32, #tpu.memory_space<vmem>>) target(%dma_start3A_1820 : memref<64x128xf32, #tpu.memory_space<hbm>>) target_semaphore(%arg36 : memref<!tpu.dma_semaphore, #tpu.memory_space<semaphore_mem>>)
      %dma_wait3A_1821 = arith.constant 0 : i32
      %dma_wait3A_1822 = tpu.memref_slice %arg4[%mul3A_2, %dma_wait3A_1821] : memref<819200x128xf32, #tpu.memory_space<hbm>> -> memref<64x128xf32, #tpu.memory_space<hbm>>
      %dma_wait3A_1823 = arith.constant 0 : i32
      %dma_wait3A_1824 = tpu.memref_slice %arg4[%mul3A_2, %dma_wait3A_1823] : memref<819200x128xf32, #tpu.memory_space<hbm>> -> memref<64x128xf32, #tpu.memory_space<hbm>>
      tpu.wait_dma2 semaphore(%arg45 : memref<!tpu.dma_semaphore, #tpu.memory_space<semaphore_mem>>) src(%arg25 : memref<64x128xf32, #tpu.memory_space<vmem>>) dst(%dma_wait3A_1824 : memref<64x128xf32, #tpu.memory_space<hbm>>)
      %add3A_1825 = arith.constant 10 : i32
      %add3A_1826 = arith.addi %add3A_1810, %add3A_1825 : i32
      %sub3A_1827 = arith.constant 1 : i32
      %sub3A_1828 = arith.subi %add3A_1826, %sub3A_1827 : i32
      %mul3A_1829 = arith.constant 64 : i32
      %mul3A_1830 = arith.muli %sub3A_1828, %mul3A_1829 : i32
      %add3A_1831 = arith.constant 0 : i32
      %add3A_1832 = arith.addi %mul3A_1830, %add3A_1831 : i32
      %get3A_1833 = arith.index_cast %add3A_1832 : i32 to index
      %get3A_1834 = tpu.vector_load %arg5[%get3A_1833] {strides = array<i32>} : memref<25600xi32, #tpu.memory_space<vmem>>, vector<16xi32>,
      %get3A_1835 = vector.shape_cast %get3A_1834 : vector<16xi32> to vector<16xi32>
      %shift_right_arithmetic3A_1836 = arith.constant 8 : i32
      %shift_right_arithmetic3A_1837 = vector.broadcast %shift_right_arithmetic3A_1836 : i32 to vector<16xi32>
      %shift_right_arithmetic3A_1838 = arith.shrsi %get3A_1835, %shift_right_arithmetic3A_1837 : vector<16xi32>
      %mul3A_1839 = arith.constant 200 : i32
      %mul3A_1840 = vector.broadcast %mul3A_1839 : i32 to vector<16xi32>
      %mul3A_1841 = arith.muli %shift_right_arithmetic3A_1838, %mul3A_1840 : vector<16xi32>
      %and3A_1842 = arith.constant 255 : i32
      %and3A_1843 = vector.broadcast %and3A_1842 : i32 to vector<16xi32>
      %and3A_1844 = arith.andi %get3A_1835, %and3A_1843 : vector<16xi32>
      %add3A_1845 = arith.addi %mul3A_1841, %and3A_1844 : vector<16xi32>
      %swap3A_1846 = arith.constant 0 : index
      %swap3A_1847 = tpu.vector_load %arg15[%swap3A_1846] {strides = array<i32>} : memref<64xi32, #tpu.memory_space<vmem>>, vector<16xi32>,
      %swap3A_1848 = vector.shape_cast %swap3A_1847 : vector<16xi32> to vector<16xi32>
      %swap3A_1849 = vector.shape_cast %add3A_1845 : vector<16xi32> to vector<16xi32>
      tpu.vector_store %arg15[%swap3A_1846], %swap3A_1849 {strides = array<i32>} : memref<64xi32, #tpu.memory_space<vmem>>, vector<16xi32>,
      %mul3A_1850 = arith.constant 64 : i32
      %mul3A_1851 = arith.muli %sub3A_1828, %mul3A_1850 : i32
      %add3A_1852 = arith.constant 16 : i32
      %add3A_1853 = arith.addi %mul3A_1851, %add3A_1852 : i32
      %get3A_1854 = arith.index_cast %add3A_1853 : i32 to index
      %get3A_1855 = tpu.vector_load %arg5[%get3A_1854] {strides = array<i32>} : memref<25600xi32, #tpu.memory_space<vmem>>, vector<16xi32>,
      %get3A_1856 = vector.shape_cast %get3A_1855 : vector<16xi32> to vector<16xi32>
      %shift_right_arithmetic3A_1857 = arith.constant 8 : i32
      %shift_right_arithmetic3A_1858 = vector.broadcast %shift_right_arithmetic3A_1857 : i32 to vector<16xi32>
      %shift_right_arithmetic3A_1859 = arith.shrsi %get3A_1856, %shift_right_arithmetic3A_1858 : vector<16xi32>
      %mul3A_1860 = arith.constant 200 : i32
      %mul3A_1861 = vector.broadcast %mul3A_1860 : i32 to vector<16xi32>
      %mul3A_1862 = arith.muli %shift_right_arithmetic3A_1859, %mul3A_1861 : vector<16xi32>
      %and3A_1863 = arith.constant 255 : i32
      %and3A_1864 = vector.broadcast %and3A_1863 : i32 to vector<16xi32>
      %and3A_1865 = arith.andi %get3A_1856, %and3A_1864 : vector<16xi32>
      %add3A_1866 = arith.addi %mul3A_1862, %and3A_1865 : vector<16xi32>
      %swap3A_1867 = arith.constant 16 : index
      %swap3A_1868 = tpu.vector_load %arg15[%swap3A_1867] {strides = array<i32>} : memref<64xi32, #tpu.memory_space<vmem>>, vector<16xi32>,
      %swap3A_1869 = vector.shape_cast %swap3A_1868 : vector<16xi32> to vector<16xi32>
      %swap3A_1870 = vector.shape_cast %add3A_1866 : vector<16xi32> to vector<16xi32>
      tpu.vector_store %arg15[%swap3A_1867], %swap3A_1870 {strides = array<i32>} : memref<64xi32, #tpu.memory_space<vmem>>, vector<16xi32>,
      %mul3A_1871 = arith.constant 64 : i32
      %mul3A_1872 = arith.muli %sub3A_1828, %mul3A_1871 : i32
      %add3A_1873 = arith.constant 32 : i32
      %add3A_1874 = arith.addi %mul3A_1872, %add3A_1873 : i32
      %get3A_1875 = arith.index_cast %add3A_1874 : i32 to index
      %get3A_1876 = tpu.vector_load %arg5[%get3A_1875] {strides = array<i32>} : memref<25600xi32, #tpu.memory_space<vmem>>, vector<16xi32>,
      %get3A_1877 = vector.shape_cast %get3A_1876 : vector<16xi32> to vector<16xi32>
      %shift_right_arithmetic3A_1878 = arith.constant 8 : i32
      %shift_right_arithmetic3A_1879 = vector.broadcast %shift_right_arithmetic3A_1878 : i32 to vector<16xi32>
      %shift_right_arithmetic3A_1880 = arith.shrsi %get3A_1877, %shift_right_arithmetic3A_1879 : vector<16xi32>
      %mul3A_1881 = arith.constant 200 : i32
      %mul3A_1882 = vector.broadcast %mul3A_1881 : i32 to vector<16xi32>
      %mul3A_1883 = arith.muli %shift_right_arithmetic3A_1880, %mul3A_1882 : vector<16xi32>
      %and3A_1884 = arith.constant 255 : i32
      %and3A_1885 = vector.broadcast %and3A_1884 : i32 to vector<16xi32>
      %and3A_1886 = arith.andi %get3A_1877, %and3A_1885 : vector<16xi32>
      %add3A_1887 = arith.addi %mul3A_1883, %and3A_1886 : vector<16xi32>
      %swap3A_1888 = arith.constant 32 : index
      %swap3A_1889 = tpu.vector_load %arg15[%swap3A_1888] {strides = array<i32>} : memref<64xi32, #tpu.memory_space<vmem>>, vector<16xi32>,
      %swap3A_1890 = vector.shape_cast %swap3A_1889 : vector<16xi32> to vector<16xi32>
      %swap3A_1891 = vector.shape_cast %add3A_1887 : vector<16xi32> to vector<16xi32>
      tpu.vector_store %arg15[%swap3A_1888], %swap3A_1891 {strides = array<i32>} : memref<64xi32, #tpu.memory_space<vmem>>, vector<16xi32>,
      %mul3A_1892 = arith.constant 64 : i32
      %mul3A_1893 = arith.muli %sub3A_1828, %mul3A_1892 : i32
      %add3A_1894 = arith.constant 48 : i32
      %add3A_1895 = arith.addi %mul3A_1893, %add3A_1894 : i32
      %get3A_1896 = arith.index_cast %add3A_1895 : i32 to index
      %get3A_1897 = tpu.vector_load %arg5[%get3A_1896] {strides = array<i32>} : memref<25600xi32, #tpu.memory_space<vmem>>, vector<16xi32>,
      %get3A_1898 = vector.shape_cast %get3A_1897 : vector<16xi32> to vector<16xi32>
      %shift_right_arithmetic3A_1899 = arith.constant 8 : i32
      %shift_right_arithmetic3A_1900 = vector.broadcast %shift_right_arithmetic3A_1899 : i32 to vector<16xi32>
      %shift_right_arithmetic3A_1901 = arith.shrsi %get3A_1898, %shift_right_arithmetic3A_1900 : vector<16xi32>
      %mul3A_1902 = arith.constant 200 : i32
      %mul3A_1903 = vector.broadcast %mul3A_1902 : i32 to vector<16xi32>
      %mul3A_1904 = arith.muli %shift_right_arithmetic3A_1901, %mul3A_1903 : vector<16xi32>
      %and3A_1905 = arith.constant 255 : i32
      %and3A_1906 = vector.broadcast %and3A_1905 : i32 to vector<16xi32>
      %and3A_1907 = arith.andi %get3A_1898, %and3A_1906 : vector<16xi32>
      %add3A_1908 = arith.addi %mul3A_1904, %and3A_1907 : vector<16xi32>
      %swap3A_1909 = arith.constant 48 : index
      %swap3A_1910 = tpu.vector_load %arg15[%swap3A_1909] {strides = array<i32>} : memref<64xi32, #tpu.memory_space<vmem>>, vector<16xi32>,
      %swap3A_1911 = vector.shape_cast %swap3A_1910 : vector<16xi32> to vector<16xi32>
      %swap3A_1912 = vector.shape_cast %add3A_1908 : vector<16xi32> to vector<16xi32>
      tpu.vector_store %arg15[%swap3A_1909], %swap3A_1912 {strides = array<i32>} : memref<64xi32, #tpu.memory_space<vmem>>, vector<16xi32>,
      %dma_start3A_1913 = arith.constant 0 : i32
      %dma_start3A_1914 = arith.constant 0 : i32
      %dma_start3A_1915 = tpu.memref_slice %arg2[%dma_start3A_1913, %dma_start3A_1914] : memref<20000x128xf32, #tpu.memory_space<hbm>> -> memref<20000x128xf32, #tpu.memory_space<hbm>>
      tpu.enqueue_indirect_dma source(%dma_start3A_1915 : memref<20000x128xf32, #tpu.memory_space<hbm>>) target(%arg25 : memref<64x128xf32, #tpu.memory_space<vmem>>) offsets(%arg15 : memref<64xi32, #tpu.memory_space<vmem>>) semaphore(%arg35 : memref<!tpu.dma_semaphore, #tpu.memory_space<semaphore_mem>>)
    }
    %scan3A_720 = arith.constant 39 : i32
    %dma_wait3A_721 = arith.constant 0 : i32
    %dma_wait3A_722 = arith.constant 0 : i32
    %dma_wait3A_723 = tpu.memref_slice %arg2[%dma_wait3A_721, %dma_wait3A_722] : memref<20000x128xf32, #tpu.memory_space<hbm>> -> memref<20000x128xf32, #tpu.memory_space<hbm>>
    tpu.wait_indirect_dma semaphore(%arg27 : memref<!tpu.dma_semaphore, #tpu.memory_space<semaphore_mem>>) src(%dma_wait3A_723 : memref<20000x128xf32, #tpu.memory_space<hbm>>) dst(%arg17 : memref<64x128xf32, #tpu.memory_space<vmem>>)
    %add3A_724 = arith.constant 25024 : i32
    %add3A_725 = arith.addi %mul3A_2, %add3A_724 : i32
    %dma_start3A_726 = arith.constant 0 : i32
    %dma_start3A_727 = tpu.memref_slice %arg4[%add3A_725, %dma_start3A_726] : memref<819200x128xf32, #tpu.memory_space<hbm>> -> memref<64x128xf32, #tpu.memory_space<hbm>>
    %dma_start3A_728 = arith.constant 0 : i32
    %dma_start3A_729 = tpu.memref_slice %arg4[%add3A_725, %dma_start3A_728] : memref<819200x128xf32, #tpu.memory_space<hbm>> -> memref<64x128xf32, #tpu.memory_space<hbm>>
    tpu.enqueue_dma source(%arg17 : memref<64x128xf32, #tpu.memory_space<vmem>>) target(%dma_start3A_729 : memref<64x128xf32, #tpu.memory_space<hbm>>) target_semaphore(%arg37 : memref<!tpu.dma_semaphore, #tpu.memory_space<semaphore_mem>>)
    %dma_wait3A_730 = arith.constant 0 : i32
    %dma_wait3A_731 = tpu.memref_slice %arg4[%mul3A_2, %dma_wait3A_730] : memref<819200x128xf32, #tpu.memory_space<hbm>> -> memref<64x128xf32, #tpu.memory_space<hbm>>
    %dma_wait3A_732 = arith.constant 0 : i32
    %dma_wait3A_733 = tpu.memref_slice %arg4[%mul3A_2, %dma_wait3A_732] : memref<819200x128xf32, #tpu.memory_space<hbm>> -> memref<64x128xf32, #tpu.memory_space<hbm>>
    tpu.wait_dma2 semaphore(%arg36 : memref<!tpu.dma_semaphore, #tpu.memory_space<semaphore_mem>>) src(%arg16 : memref<64x128xf32, #tpu.memory_space<vmem>>) dst(%dma_wait3A_733 : memref<64x128xf32, #tpu.memory_space<hbm>>)
    %dma_wait3A_734 = arith.constant 0 : i32
    %dma_wait3A_735 = arith.constant 0 : i32
    %dma_wait3A_736 = tpu.memref_slice %arg2[%dma_wait3A_734, %dma_wait3A_735] : memref<20000x128xf32, #tpu.memory_space<hbm>> -> memref<20000x128xf32, #tpu.memory_space<hbm>>
    tpu.wait_indirect_dma semaphore(%arg28 : memref<!tpu.dma_semaphore, #tpu.memory_space<semaphore_mem>>) src(%dma_wait3A_736 : memref<20000x128xf32, #tpu.memory_space<hbm>>) dst(%arg18 : memref<64x128xf32, #tpu.memory_space<vmem>>)
    %add3A_737 = arith.constant 25088 : i32
    %add3A_738 = arith.addi %mul3A_2, %add3A_737 : i32
    %dma_start3A_739 = arith.constant 0 : i32
    %dma_start3A_740 = tpu.memref_slice %arg4[%add3A_738, %dma_start3A_739] : memref<819200x128xf32, #tpu.memory_space<hbm>> -> memref<64x128xf32, #tpu.memory_space<hbm>>
    %dma_start3A_741 = arith.constant 0 : i32
    %dma_start3A_742 = tpu.memref_slice %arg4[%add3A_738, %dma_start3A_741] : memref<819200x128xf32, #tpu.memory_space<hbm>> -> memref<64x128xf32, #tpu.memory_space<hbm>>
    tpu.enqueue_dma source(%arg18 : memref<64x128xf32, #tpu.memory_space<vmem>>) target(%dma_start3A_742 : memref<64x128xf32, #tpu.memory_space<hbm>>) target_semaphore(%arg38 : memref<!tpu.dma_semaphore, #tpu.memory_space<semaphore_mem>>)
    %dma_wait3A_743 = arith.constant 0 : i32
    %dma_wait3A_744 = tpu.memref_slice %arg4[%mul3A_2, %dma_wait3A_743] : memref<819200x128xf32, #tpu.memory_space<hbm>> -> memref<64x128xf32, #tpu.memory_space<hbm>>
    %dma_wait3A_745 = arith.constant 0 : i32
    %dma_wait3A_746 = tpu.memref_slice %arg4[%mul3A_2, %dma_wait3A_745] : memref<819200x128xf32, #tpu.memory_space<hbm>> -> memref<64x128xf32, #tpu.memory_space<hbm>>
    tpu.wait_dma2 semaphore(%arg37 : memref<!tpu.dma_semaphore, #tpu.memory_space<semaphore_mem>>) src(%arg17 : memref<64x128xf32, #tpu.memory_space<vmem>>) dst(%dma_wait3A_746 : memref<64x128xf32, #tpu.memory_space<hbm>>)
    %dma_wait3A_747 = arith.constant 0 : i32
    %dma_wait3A_748 = arith.constant 0 : i32
    %dma_wait3A_749 = tpu.memref_slice %arg2[%dma_wait3A_747, %dma_wait3A_748] : memref<20000x128xf32, #tpu.memory_space<hbm>> -> memref<20000x128xf32, #tpu.memory_space<hbm>>
    tpu.wait_indirect_dma semaphore(%arg29 : memref<!tpu.dma_semaphore, #tpu.memory_space<semaphore_mem>>) src(%dma_wait3A_749 : memref<20000x128xf32, #tpu.memory_space<hbm>>) dst(%arg19 : memref<64x128xf32, #tpu.memory_space<vmem>>)
    %add3A_750 = arith.constant 25152 : i32
    %add3A_751 = arith.addi %mul3A_2, %add3A_750 : i32
    %dma_start3A_752 = arith.constant 0 : i32
    %dma_start3A_753 = tpu.memref_slice %arg4[%add3A_751, %dma_start3A_752] : memref<819200x128xf32, #tpu.memory_space<hbm>> -> memref<64x128xf32, #tpu.memory_space<hbm>>
    %dma_start3A_754 = arith.constant 0 : i32
    %dma_start3A_755 = tpu.memref_slice %arg4[%add3A_751, %dma_start3A_754] : memref<819200x128xf32, #tpu.memory_space<hbm>> -> memref<64x128xf32, #tpu.memory_space<hbm>>
    tpu.enqueue_dma source(%arg19 : memref<64x128xf32, #tpu.memory_space<vmem>>) target(%dma_start3A_755 : memref<64x128xf32, #tpu.memory_space<hbm>>) target_semaphore(%arg39 : memref<!tpu.dma_semaphore, #tpu.memory_space<semaphore_mem>>)
    %dma_wait3A_756 = arith.constant 0 : i32
    %dma_wait3A_757 = tpu.memref_slice %arg4[%mul3A_2, %dma_wait3A_756] : memref<819200x128xf32, #tpu.memory_space<hbm>> -> memref<64x128xf32, #tpu.memory_space<hbm>>
    %dma_wait3A_758 = arith.constant 0 : i32
    %dma_wait3A_759 = tpu.memref_slice %arg4[%mul3A_2, %dma_wait3A_758] : memref<819200x128xf32, #tpu.memory_space<hbm>> -> memref<64x128xf32, #tpu.memory_space<hbm>>
    tpu.wait_dma2 semaphore(%arg38 : memref<!tpu.dma_semaphore, #tpu.memory_space<semaphore_mem>>) src(%arg18 : memref<64x128xf32, #tpu.memory_space<vmem>>) dst(%dma_wait3A_759 : memref<64x128xf32, #tpu.memory_space<hbm>>)
    %dma_wait3A_760 = arith.constant 0 : i32
    %dma_wait3A_761 = arith.constant 0 : i32
    %dma_wait3A_762 = tpu.memref_slice %arg2[%dma_wait3A_760, %dma_wait3A_761] : memref<20000x128xf32, #tpu.memory_space<hbm>> -> memref<20000x128xf32, #tpu.memory_space<hbm>>
    tpu.wait_indirect_dma semaphore(%arg30 : memref<!tpu.dma_semaphore, #tpu.memory_space<semaphore_mem>>) src(%dma_wait3A_762 : memref<20000x128xf32, #tpu.memory_space<hbm>>) dst(%arg20 : memref<64x128xf32, #tpu.memory_space<vmem>>)
    %add3A_763 = arith.constant 25216 : i32
    %add3A_764 = arith.addi %mul3A_2, %add3A_763 : i32
    %dma_start3A_765 = arith.constant 0 : i32
    %dma_start3A_766 = tpu.memref_slice %arg4[%add3A_764, %dma_start3A_765] : memref<819200x128xf32, #tpu.memory_space<hbm>> -> memref<64x128xf32, #tpu.memory_space<hbm>>
    %dma_start3A_767 = arith.constant 0 : i32
    %dma_start3A_768 = tpu.memref_slice %arg4[%add3A_764, %dma_start3A_767] : memref<819200x128xf32, #tpu.memory_space<hbm>> -> memref<64x128xf32, #tpu.memory_space<hbm>>
    tpu.enqueue_dma source(%arg20 : memref<64x128xf32, #tpu.memory_space<vmem>>) target(%dma_start3A_768 : memref<64x128xf32, #tpu.memory_space<hbm>>) target_semaphore(%arg40 : memref<!tpu.dma_semaphore, #tpu.memory_space<semaphore_mem>>)
    %dma_wait3A_769 = arith.constant 0 : i32
    %dma_wait3A_770 = tpu.memref_slice %arg4[%mul3A_2, %dma_wait3A_769] : memref<819200x128xf32, #tpu.memory_space<hbm>> -> memref<64x128xf32, #tpu.memory_space<hbm>>
    %dma_wait3A_771 = arith.constant 0 : i32
    %dma_wait3A_772 = tpu.memref_slice %arg4[%mul3A_2, %dma_wait3A_771] : memref<819200x128xf32, #tpu.memory_space<hbm>> -> memref<64x128xf32, #tpu.memory_space<hbm>>
    tpu.wait_dma2 semaphore(%arg39 : memref<!tpu.dma_semaphore, #tpu.memory_space<semaphore_mem>>) src(%arg19 : memref<64x128xf32, #tpu.memory_space<vmem>>) dst(%dma_wait3A_772 : memref<64x128xf32, #tpu.memory_space<hbm>>)
    %dma_wait3A_773 = arith.constant 0 : i32
    %dma_wait3A_774 = arith.constant 0 : i32
    %dma_wait3A_775 = tpu.memref_slice %arg2[%dma_wait3A_773, %dma_wait3A_774] : memref<20000x128xf32, #tpu.memory_space<hbm>> -> memref<20000x128xf32, #tpu.memory_space<hbm>>
    tpu.wait_indirect_dma semaphore(%arg31 : memref<!tpu.dma_semaphore, #tpu.memory_space<semaphore_mem>>) src(%dma_wait3A_775 : memref<20000x128xf32, #tpu.memory_space<hbm>>) dst(%arg21 : memref<64x128xf32, #tpu.memory_space<vmem>>)
    %add3A_776 = arith.constant 25280 : i32
    %add3A_777 = arith.addi %mul3A_2, %add3A_776 : i32
    %dma_start3A_778 = arith.constant 0 : i32
    %dma_start3A_779 = tpu.memref_slice %arg4[%add3A_777, %dma_start3A_778] : memref<819200x128xf32, #tpu.memory_space<hbm>> -> memref<64x128xf32, #tpu.memory_space<hbm>>
    %dma_start3A_780 = arith.constant 0 : i32
    %dma_start3A_781 = tpu.memref_slice %arg4[%add3A_777, %dma_start3A_780] : memref<819200x128xf32, #tpu.memory_space<hbm>> -> memref<64x128xf32, #tpu.memory_space<hbm>>
    tpu.enqueue_dma source(%arg21 : memref<64x128xf32, #tpu.memory_space<vmem>>) target(%dma_start3A_781 : memref<64x128xf32, #tpu.memory_space<hbm>>) target_semaphore(%arg41 : memref<!tpu.dma_semaphore, #tpu.memory_space<semaphore_mem>>)
    %dma_wait3A_782 = arith.constant 0 : i32
    %dma_wait3A_783 = tpu.memref_slice %arg4[%mul3A_2, %dma_wait3A_782] : memref<819200x128xf32, #tpu.memory_space<hbm>> -> memref<64x128xf32, #tpu.memory_space<hbm>>
    %dma_wait3A_784 = arith.constant 0 : i32
    %dma_wait3A_785 = tpu.memref_slice %arg4[%mul3A_2, %dma_wait3A_784] : memref<819200x128xf32, #tpu.memory_space<hbm>> -> memref<64x128xf32, #tpu.memory_space<hbm>>
    tpu.wait_dma2 semaphore(%arg40 : memref<!tpu.dma_semaphore, #tpu.memory_space<semaphore_mem>>) src(%arg20 : memref<64x128xf32, #tpu.memory_space<vmem>>) dst(%dma_wait3A_785 : memref<64x128xf32, #tpu.memory_space<hbm>>)
    %dma_wait3A_786 = arith.constant 0 : i32
    %dma_wait3A_787 = arith.constant 0 : i32
    %dma_wait3A_788 = tpu.memref_slice %arg2[%dma_wait3A_786, %dma_wait3A_787] : memref<20000x128xf32, #tpu.memory_space<hbm>> -> memref<20000x128xf32, #tpu.memory_space<hbm>>
    tpu.wait_indirect_dma semaphore(%arg32 : memref<!tpu.dma_semaphore, #tpu.memory_space<semaphore_mem>>) src(%dma_wait3A_788 : memref<20000x128xf32, #tpu.memory_space<hbm>>) dst(%arg22 : memref<64x128xf32, #tpu.memory_space<vmem>>)
    %add3A_789 = arith.constant 25344 : i32
    %add3A_790 = arith.addi %mul3A_2, %add3A_789 : i32
    %dma_start3A_791 = arith.constant 0 : i32
    %dma_start3A_792 = tpu.memref_slice %arg4[%add3A_790, %dma_start3A_791] : memref<819200x128xf32, #tpu.memory_space<hbm>> -> memref<64x128xf32, #tpu.memory_space<hbm>>
    %dma_start3A_793 = arith.constant 0 : i32
    %dma_start3A_794 = tpu.memref_slice %arg4[%add3A_790, %dma_start3A_793] : memref<819200x128xf32, #tpu.memory_space<hbm>> -> memref<64x128xf32, #tpu.memory_space<hbm>>
    tpu.enqueue_dma source(%arg22 : memref<64x128xf32, #tpu.memory_space<vmem>>) target(%dma_start3A_794 : memref<64x128xf32, #tpu.memory_space<hbm>>) target_semaphore(%arg42 : memref<!tpu.dma_semaphore, #tpu.memory_space<semaphore_mem>>)
    %dma_wait3A_795 = arith.constant 0 : i32
    %dma_wait3A_796 = tpu.memref_slice %arg4[%mul3A_2, %dma_wait3A_795] : memref<819200x128xf32, #tpu.memory_space<hbm>> -> memref<64x128xf32, #tpu.memory_space<hbm>>
    %dma_wait3A_797 = arith.constant 0 : i32
    %dma_wait3A_798 = tpu.memref_slice %arg4[%mul3A_2, %dma_wait3A_797] : memref<819200x128xf32, #tpu.memory_space<hbm>> -> memref<64x128xf32, #tpu.memory_space<hbm>>
    tpu.wait_dma2 semaphore(%arg41 : memref<!tpu.dma_semaphore, #tpu.memory_space<semaphore_mem>>) src(%arg21 : memref<64x128xf32, #tpu.memory_space<vmem>>) dst(%dma_wait3A_798 : memref<64x128xf32, #tpu.memory_space<hbm>>)
    %dma_wait3A_799 = arith.constant 0 : i32
    %dma_wait3A_800 = arith.constant 0 : i32
    %dma_wait3A_801 = tpu.memref_slice %arg2[%dma_wait3A_799, %dma_wait3A_800] : memref<20000x128xf32, #tpu.memory_space<hbm>> -> memref<20000x128xf32, #tpu.memory_space<hbm>>
    tpu.wait_indirect_dma semaphore(%arg33 : memref<!tpu.dma_semaphore, #tpu.memory_space<semaphore_mem>>) src(%dma_wait3A_801 : memref<20000x128xf32, #tpu.memory_space<hbm>>) dst(%arg23 : memref<64x128xf32, #tpu.memory_space<vmem>>)
    %add3A_802 = arith.constant 25408 : i32
    %add3A_803 = arith.addi %mul3A_2, %add3A_802 : i32
    %dma_start3A_804 = arith.constant 0 : i32
    %dma_start3A_805 = tpu.memref_slice %arg4[%add3A_803, %dma_start3A_804] : memref<819200x128xf32, #tpu.memory_space<hbm>> -> memref<64x128xf32, #tpu.memory_space<hbm>>
    %dma_start3A_806 = arith.constant 0 : i32
    %dma_start3A_807 = tpu.memref_slice %arg4[%add3A_803, %dma_start3A_806] : memref<819200x128xf32, #tpu.memory_space<hbm>> -> memref<64x128xf32, #tpu.memory_space<hbm>>
    tpu.enqueue_dma source(%arg23 : memref<64x128xf32, #tpu.memory_space<vmem>>) target(%dma_start3A_807 : memref<64x128xf32, #tpu.memory_space<hbm>>) target_semaphore(%arg43 : memref<!tpu.dma_semaphore, #tpu.memory_space<semaphore_mem>>)
    %dma_wait3A_808 = arith.constant 0 : i32
    %dma_wait3A_809 = tpu.memref_slice %arg4[%mul3A_2, %dma_wait3A_808] : memref<819200x128xf32, #tpu.memory_space<hbm>> -> memref<64x128xf32, #tpu.memory_space<hbm>>
    %dma_wait3A_810 = arith.constant 0 : i32
    %dma_wait3A_811 = tpu.memref_slice %arg4[%mul3A_2, %dma_wait3A_810] : memref<819200x128xf32, #tpu.memory_space<hbm>> -> memref<64x128xf32, #tpu.memory_space<hbm>>
    tpu.wait_dma2 semaphore(%arg42 : memref<!tpu.dma_semaphore, #tpu.memory_space<semaphore_mem>>) src(%arg22 : memref<64x128xf32, #tpu.memory_space<vmem>>) dst(%dma_wait3A_811 : memref<64x128xf32, #tpu.memory_space<hbm>>)
    %dma_wait3A_812 = arith.constant 0 : i32
    %dma_wait3A_813 = arith.constant 0 : i32
    %dma_wait3A_814 = tpu.memref_slice %arg2[%dma_wait3A_812, %dma_wait3A_813] : memref<20000x128xf32, #tpu.memory_space<hbm>> -> memref<20000x128xf32, #tpu.memory_space<hbm>>
    tpu.wait_indirect_dma semaphore(%arg34 : memref<!tpu.dma_semaphore, #tpu.memory_space<semaphore_mem>>) src(%dma_wait3A_814 : memref<20000x128xf32, #tpu.memory_space<hbm>>) dst(%arg24 : memref<64x128xf32, #tpu.memory_space<vmem>>)
    %add3A_815 = arith.constant 25472 : i32
    %add3A_816 = arith.addi %mul3A_2, %add3A_815 : i32
    %dma_start3A_817 = arith.constant 0 : i32
    %dma_start3A_818 = tpu.memref_slice %arg4[%add3A_816, %dma_start3A_817] : memref<819200x128xf32, #tpu.memory_space<hbm>> -> memref<64x128xf32, #tpu.memory_space<hbm>>
    %dma_start3A_819 = arith.constant 0 : i32
    %dma_start3A_820 = tpu.memref_slice %arg4[%add3A_816, %dma_start3A_819] : memref<819200x128xf32, #tpu.memory_space<hbm>> -> memref<64x128xf32, #tpu.memory_space<hbm>>
    tpu.enqueue_dma source(%arg24 : memref<64x128xf32, #tpu.memory_space<vmem>>) target(%dma_start3A_820 : memref<64x128xf32, #tpu.memory_space<hbm>>) target_semaphore(%arg44 : memref<!tpu.dma_semaphore, #tpu.memory_space<semaphore_mem>>)
    %dma_wait3A_821 = arith.constant 0 : i32
    %dma_wait3A_822 = tpu.memref_slice %arg4[%mul3A_2, %dma_wait3A_821] : memref<819200x128xf32, #tpu.memory_space<hbm>> -> memref<64x128xf32, #tpu.memory_space<hbm>>
    %dma_wait3A_823 = arith.constant 0 : i32
    %dma_wait3A_824 = tpu.memref_slice %arg4[%mul3A_2, %dma_wait3A_823] : memref<819200x128xf32, #tpu.memory_space<hbm>> -> memref<64x128xf32, #tpu.memory_space<hbm>>
    tpu.wait_dma2 semaphore(%arg43 : memref<!tpu.dma_semaphore, #tpu.memory_space<semaphore_mem>>) src(%arg23 : memref<64x128xf32, #tpu.memory_space<vmem>>) dst(%dma_wait3A_824 : memref<64x128xf32, #tpu.memory_space<hbm>>)
    %dma_wait3A_825 = arith.constant 0 : i32
    %dma_wait3A_826 = arith.constant 0 : i32
    %dma_wait3A_827 = tpu.memref_slice %arg2[%dma_wait3A_825, %dma_wait3A_826] : memref<20000x128xf32, #tpu.memory_space<hbm>> -> memref<20000x128xf32, #tpu.memory_space<hbm>>
    tpu.wait_indirect_dma semaphore(%arg35 : memref<!tpu.dma_semaphore, #tpu.memory_space<semaphore_mem>>) src(%dma_wait3A_827 : memref<20000x128xf32, #tpu.memory_space<hbm>>) dst(%arg25 : memref<64x128xf32, #tpu.memory_space<vmem>>)
    %add3A_828 = arith.constant 25536 : i32
    %add3A_829 = arith.addi %mul3A_2, %add3A_828 : i32
    %dma_start3A_830 = arith.constant 0 : i32
    %dma_start3A_831 = tpu.memref_slice %arg4[%add3A_829, %dma_start3A_830] : memref<819200x128xf32, #tpu.memory_space<hbm>> -> memref<64x128xf32, #tpu.memory_space<hbm>>
    %dma_start3A_832 = arith.constant 0 : i32
    %dma_start3A_833 = tpu.memref_slice %arg4[%add3A_829, %dma_start3A_832] : memref<819200x128xf32, #tpu.memory_space<hbm>> -> memref<64x128xf32, #tpu.memory_space<hbm>>
    tpu.enqueue_dma source(%arg25 : memref<64x128xf32, #tpu.memory_space<vmem>>) target(%dma_start3A_833 : memref<64x128xf32, #tpu.memory_space<hbm>>) target_semaphore(%arg45 : memref<!tpu.dma_semaphore, #tpu.memory_space<semaphore_mem>>)
    %dma_wait3A_834 = arith.constant 0 : i32
    %dma_wait3A_835 = tpu.memref_slice %arg4[%mul3A_2, %dma_wait3A_834] : memref<819200x128xf32, #tpu.memory_space<hbm>> -> memref<64x128xf32, #tpu.memory_space<hbm>>
    %dma_wait3A_836 = arith.constant 0 : i32
    %dma_wait3A_837 = tpu.memref_slice %arg4[%mul3A_2, %dma_wait3A_836] : memref<819200x128xf32, #tpu.memory_space<hbm>> -> memref<64x128xf32, #tpu.memory_space<hbm>>
    tpu.wait_dma2 semaphore(%arg44 : memref<!tpu.dma_semaphore, #tpu.memory_space<semaphore_mem>>) src(%arg24 : memref<64x128xf32, #tpu.memory_space<vmem>>) dst(%dma_wait3A_837 : memref<64x128xf32, #tpu.memory_space<hbm>>)
    %dma_wait3A_838 = arith.constant 0 : i32
    %dma_wait3A_839 = tpu.memref_slice %arg4[%mul3A_2, %dma_wait3A_838] : memref<819200x128xf32, #tpu.memory_space<hbm>> -> memref<64x128xf32, #tpu.memory_space<hbm>>
    %dma_wait3A_840 = arith.constant 0 : i32
    %dma_wait3A_841 = tpu.memref_slice %arg4[%mul3A_2, %dma_wait3A_840] : memref<819200x128xf32, #tpu.memory_space<hbm>> -> memref<64x128xf32, #tpu.memory_space<hbm>>
    tpu.wait_dma2 semaphore(%arg45 : memref<!tpu.dma_semaphore, #tpu.memory_space<semaphore_mem>>) src(%arg25 : memref<64x128xf32, #tpu.memory_space<vmem>>) dst(%dma_wait3A_841 : memref<64x128xf32, #tpu.memory_space<hbm>>)
    return
  }
}

</mosaic_0001>

<sc_bundles>
// kernel: kernel.3.cloned.1.call-start
scs
__scs_entry_jumppad:
0x0: {  	(pc) =	sbr.rel $0x88, $3  }
0x1: {  	(tag) =	ssettag $0x0;
	lr =	simm.s32 $0x1  }
0x2: {  	[smem:$0x3F9D] =	sst lr;
	_ =	strace $0xD0000000  }
0x3: {  	_ = 	snop  }
0x4: {  	_ = 	snop  }
0x5: {  	_ = 	snop  }
0x6: {  	_ = 	snop  }
0x7: {  	_ = 	snop  }
__scs_overlays_trampoline_lowered:
0x8: {  	[smem:$0x3FAC] =	sst s0  }
0x9: {  	[smem:$0x3FAD] =	sst s1  }
0xa: {  	[smem:$0x3FAE] =	sst s2  }
0xb: {  	[smem:$0x3FAF] =	sst s3  }
0xc: {  	[smem:$0x3FB0] =	sst s4  }
0xd: {  	[smem:$0x3FB1] =	sst s5  }
0xe: {  	[smem:$0x3FB2] =	sst s6  }
0xf: {  	[smem:$0x3FB3] =	sst s7  }
0x10: {  	[smem:$0x3FB4] =	sst s8  }
0x11: {  	[smem:$0x3FB5] =	sst s9;
	s0 =	simm.s32 @!p0 $0x0  }
0x12: {  	s1 =	sld [smem:$0x3F9B];
	s0 =	simm.s32 @p0 $0x1  }
0x13: {  	[smem:$0x3FB6] =	sst s0;
	s0 =	simm.s32 @!p1 $0x0  }
0x14: {  	s2 =	sld [smem:$0x3F9A];
	s0 =	simm.s32 @p1 $0x1  }
0x15: {  	[smem:$0x3FB7] =	sst s0;
	s0 =	simm.s32 @!p2 $0x0  }
0x16: {  	s3 =	sld [smem:$0x3FDB];
	s0 =	simm.s32 @p2 $0x1  }
0x17: {  	s4 =	simm.s32 $0x1BF5;
	[smem:$0x3FB9] =	sst s0  }
0x18: {  	s0 =	sld [smem:$0x3F9C];
	_ =	swait.ge [sflag:s4], $0x0  }
0x19: {  	s7 =	sld [smem:$0x3F9D]  }
0x1a: {  	s8 =	sadd.s32 $0xFFFFE003, lr  }
0x1b: {  	s9 =	sadd.s32 $0xFFFFFEF7, lr;
	s5 =	simm.s32 $0xFFFFFFFF;
	p2 =	slt.u32 s8, $0xFFFFF086  }
0x1c: {  	p1 =	slt.u32 s9, $0xF7A;
	s5 =	simm.s32 @!p2 $0x0  }
0x1d: {  	s5 =	simm.s32 @p1 $0x1;
	p0 =	seq.s32 s7, s2  }
0x1e: {  	s7 =	smul.u32 @!p0 $0xF7A, s2;
	p2 =	seq.s32 @!p0 s5, $0x0  }
0x1f: {  	s9 =	smul.u32 $0xF7A, s1;
	s8 =	simm.s32 @!p0 $0x1BF5;
	p2 =	por !p2, p0  }
0x20: {  	[sflag:s8] =	ssyncset.s32 @!p0 $0xFFFFF086;
	s6 =	sadd.s32 @!p0 s3, s7;
	s7 =	simm.s32 @!p0 $0x108  }
0x21: {  	s3 =	sadd.s32 s3, s9;
	s6 =	sadd.s32 @!p0 $0x88, s6;
	s7 =	simm.s32 @p2 $0x1082  }
0x22: {  	[simem:s7], [sflag:s8] =	dma.local @!p0 [hbm:s6], $0xF7A  }
0x23: {  	s9 =	sor.u32 $0xD0000000, s2;
	s6 =	simm.s32 $0x108;
	_ =	swait.ge @!p0 [sflag:s8], $0x0  }
0x24: {  	s3 =	sadd.s32 $0x88, s3;
	s6 =	simm.s32 @!p1 $0x1082;
	[sflag:s4] =	ssyncset.s32 $0xFFFFF086  }
0x25: {  	[simem:s6], [sflag:s4] =	dma.local [hbm:s3], $0xF7A  }
0x26: {  	[smem:$0x3F9D] =	sst s1;
	(tag) =	ssettag s2;
	_ =	strace s9  }
0x27: {  	s1 =	sld [smem:$0x3FAD]  }
0x28: {  	s2 =	sld [smem:$0x3FAE]  }
0x29: {  	s4 =	sld [smem:$0x3FB0]  }
0x2a: {  	p0 =	seq.s32 s5, $0x0;
	s5 =	sld [smem:$0x3FB1]  }
0x2b: {  	s6 =	sld [smem:$0x3FB2]  }
0x2c: {  	s7 =	sld [smem:$0x3FB3]  }
0x2d: {  	s3 =	simm.s32 $0x108;
	s8 =	sld [smem:$0x3FB4]  }
0x2e: {  	s3 =	simm.s32 @!p0 $0x1082;
	s9 =	sld [smem:$0x3FB5]  }
0x2f: {  	lr =	sadd.s32 s0, s3;
	s0 =	sld [smem:$0x3FAC]  }
0x30: {  	s3 =	sld [smem:$0x3FAF]  }
0x31: {  	[smem:$0x3FB8] =	sst s10  }
0x32: {  	s10 =	sld [smem:$0x3FB6];
	_ =	sdelay $0x3  }
0x33: {  	p0 =	seq.s32 s10, $0x1;
	s10 =	sld [smem:$0x3FB8];
	_ =	sdelay $0x3  }
0x34: {  	[smem:$0x3FB8] =	sst s10  }
0x35: {  	s10 =	sld [smem:$0x3FB7];
	_ =	sdelay $0x3  }
0x36: {  	p1 =	seq.s32 s10, $0x1;
	s10 =	sld [smem:$0x3FB8];
	_ =	sdelay $0x3  }
0x37: {  	[smem:$0x3FB8] =	sst s10  }
0x38: {  	s10 =	sld [smem:$0x3FB9]  }
0x39: {  	_ = 	snop;
	(pc) =	sbr.ind lr, $3  }
0x3a: {  	_ = 	snop  }
0x3b: {  	_ = 	snop  }
0x3c: {  	p2 =	seq.s32 s10, $0x1;
	s10 =	sld [smem:$0x3FB8]  }
0x3d: {  	_ =	shalt  }
0x3e: {  	_ =	shalt  }
0x3f: {  	_ =	shalt  }
0x40: {  	_ =	shalt  }
0x41: {  	_ =	shalt  }
0x42: {  	_ =	shalt  }
0x43: {  	_ =	shalt  }
0x44: {  	_ =	shalt  }
0x45: {  	_ =	shalt  }
0x46: {  	_ =	shalt  }
0x47: {  	_ =	shalt  }
0x48: {  	_ =	shalt  }
0x49: {  	_ =	shalt  }
0x4a: {  	_ =	shalt  }
0x4b: {  	_ =	shalt  }
0x4c: {  	_ =	shalt  }
0x4d: {  	_ =	shalt  }
0x4e: {  	_ =	shalt  }
0x4f: {  	_ =	shalt  }
0x50: {  	_ =	shalt  }
0x51: {  	_ =	shalt  }
0x52: {  	_ =	shalt  }
0x53: {  	_ =	shalt  }
0x54: {  	_ =	shalt  }
0x55: {  	_ =	shalt  }
0x56: {  	_ =	shalt  }
0x57: {  	_ =	shalt  }
0x58: {  	_ =	shalt  }
0x59: {  	_ =	shalt  }
0x5a: {  	_ =	shalt  }
0x5b: {  	_ =	shalt  }
0x5c: {  	_ =	shalt  }
0x5d: {  	_ =	shalt  }
0x5e: {  	_ =	shalt  }
0x5f: {  	_ =	shalt  }
0x60: {  	_ =	shalt  }
0x61: {  	_ =	shalt  }
0x62: {  	_ =	shalt  }
0x63: {  	_ =	shalt  }
0x64: {  	_ =	shalt  }
0x65: {  	_ =	shalt  }
0x66: {  	_ =	shalt  }
0x67: {  	_ =	shalt  }
0x68: {  	_ =	shalt  }
0x69: {  	_ =	shalt  }
0x6a: {  	_ =	shalt  }
0x6b: {  	_ =	shalt  }
0x6c: {  	_ =	shalt  }
0x6d: {  	_ =	shalt  }
0x6e: {  	_ =	shalt  }
0x6f: {  	_ =	shalt  }
0x70: {  	_ =	shalt  }
0x71: {  	_ =	shalt  }
0x72: {  	_ =	shalt  }
0x73: {  	_ =	shalt  }
0x74: {  	_ =	shalt  }
0x75: {  	_ =	shalt  }
0x76: {  	_ =	shalt  }
0x77: {  	_ =	shalt  }
0x78: {  	_ =	shalt  }
0x79: {  	_ =	shalt  }
0x7a: {  	_ =	shalt  }
0x7b: {  	_ =	shalt  }
0x7c: {  	_ =	shalt  }
0x7d: {  	_ =	shalt  }
0x7e: {  	_ =	shalt  }
0x7f: {  	_ =	shalt  }
0x80: {  	_ =	shalt  }
0x81: {  	_ =	shalt  }
0x82: {  	_ =	shalt  }
0x83: {  	_ =	shalt  }
0x84: {  	_ =	shalt  }
0x85: {  	_ =	shalt  }
0x86: {  	_ =	shalt  }
0x87: {  	_ =	shalt  }
.Lfunc_end0:
.L_simem_size_0:
called_computation_lowered:
.L_overlay_start_0:
0x88: {  	s2 =	sld [smem:$0x3FD9]  }
0x89: {  	s3 =	sld [smem:$0x3FFE];
	_ =	sdelay $0x1  }
0x8a: {  	s1 =	srdreg.scid  }
0x8b: {  	s0 =	sand.u32 $0x1, s1  }
0x8c: {  	s17 =	sshll.u32 s0, $0xA;
	s2 =	sadd.s32 s3, s2  }
0x8d: {  	s2 =	sadd.s32 s2, s17  }
0x8e: {  	[smem:$0x3FC4] =	sst s2  }
0x8f: {  	_ = 	snop  }
0x90: {  	s2 =	sld [smem:$0x3FD0];
	(tm) =	ssettm $0x1  }
0x91: {  	s18 =	sld [smem:$0x3FFB];
	_ =	sdelay $0x3  }
0x92: {  	_ =	strace s18  }
0x93: {  	s3 =	sld [smem:$0x3FFC];
	_ =	sdelay $0x3  }
0x94: {  	_ =	strace s3  }
0x95: {  	s3 =	sld [smem:$0x3FFD];
	_ =	sdelay $0x3  }
0x96: {  	_ =	strace s3  }
0x97: {  	_ =	strace $0x8FFFFFFF  }
0x98: {  	s19 =	sld [smem:$0x3FDB];
	_ =	sdelay $0x1  }
0x99: {  	s4 =	simm.s32 $_scs_section_size  }
0x9a: {  	s5 =	simm.s32 $_size__tile_overlayer_lowered;
	s6 =	simm.s32 $_tile_overlayer_lowered  }
0x9b: {  	s22 =	simm.s32 $0x1BFF;
	s21 =	sshll.u32 s6, $0x1;
	s3 =	sadd.s32 s4, s19  }
0x9c: {  	s7 =	simm.s32 $0x0;
	s20 =	sshll.u32 s5, $0x1;
	s5 =	sadd.s32 s21, s3  }
0x9d: {  	[timem:s7], [sflag:s22] =	dma.local [hbm:s5], s20  }
0x9e: {  	_ =	swait.ge [sflag:s22], s20  }
0x9f: {  	s4 =	ssub.s32 $0x0, s20;
	[sflag:s22] =	ssyncset.done $0x0  }
0xa0: {  	[sflag:s22] =	ssyncadd.s32 s4;
	_ =	sdelay $0x1  }
0xa1: {  	s23 =	simm.s32 $0x1B8B  }
0xa2: {  	_ =	swait.ge [sflag:s23], $0x1  }
0xa3: {  	[sflag:s23] =	ssyncset.done $0x0  }
0xa4: {  	s25 =	simm.s32 $0x1B8E;
	s24 =	sld [smem:$0x3FFE];
	[sflag:s23] =	ssyncadd.s32 $0xFFFFFFFF  }
0xa5: {  	s26 =	simm.s32 $execute0_lowered;
	[smem:$0x3FD2] =	sst s25  }
0xa6: {  	s5 =	sshll.u32 s26, $0x1;
	_ =	strace $0x80000046;
	[dreg:$0x1] =	wrdreg $0xFFFFFFFF  }
0xa7: {  	s28 =	simm.s32 $_size_execute0_lowered;
	s3 =	sadd.s32 s3, s5;
	[dreg:$0x0] =	wrdreg $0x0  }
0xa8: {  	s5 =	sshll.u32 s28, $0x1;
	[dreg:$0x2] =	wrdreg s3  }
0xa9: {  	[dreg:$0x3] =	wrdreg s5  }
0xaa: {  	[dreg:$0x4] =	wrdreg $0xC0  }
0xab: {  	_ =	task [dreg:s7], $0x5FFFF  }
0xac: {  	[dreg:$0x1] =	wrdreg $0xFFFFFFFF  }
0xad: {  	[dreg:$0x0] =	wrdreg $0x60  }
0xae: {  	[dreg:$0x2] =	wrdreg s24  }
0xaf: {  	[dreg:$0x3] =	wrdreg s2  }
0xb0: {  	[dreg:$0x4] =	wrdreg $0x9  }
0xb1: {  	_ =	task.clear_ibuf [dreg:s7], $0x5FFFF;
	_ =	strace $0x90000046  }
0xb2: {  	s29 =	simm.s32 $0x9;
	_ =	strace $0x80000048  }
0xb3: {  	_ =	swait.ge [sflag:s29], $0x1  }
0xb4: {  	[sflag:s29] =	ssyncadd.s32 $0xFFFFFFFF  }
0xb5: {  	_ =	strace $0x90000048  }
0xb6: {  	_ =	sfence  }
0xb7: {  	s30 =	sld [smem:$0x0];
	_ =	sdelay $0x2  }
0xb8: {  	s31 =	sshll.u32 s1, $0xD;
	s1 =	sshrl.u32 s1, $0x2  }
0xb9: {  	s3 =	sand.u32 $0x4000, s31;
	s1 =	sadd.s32 s1, s30  }
0xba: {  	s0 =	sor.u32 s3, s0;
	s1 =	sshll.u32 s1, $0x11  }
0xbb: {  	s0 =	sor.u32 s1, s0  }
0xbc: {  	s0 =	sadd.s32 $0x8F2B, s0  }
0xbd: {  	[sflag:s0] =	ssyncadd.remote.s32 $0x1  }
0xbe: {  	_ =	sfence.sel $0xFFFF  }
0xbf: {  	[dreg:$0x0] =	wrdreg $0xFFFFFFFF;
	(pc) =	sbr.abs _section_cstart, $3  }
0xc0: {  	[dreg:$0x1] =	wrdreg $0xFFFFFFFF  }
0xc1: {  	_ =	task.clear_ibuf [dreg:s7], $0x2FFFF;
	_ =	strace $0x9FFFFFFF  }
0xc2: {  	(tm) =	ssettm $0x7FFFFFFF  }
0xc3: {  	_ =	shalt  }
tec
execute0_lowered:
.L_overlay_start_1:
0x0: {  	(tag) =	ssettag $0x1  }
0x1: {  	s0 =	rddreg [dreg:$0x0]  }
0x2: {  	s1 =	srdreg.scid;
	s10 =	stileid.u32  }
0x3: {  	s4 =	rddreg [dreg:$0x1];
	s2 =	simm.s32 $0x0;
	s28 =	simm.s32 $0x6900  }
0x4: {  	s11 =	simm.s32 $0x6600;
	s12 =	simm.s32 $0xE900;
	s13 =	simm.s32 $0x6680  }
0x5: {  	s30 =	simm.s32 $0x16900;
	s1 =	sand.u32 $0x1, s1;
	s3 =	sshll.u32 s10, $0x1  }
0x6: {  	s31 =	simm.s32 $0x3;
	s19 =	smul.u32 $0xC8000, s10;
	s5 =	sor.u32 s1, s3  }
0x7: {  	s29 =	simm.s32 $0xB;
	[smem:$0x7FF] =	sst s2;
	s6 =	smul.u32 $0x6400, s5  }
0x8: {  	s10 =	simm.s32 $0xC900;
	s8 =	ssub.s32 $0x2, s1;
	s7 =	smul.u32 $0x320000, s5  }
0x9: {  	_ =	strace $0x80000047;
	s9 =	sshrl.u32 s8, $0x1;
	s5 =	smul.u32 $0x64000, s5  }
0xa: {  	s3 =	sadd.s32 $0x19400, s0;
	s1 =	smul.u32 $0x64000, s1;
	s14 =	ssub.s32 s8, s9  }
0xb: {  	s6 =	sshrl.u32 s6, $0x3;
	s7 =	sshrl.u32 s7, $0x3;
	s15 =	sadd.s32 s4, s5  }
0xc: {  	s26 =	smax.u32 s14, $0x1;
	s0 =	sadd.s32 s6, s0;
	[dreg:$0x5] =	wrdreg s15  }
0xd: {  	s7 =	sadd.s32 s4, s7;
	[dreg:$0xf] =	wrdreg s26;
	s0 =	sadd.s32 $0x400, s0  }
0xe: {  	s9 =	simm.s32 $0xA900;
	s16 =	sadd.s32 $0x61C00, s7;
	[dreg:$0x4] =	wrdreg s0  }
0xf: {  	s8 =	simm.s32 $0xD;
	s17 =	sadd.s32 $0x62000, s7;
	[dreg:$0x6] =	wrdreg s16  }
0x10: {  	s5 =	simm.s32 $0x6480;
	s18 =	sadd.s32 $0x62400, s7;
	[dreg:$0x7] =	wrdreg s17  }
0x11: {  	s14 =	simm.s32 $0x10900;
	s20 =	sadd.s32 $0x62800, s7;
	[dreg:$0x8] =	wrdreg s18  }
0x12: {  	s6 =	simm.s32 $0x6500;
	s21 =	sadd.s32 $0x62C00, s7;
	[dreg:$0x9] =	wrdreg s20  }
0x13: {  	s15 =	simm.s32 $0x6700;
	s22 =	sadd.s32 $0x63000, s7;
	[dreg:$0xa] =	wrdreg s21  }
0x14: {  	s26 =	simm.s32 $0x2;
	s23 =	sadd.s32 $0x63400, s7;
	[dreg:$0xb] =	wrdreg s22  }
0x15: {  	s24 =	sadd.s32 $0x63800, s7;
	s25 =	sadd.s32 $0x63C00, s7;
	[dreg:$0xc] =	wrdreg s23  }
0x16: {  	s7 =	simm.s32 $0x6580;
	s0 =	sadd.s32 s19, s4;
	[dreg:$0xd] =	wrdreg s24  }
0x17: {  	[dreg:$0xe] =	wrdreg s25;
	s17 =	simm.s32 $0x40;
	s25 =	simm.s32 $0x6400  }
0x18: {  	s4 =	simm.s32 $0x8900;
	s16 =	simm.s32 $0x12900;
	s18 =	simm.s32 $0x6780  }
0x19: {  	s20 =	simm.s32 $0x14900;
	s22 =	simm.s32 $0x6800;
	s24 =	simm.s32 $0x1  }
0x1a: {  	s19 =	simm.s32 $0x5;
	s21 =	simm.s32 $0x6880;
	s0 =	sadd.s32 s1, s0  }
0x1b: {  	s1 =	simm.s32 $0x18900;
	[dreg:$0x3] =	wrdreg s0;
	s0 =	simm.s32 $0x0  }
.LBB2_1:
0x1c: {  	[dreg:$0x10] =	wrdreg s0  }
0x1d: {  	s23 =	rddreg [dreg:$0x4];
	s0 =	simm.s32 $0x15  }
0x1e: {  	[tilespmem:s2], [sflag:$0x15] =	stream.linear.gather [hbm4b:s23+s2], $0x6400, $0x38;
	[tilespmem:$0x1A900] =	vst v63  }
0x1f: {  	_ =	swait.ge [sflag:s0], $0x6400  }
0x20: {  	[sflag:s0] =	ssyncset.done $0x0  }
0x21: {  	[sflag:s0] =	ssyncadd.s32 $0xFFFF9C00  }
0x22: {  	v0 =	vld [tilespmem:$0x0]  }
0x23: {  	v1 =	vld [tilespmem:$0x10]  }
0x24: {  	v2 =	vld [tilespmem:$0x20]  }
0x25: {  	v3 =	vld [tilespmem:$0x30];
	_ =	sdelay $0x1  }
0x26: {  	v4 =	vshra.s32 v0, $0x8  }
0x27: {  	v0 =	vand.u32 $0xFF, v0;
	v5 =	vshra.s32 v1, $0x8;
	v4 =	vmul.u32 $0xC8, v4  }
0x28: {  	v33 =	vshra.s32 v2, $0x8;
	v1 =	vand.u32 $0xFF, v1;
	v32 =	vmul.u32 $0xC8, v5  }
0x29: {  	v6 =	vshra.s32 v3, $0x8;
	v5 =	vmul.u32 $0xC8, v33;
	v0 =	vadd.s32 v0, v4  }
0x2a: {  	v35 =	vand.u32 $0xFF, v2;
	v36 =	vmul.u32 $0xC8, v6;
	v34 =	vadd.s32 v1, v32;
	[tilespmem:$0x6400] =	vst v0  }
0x2b: {  	v38 =	vand.u32 $0xFF, v3;
	v37 =	vadd.s32 v35, v5;
	[tilespmem:$0x6410] =	vst v34  }
0x2c: {  	v39 =	vadd.s32 v38, v36;
	[tilespmem:$0x6420] =	vst v37  }
0x2d: {  	[tilespmem:$0x6430] =	vst v39  }
0x2e: {  	[tilespmem:s28], [sflag:$0x1] =	stream.indirect.gather [hbm4b:s3+s17], $0x80, s25, s17, $0xb8;
	[tilespmem:$0x1A900] =	vst v63  }
0x2f: {  	v40 =	vld [tilespmem:$0x40]  }
0x30: {  	v41 =	vld [tilespmem:$0x50]  }
0x31: {  	v42 =	vld [tilespmem:$0x60]  }
0x32: {  	v43 =	vld [tilespmem:$0x70];
	_ =	sdelay $0x1  }
0x33: {  	v44 =	vshra.s32 v40, $0x8  }
0x34: {  	v0 =	vand.u32 $0xFF, v40;
	v45 =	vshra.s32 v41, $0x8;
	v4 =	vmul.u32 $0xC8, v44  }
0x35: {  	v47 =	vshra.s32 v42, $0x8;
	v1 =	vand.u32 $0xFF, v41;
	v46 =	vmul.u32 $0xC8, v45  }
0x36: {  	v48 =	vshra.s32 v43, $0x8;
	v5 =	vmul.u32 $0xC8, v47;
	v0 =	vadd.s32 v0, v4  }
0x37: {  	v50 =	vand.u32 $0xFF, v42;
	v51 =	vmul.u32 $0xC8, v48;
	v49 =	vadd.s32 v1, v46;
	[tilespmem:$0x6480] =	vst v0  }
0x38: {  	v53 =	vand.u32 $0xFF, v43;
	v52 =	vadd.s32 v50, v5;
	[tilespmem:$0x6490] =	vst v49  }
0x39: {  	v54 =	vadd.s32 v53, v51;
	[tilespmem:$0x64A0] =	vst v52  }
0x3a: {  	[tilespmem:$0x64B0] =	vst v54  }
0x3b: {  	[tilespmem:s4], [sflag:$0x2] =	stream.indirect.gather [hbm4b:s3+s17], $0x80, s5, s17, $0xb8;
	[tilespmem:$0x1A900] =	vst v63  }
0x3c: {  	v55 =	vld [tilespmem:$0x80]  }
0x3d: {  	v56 =	vld [tilespmem:$0x90]  }
0x3e: {  	v57 =	vld [tilespmem:$0xA0]  }
0x3f: {  	v58 =	vld [tilespmem:$0xB0];
	_ =	sdelay $0x1  }
0x40: {  	v59 =	vshra.s32 v55, $0x8  }
0x41: {  	v0 =	vand.u32 $0xFF, v55;
	v60 =	vshra.s32 v56, $0x8;
	v4 =	vmul.u32 $0xC8, v59  }
0x42: {  	v62 =	vshra.s32 v57, $0x8;
	v1 =	vand.u32 $0xFF, v56;
	v61 =	vmul.u32 $0xC8, v60  }
0x43: {  	v63 =	vshra.s32 v58, $0x8;
	v5 =	vmul.u32 $0xC8, v62;
	v0 =	vadd.s32 v0, v4  }
0x44: {  	v10 =	vand.u32 $0xFF, v57;
	v11 =	vmul.u32 $0xC8, v63;
	v9 =	vadd.s32 v1, v61;
	[tilespmem:$0x6500] =	vst v0  }
0x45: {  	v13 =	vand.u32 $0xFF, v58;
	v12 =	vadd.s32 v10, v5;
	[tilespmem:$0x6510] =	vst v9  }
0x46: {  	v14 =	vadd.s32 v13, v11;
	[tilespmem:$0x6520] =	vst v12  }
0x47: {  	[tilespmem:$0x6530] =	vst v14  }
0x48: {  	[tilespmem:s9], [sflag:$0x3] =	stream.indirect.gather [hbm4b:s3+s17], $0x80, s6, s17, $0xb8;
	[tilespmem:$0x1A900] =	vst v63  }
0x49: {  	v15 =	vld [tilespmem:$0xC0]  }
0x4a: {  	v16 =	vld [tilespmem:$0xD0]  }
0x4b: {  	v17 =	vld [tilespmem:$0xE0]  }
0x4c: {  	v18 =	vld [tilespmem:$0xF0];
	_ =	sdelay $0x1  }
0x4d: {  	v19 =	vshra.s32 v15, $0x8  }
0x4e: {  	v0 =	vand.u32 $0xFF, v15;
	v20 =	vshra.s32 v16, $0x8;
	v4 =	vmul.u32 $0xC8, v19  }
0x4f: {  	v22 =	vshra.s32 v17, $0x8;
	v1 =	vand.u32 $0xFF, v16;
	v21 =	vmul.u32 $0xC8, v20  }
0x50: {  	v23 =	vshra.s32 v18, $0x8;
	v5 =	vmul.u32 $0xC8, v22;
	v0 =	vadd.s32 v0, v4  }
0x51: {  	v25 =	vand.u32 $0xFF, v17;
	v26 =	vmul.u32 $0xC8, v23;
	v24 =	vadd.s32 v1, v21;
	[tilespmem:$0x6580] =	vst v0  }
0x52: {  	v28 =	vand.u32 $0xFF, v18;
	v27 =	vadd.s32 v25, v5;
	[tilespmem:$0x6590] =	vst v24  }
0x53: {  	v29 =	vadd.s32 v28, v26;
	[tilespmem:$0x65A0] =	vst v27  }
0x54: {  	[tilespmem:$0x65B0] =	vst v29  }
0x55: {  	[tilespmem:s10], [sflag:$0x4] =	stream.indirect.gather [hbm4b:s3+s17], $0x80, s7, s17, $0xb8;
	[tilespmem:$0x1A900] =	vst v63  }
0x56: {  	v30 =	vld [tilespmem:$0x100]  }
0x57: {  	v31 =	vld [tilespmem:$0x110]  }
0x58: {  	v32 =	vld [tilespmem:$0x120]  }
0x59: {  	v33 =	vld [tilespmem:$0x130];
	_ =	sdelay $0x1  }
0x5a: {  	v34 =	vshra.s32 v30, $0x8  }
0x5b: {  	v0 =	vand.u32 $0xFF, v30;
	v35 =	vshra.s32 v31, $0x8;
	v4 =	vmul.u32 $0xC8, v34  }
0x5c: {  	v37 =	vshra.s32 v32, $0x8;
	v1 =	vand.u32 $0xFF, v31;
	v36 =	vmul.u32 $0xC8, v35  }
0x5d: {  	v38 =	vshra.s32 v33, $0x8;
	v5 =	vmul.u32 $0xC8, v37;
	v0 =	vadd.s32 v0, v4  }
0x5e: {  	v40 =	vand.u32 $0xFF, v32;
	v41 =	vmul.u32 $0xC8, v38;
	v39 =	vadd.s32 v1, v36;
	[tilespmem:$0x6600] =	vst v0  }
0x5f: {  	v43 =	vand.u32 $0xFF, v33;
	v42 =	vadd.s32 v40, v5;
	[tilespmem:$0x6610] =	vst v39  }
0x60: {  	v44 =	vadd.s32 v43, v41;
	[tilespmem:$0x6620] =	vst v42  }
0x61: {  	[tilespmem:$0x6630] =	vst v44  }
0x62: {  	[tilespmem:s12], [sflag:$0x5] =	stream.indirect.gather [hbm4b:s3+s17], $0x80, s11, s17, $0xb8;
	[tilespmem:$0x1A900] =	vst v63  }
0x63: {  	v45 =	vld [tilespmem:$0x140]  }
0x64: {  	v46 =	vld [tilespmem:$0x150]  }
0x65: {  	v47 =	vld [tilespmem:$0x160]  }
0x66: {  	v48 =	vld [tilespmem:$0x170];
	_ =	sdelay $0x1  }
0x67: {  	v49 =	vshra.s32 v45, $0x8  }
0x68: {  	v0 =	vand.u32 $0xFF, v45;
	v50 =	vshra.s32 v46, $0x8;
	v4 =	vmul.u32 $0xC8, v49  }
0x69: {  	v52 =	vshra.s32 v47, $0x8;
	v1 =	vand.u32 $0xFF, v46;
	v51 =	vmul.u32 $0xC8, v50  }
0x6a: {  	v53 =	vshra.s32 v48, $0x8;
	v5 =	vmul.u32 $0xC8, v52;
	v0 =	vadd.s32 v0, v4  }
0x6b: {  	v55 =	vand.u32 $0xFF, v47;
	v56 =	vmul.u32 $0xC8, v53;
	v54 =	vadd.s32 v1, v51;
	[tilespmem:$0x6680] =	vst v0  }
0x6c: {  	v58 =	vand.u32 $0xFF, v48;
	v57 =	vadd.s32 v55, v5;
	[tilespmem:$0x6690] =	vst v54  }
0x6d: {  	v59 =	vadd.s32 v58, v56;
	[tilespmem:$0x66A0] =	vst v57  }
0x6e: {  	[tilespmem:$0x66B0] =	vst v59  }
0x6f: {  	[tilespmem:s14], [sflag:$0x6] =	stream.indirect.gather [hbm4b:s3+s17], $0x80, s13, s17, $0xb8;
	[tilespmem:$0x1A900] =	vst v63  }
0x70: {  	v60 =	vld [tilespmem:$0x180]  }
0x71: {  	v61 =	vld [tilespmem:$0x190]  }
0x72: {  	v62 =	vld [tilespmem:$0x1A0]  }
0x73: {  	v63 =	vld [tilespmem:$0x1B0];
	_ =	sdelay $0x1  }
0x74: {  	v8 =	vshra.s32 v60, $0x8  }
0x75: {  	v0 =	vand.u32 $0xFF, v60;
	v9 =	vshra.s32 v61, $0x8;
	v4 =	vmul.u32 $0xC8, v8  }
0x76: {  	v11 =	vshra.s32 v62, $0x8;
	v1 =	vand.u32 $0xFF, v61;
	v10 =	vmul.u32 $0xC8, v9  }
0x77: {  	v12 =	vshra.s32 v63, $0x8;
	v5 =	vmul.u32 $0xC8, v11;
	v0 =	vadd.s32 v0, v4  }
0x78: {  	v14 =	vand.u32 $0xFF, v62;
	v15 =	vmul.u32 $0xC8, v12;
	v13 =	vadd.s32 v1, v10;
	[tilespmem:$0x6700] =	vst v0  }
0x79: {  	v17 =	vand.u32 $0xFF, v63;
	v16 =	vadd.s32 v14, v5;
	[tilespmem:$0x6710] =	vst v13  }
0x7a: {  	v18 =	vadd.s32 v17, v15;
	[tilespmem:$0x6720] =	vst v16  }
0x7b: {  	[tilespmem:$0x6730] =	vst v18  }
0x7c: {  	[tilespmem:s16], [sflag:$0x7] =	stream.indirect.gather [hbm4b:s3+s17], $0x80, s15, s17, $0xb8;
	[tilespmem:$0x1A900] =	vst v63  }
0x7d: {  	v19 =	vld [tilespmem:$0x1C0]  }
0x7e: {  	v20 =	vld [tilespmem:$0x1D0]  }
0x7f: {  	v21 =	vld [tilespmem:$0x1E0]  }
0x80: {  	v22 =	vld [tilespmem:$0x1F0];
	_ =	sdelay $0x1  }
0x81: {  	v23 =	vshra.s32 v19, $0x8  }
0x82: {  	v0 =	vand.u32 $0xFF, v19;
	v24 =	vshra.s32 v20, $0x8;
	v4 =	vmul.u32 $0xC8, v23  }
0x83: {  	v26 =	vshra.s32 v21, $0x8;
	v1 =	vand.u32 $0xFF, v20;
	v25 =	vmul.u32 $0xC8, v24  }
0x84: {  	v27 =	vshra.s32 v22, $0x8;
	v5 =	vmul.u32 $0xC8, v26;
	v0 =	vadd.s32 v0, v4  }
0x85: {  	v29 =	vand.u32 $0xFF, v21;
	v30 =	vmul.u32 $0xC8, v27;
	v28 =	vadd.s32 v1, v25;
	[tilespmem:$0x6780] =	vst v0  }
0x86: {  	v32 =	vand.u32 $0xFF, v22;
	v31 =	vadd.s32 v29, v5;
	[tilespmem:$0x6790] =	vst v28  }
0x87: {  	v33 =	vadd.s32 v32, v30;
	[tilespmem:$0x67A0] =	vst v31  }
0x88: {  	[tilespmem:$0x67B0] =	vst v33  }
0x89: {  	[tilespmem:s20], [sflag:$0x8] =	stream.indirect.gather [hbm4b:s3+s17], $0x80, s18, s17, $0xb8;
	[tilespmem:$0x1A900] =	vst v63  }
0x8a: {  	v34 =	vld [tilespmem:$0x200]  }
0x8b: {  	v35 =	vld [tilespmem:$0x210]  }
0x8c: {  	v36 =	vld [tilespmem:$0x220]  }
0x8d: {  	v37 =	vld [tilespmem:$0x230];
	_ =	sdelay $0x1  }
0x8e: {  	v38 =	vshra.s32 v34, $0x8  }
0x8f: {  	v0 =	vand.u32 $0xFF, v34;
	v39 =	vshra.s32 v35, $0x8;
	v4 =	vmul.u32 $0xC8, v38  }
0x90: {  	v41 =	vshra.s32 v36, $0x8;
	v1 =	vand.u32 $0xFF, v35;
	v40 =	vmul.u32 $0xC8, v39  }
0x91: {  	v42 =	vshra.s32 v37, $0x8;
	v5 =	vmul.u32 $0xC8, v41;
	v0 =	vadd.s32 v0, v4  }
0x92: {  	v44 =	vand.u32 $0xFF, v36;
	v45 =	vmul.u32 $0xC8, v42;
	v43 =	vadd.s32 v1, v40;
	[tilespmem:$0x6800] =	vst v0  }
0x93: {  	v47 =	vand.u32 $0xFF, v37;
	v46 =	vadd.s32 v44, v5;
	[tilespmem:$0x6810] =	vst v43  }
0x94: {  	v48 =	vadd.s32 v47, v45;
	[tilespmem:$0x6820] =	vst v46  }
0x95: {  	[tilespmem:$0x6830] =	vst v48  }
0x96: {  	[tilespmem:s30], [sflag:$0x9] =	stream.indirect.gather [hbm4b:s3+s17], $0x80, s22, s17, $0xb8;
	[tilespmem:$0x1A900] =	vst v63  }
0x97: {  	_ =	swait.ge [sflag:s24], $0x2000  }
0x98: {  	[sflag:s24] =	ssyncset.done $0x0  }
0x99: {  	s25 =	rddreg [dreg:$0x5];
	[sflag:s24] =	ssyncadd.s32 $0xFFFFE000  }
0x9a: {  	[hbm4b:s25+s2] =	stream.linear.scatter [tilespmem:s28], [sflag:$0xB], $0x2000, $0x38;
	[tilespmem:$0x1A900] =	vst v63  }
0x9b: {  	v49 =	vld [tilespmem:$0x240]  }
0x9c: {  	v50 =	vld [tilespmem:$0x250]  }
0x9d: {  	v51 =	vld [tilespmem:$0x260]  }
0x9e: {  	v52 =	vld [tilespmem:$0x270];
	_ =	sdelay $0x1  }
0x9f: {  	v53 =	vshra.s32 v49, $0x8  }
0xa0: {  	v0 =	vand.u32 $0xFF, v49;
	v54 =	vshra.s32 v50, $0x8;
	v4 =	vmul.u32 $0xC8, v53  }
0xa1: {  	v56 =	vshra.s32 v51, $0x8;
	v1 =	vand.u32 $0xFF, v50;
	v55 =	vmul.u32 $0xC8, v54  }
0xa2: {  	v57 =	vshra.s32 v52, $0x8;
	v5 =	vmul.u32 $0xC8, v56;
	v0 =	vadd.s32 v0, v4  }
0xa3: {  	v59 =	vand.u32 $0xFF, v51;
	v60 =	vmul.u32 $0xC8, v57;
	v58 =	vadd.s32 v1, v55;
	[tilespmem:$0x6880] =	vst v0  }
0xa4: {  	v62 =	vand.u32 $0xFF, v52;
	v61 =	vadd.s32 v59, v5;
	[tilespmem:$0x6890] =	vst v58  }
0xa5: {  	s23 =	simm.s32 $0x4F0;
	s0 =	simm.s32 $0xC;
	v63 =	vadd.s32 v62, v60;
	[tilespmem:$0x68A0] =	vst v61  }
0xa6: {  	s5 =	simm.s32 $0x4;
	s30 =	simm.s32 $0x6880;
	s25 =	simm.s32 $0x0;
	[tilespmem:$0x68B0] =	vst v63  }
0xa7: {  	[tilespmem:s1], [sflag:$0xA] =	stream.indirect.gather [hbm4b:s3+s17], $0x80, s30, s17, $0xb8;
	[tilespmem:$0x1A900] =	vst v63  }
.LBB2_2:
0xa8: {  	_ =	swait.ge [sflag:s26], $0x2000  }
0xa9: {  	s28 =	rddreg [dreg:$0x3]  }
0xaa: {  	[sflag:s26] =	ssyncset.done $0x0;
	s28 =	sadd.s32 s25, s28  }
0xab: {  	s6 =	simm.s32 $0x8900;
	[sflag:s26] =	ssyncadd.s32 $0xFFFFE000;
	s30 =	sadd.s32 $0x400, s28  }
0xac: {  	[hbm4b:s30+s2] =	stream.linear.scatter [tilespmem:s6], [sflag:$0xC], $0x2000, $0x38;
	[tilespmem:$0x1A900] =	vst v63  }
0xad: {  	_ =	swait.ge [sflag:s29], $0x2000  }
0xae: {  	[sflag:s29] =	ssyncset.done $0x0  }
0xaf: {  	[sflag:s29] =	ssyncadd.s32 $0xFFFFE000  }
0xb0: {  	v0 =	vld [tilespmem:s23+$0xFFFFFD90];
	_ =	sdelay $0x4  }
0xb1: {  	v1 =	vshra.s32 v0, $0x8  }
0xb2: {  	v1 =	vmul.u32 $0xC8, v1  }
0xb3: {  	v0 =	vand.u32 $0xFF, v0  }
0xb4: {  	v0 =	vadd.s32 v0, v1  }
0xb5: {  	[tilespmem:$0x6400] =	vst v0  }
0xb6: {  	v0 =	vld [tilespmem:s23+$0xFFFFFDA0];
	_ =	sdelay $0x4  }
0xb7: {  	v16 =	vshra.s32 v0, $0x8  }
0xb8: {  	v1 =	vmul.u32 $0xC8, v16  }
0xb9: {  	v0 =	vand.u32 $0xFF, v0  }
0xba: {  	v0 =	vadd.s32 v0, v1  }
0xbb: {  	[tilespmem:$0x6410] =	vst v0  }
0xbc: {  	v0 =	vld [tilespmem:s23+$0xFFFFFDB0];
	_ =	sdelay $0x4  }
0xbd: {  	v17 =	vshra.s32 v0, $0x8  }
0xbe: {  	v1 =	vmul.u32 $0xC8, v17  }
0xbf: {  	v0 =	vand.u32 $0xFF, v0  }
0xc0: {  	v0 =	vadd.s32 v0, v1  }
0xc1: {  	[tilespmem:$0x6420] =	vst v0  }
0xc2: {  	v0 =	vld [tilespmem:s23+$0xFFFFFDC0];
	_ =	sdelay $0x4  }
0xc3: {  	v18 =	vshra.s32 v0, $0x8  }
0xc4: {  	v1 =	vmul.u32 $0xC8, v18  }
0xc5: {  	v0 =	vand.u32 $0xFF, v0  }
0xc6: {  	v0 =	vadd.s32 v0, v1  }
0xc7: {  	s1 =	simm.s32 $0x6900;
	s4 =	simm.s32 $0x6400;
	[tilespmem:$0x6430] =	vst v0  }
0xc8: {  	[tilespmem:s1], [sflag:$0x1] =	stream.indirect.gather [hbm4b:s3+s17], $0x80, s4, s17, $0xb8;
	[tilespmem:$0x1A900] =	vst v63  }
0xc9: {  	_ =	swait.ge [sflag:s31], $0x2000  }
0xca: {  	[sflag:s31] =	ssyncset.done $0x0  }
0xcb: {  	s7 =	simm.s32 $0xA900;
	s30 =	sadd.s32 $0x800, s28;
	[sflag:s31] =	ssyncadd.s32 $0xFFFFE000  }
0xcc: {  	[hbm4b:s30+s2] =	stream.linear.scatter [tilespmem:s7], [sflag:$0xD], $0x2000, $0x38;
	[tilespmem:$0x1A900] =	vst v63  }
0xcd: {  	_ =	swait.ge [sflag:s0], $0x2000  }
0xce: {  	[sflag:s0] =	ssyncset.done $0x0  }
0xcf: {  	[sflag:s0] =	ssyncadd.s32 $0xFFFFE000  }
0xd0: {  	v19 =	vld [tilespmem:s23+$0xFFFFFDD0];
	_ =	sdelay $0x4  }
0xd1: {  	v20 =	vshra.s32 v19, $0x8  }
0xd2: {  	v1 =	vmul.u32 $0xC8, v20  }
0xd3: {  	v0 =	vand.u32 $0xFF, v19  }
0xd4: {  	v0 =	vadd.s32 v0, v1  }
0xd5: {  	[tilespmem:$0x6480] =	vst v0  }
0xd6: {  	v0 =	vld [tilespmem:s23+$0xFFFFFDE0];
	_ =	sdelay $0x4  }
0xd7: {  	v21 =	vshra.s32 v0, $0x8  }
0xd8: {  	v1 =	vmul.u32 $0xC8, v21  }
0xd9: {  	v0 =	vand.u32 $0xFF, v0  }
0xda: {  	v0 =	vadd.s32 v0, v1  }
0xdb: {  	[tilespmem:$0x6490] =	vst v0  }
0xdc: {  	v0 =	vld [tilespmem:s23+$0xFFFFFDF0];
	_ =	sdelay $0x4  }
0xdd: {  	v22 =	vshra.s32 v0, $0x8  }
0xde: {  	v1 =	vmul.u32 $0xC8, v22  }
0xdf: {  	v0 =	vand.u32 $0xFF, v0  }
0xe0: {  	v0 =	vadd.s32 v0, v1  }
0xe1: {  	[tilespmem:$0x64A0] =	vst v0  }
0xe2: {  	v0 =	vld [tilespmem:s23+$0xFFFFFE00];
	_ =	sdelay $0x4  }
0xe3: {  	v23 =	vshra.s32 v0, $0x8  }
0xe4: {  	v1 =	vmul.u32 $0xC8, v23  }
0xe5: {  	v0 =	vand.u32 $0xFF, v0  }
0xe6: {  	v0 =	vadd.s32 v0, v1  }
0xe7: {  	s9 =	simm.s32 $0x6480;
	[tilespmem:$0x64B0] =	vst v0  }
0xe8: {  	[tilespmem:s6], [sflag:$0x2] =	stream.indirect.gather [hbm4b:s3+s17], $0x80, s9, s17, $0xb8;
	[tilespmem:$0x1A900] =	vst v63  }
0xe9: {  	_ =	swait.ge [sflag:s5], $0x2000  }
0xea: {  	[sflag:s5] =	ssyncset.done $0x0  }
0xeb: {  	s11 =	simm.s32 $0xC900;
	s30 =	sadd.s32 $0xC00, s28;
	[sflag:s5] =	ssyncadd.s32 $0xFFFFE000  }
0xec: {  	[hbm4b:s30+s2] =	stream.linear.scatter [tilespmem:s11], [sflag:$0xE], $0x2000, $0x38;
	[tilespmem:$0x1A900] =	vst v63  }
0xed: {  	_ =	swait.ge [sflag:s8], $0x2000  }
0xee: {  	[sflag:s8] =	ssyncset.done $0x0  }
0xef: {  	[sflag:s8] =	ssyncadd.s32 $0xFFFFE000  }
0xf0: {  	v24 =	vld [tilespmem:s23+$0xFFFFFE10];
	_ =	sdelay $0x4  }
0xf1: {  	v25 =	vshra.s32 v24, $0x8  }
0xf2: {  	v1 =	vmul.u32 $0xC8, v25  }
0xf3: {  	v0 =	vand.u32 $0xFF, v24  }
0xf4: {  	v0 =	vadd.s32 v0, v1  }
0xf5: {  	[tilespmem:$0x6500] =	vst v0  }
0xf6: {  	v0 =	vld [tilespmem:s23+$0xFFFFFE20];
	_ =	sdelay $0x4  }
0xf7: {  	v26 =	vshra.s32 v0, $0x8  }
0xf8: {  	v1 =	vmul.u32 $0xC8, v26  }
0xf9: {  	v0 =	vand.u32 $0xFF, v0  }
0xfa: {  	v0 =	vadd.s32 v0, v1  }
0xfb: {  	[tilespmem:$0x6510] =	vst v0  }
0xfc: {  	v0 =	vld [tilespmem:s23+$0xFFFFFE30];
	_ =	sdelay $0x4  }
0xfd: {  	v27 =	vshra.s32 v0, $0x8  }
0xfe: {  	v1 =	vmul.u32 $0xC8, v27  }
0xff: {  	v0 =	vand.u32 $0xFF, v0  }
0x100: {  	v0 =	vadd.s32 v0, v1  }
0x101: {  	[tilespmem:$0x6520] =	vst v0  }
0x102: {  	v0 =	vld [tilespmem:s23+$0xFFFFFE40];
	_ =	sdelay $0x4  }
0x103: {  	v28 =	vshra.s32 v0, $0x8  }
0x104: {  	v1 =	vmul.u32 $0xC8, v28  }
0x105: {  	v0 =	vand.u32 $0xFF, v0  }
0x106: {  	v0 =	vadd.s32 v0, v1  }
0x107: {  	s6 =	simm.s32 $0x6500;
	[tilespmem:$0x6530] =	vst v0  }
0x108: {  	[tilespmem:s7], [sflag:$0x3] =	stream.indirect.gather [hbm4b:s3+s17], $0x80, s6, s17, $0xb8;
	[tilespmem:$0x1A900] =	vst v63  }
0x109: {  	_ =	swait.ge [sflag:s19], $0x2000  }
0x10a: {  	s13 =	simm.s32 $0xE900;
	[sflag:s19] =	ssyncset.done $0x0  }
0x10b: {  	s10 =	simm.s32 $0xE;
	s30 =	sadd.s32 $0x1000, s28;
	[sflag:s19] =	ssyncadd.s32 $0xFFFFE000  }
0x10c: {  	[hbm4b:s30+s2] =	stream.linear.scatter [tilespmem:s13], [sflag:$0xF], $0x2000, $0x38;
	[tilespmem:$0x1A900] =	vst v63  }
0x10d: {  	_ =	swait.ge [sflag:s10], $0x2000  }
0x10e: {  	[sflag:s10] =	ssyncset.done $0x0  }
0x10f: {  	[sflag:s10] =	ssyncadd.s32 $0xFFFFE000  }
0x110: {  	v29 =	vld [tilespmem:s23+$0xFFFFFE50];
	_ =	sdelay $0x4  }
0x111: {  	v30 =	vshra.s32 v29, $0x8  }
0x112: {  	v1 =	vmul.u32 $0xC8, v30  }
0x113: {  	v0 =	vand.u32 $0xFF, v29  }
0x114: {  	v0 =	vadd.s32 v0, v1  }
0x115: {  	[tilespmem:$0x6580] =	vst v0  }
0x116: {  	v0 =	vld [tilespmem:s23+$0xFFFFFE60];
	_ =	sdelay $0x4  }
0x117: {  	v31 =	vshra.s32 v0, $0x8  }
0x118: {  	v1 =	vmul.u32 $0xC8, v31  }
0x119: {  	v0 =	vand.u32 $0xFF, v0  }
0x11a: {  	v0 =	vadd.s32 v0, v1  }
0x11b: {  	[tilespmem:$0x6590] =	vst v0  }
0x11c: {  	v0 =	vld [tilespmem:s23+$0xFFFFFE70];
	_ =	sdelay $0x4  }
0x11d: {  	v32 =	vshra.s32 v0, $0x8  }
0x11e: {  	v1 =	vmul.u32 $0xC8, v32  }
0x11f: {  	v0 =	vand.u32 $0xFF, v0  }
0x120: {  	v0 =	vadd.s32 v0, v1  }
0x121: {  	[tilespmem:$0x65A0] =	vst v0  }
0x122: {  	v0 =	vld [tilespmem:s23+$0xFFFFFE80];
	_ =	sdelay $0x4  }
0x123: {  	v33 =	vshra.s32 v0, $0x8  }
0x124: {  	v1 =	vmul.u32 $0xC8, v33  }
0x125: {  	v0 =	vand.u32 $0xFF, v0  }
0x126: {  	v0 =	vadd.s32 v0, v1  }
0x127: {  	s12 =	simm.s32 $0x6;
	s7 =	simm.s32 $0x6580;
	[tilespmem:$0x65B0] =	vst v0  }
0x128: {  	[tilespmem:s11], [sflag:$0x4] =	stream.indirect.gather [hbm4b:s3+s17], $0x80, s7, s17, $0xb8;
	[tilespmem:$0x1A900] =	vst v63  }
0x129: {  	_ =	swait.ge [sflag:s12], $0x2000  }
0x12a: {  	s15 =	simm.s32 $0x10900;
	[sflag:s12] =	ssyncset.done $0x0  }
0x12b: {  	s20 =	simm.s32 $0xF;
	s30 =	sadd.s32 $0x1400, s28;
	[sflag:s12] =	ssyncadd.s32 $0xFFFFE000  }
0x12c: {  	[hbm4b:s30+s2] =	stream.linear.scatter [tilespmem:s15], [sflag:$0x10], $0x2000, $0x38;
	[tilespmem:$0x1A900] =	vst v63  }
0x12d: {  	_ =	swait.ge [sflag:s20], $0x2000  }
0x12e: {  	[sflag:s20] =	ssyncset.done $0x0  }
0x12f: {  	[sflag:s20] =	ssyncadd.s32 $0xFFFFE000  }
0x130: {  	v34 =	vld [tilespmem:s23+$0xFFFFFE90];
	_ =	sdelay $0x4  }
0x131: {  	v35 =	vshra.s32 v34, $0x8  }
0x132: {  	v1 =	vmul.u32 $0xC8, v35  }
0x133: {  	v0 =	vand.u32 $0xFF, v34  }
0x134: {  	v0 =	vadd.s32 v0, v1  }
0x135: {  	[tilespmem:$0x6600] =	vst v0  }
0x136: {  	v0 =	vld [tilespmem:s23+$0xFFFFFEA0];
	_ =	sdelay $0x4  }
0x137: {  	v36 =	vshra.s32 v0, $0x8  }
0x138: {  	v1 =	vmul.u32 $0xC8, v36  }
0x139: {  	v0 =	vand.u32 $0xFF, v0  }
0x13a: {  	v0 =	vadd.s32 v0, v1  }
0x13b: {  	[tilespmem:$0x6610] =	vst v0  }
0x13c: {  	v0 =	vld [tilespmem:s23+$0xFFFFFEB0];
	_ =	sdelay $0x4  }
0x13d: {  	v37 =	vshra.s32 v0, $0x8  }
0x13e: {  	v1 =	vmul.u32 $0xC8, v37  }
0x13f: {  	v0 =	vand.u32 $0xFF, v0  }
0x140: {  	v0 =	vadd.s32 v0, v1  }
0x141: {  	[tilespmem:$0x6620] =	vst v0  }
0x142: {  	v0 =	vld [tilespmem:s23+$0xFFFFFEC0];
	_ =	sdelay $0x4  }
0x143: {  	v38 =	vshra.s32 v0, $0x8  }
0x144: {  	v1 =	vmul.u32 $0xC8, v38  }
0x145: {  	v0 =	vand.u32 $0xFF, v0  }
0x146: {  	v0 =	vadd.s32 v0, v1  }
0x147: {  	s14 =	simm.s32 $0x7;
	s11 =	simm.s32 $0x6600;
	[tilespmem:$0x6630] =	vst v0  }
0x148: {  	[tilespmem:s13], [sflag:$0x5] =	stream.indirect.gather [hbm4b:s3+s17], $0x80, s11, s17, $0xb8;
	[tilespmem:$0x1A900] =	vst v63  }
0x149: {  	_ =	swait.ge [sflag:s14], $0x2000  }
0x14a: {  	s18 =	simm.s32 $0x12900;
	[sflag:s14] =	ssyncset.done $0x0  }
0x14b: {  	s22 =	simm.s32 $0x10;
	s30 =	sadd.s32 $0x1800, s28;
	[sflag:s14] =	ssyncadd.s32 $0xFFFFE000  }
0x14c: {  	[hbm4b:s30+s2] =	stream.linear.scatter [tilespmem:s18], [sflag:$0x11], $0x2000, $0x38;
	[tilespmem:$0x1A900] =	vst v63  }
0x14d: {  	_ =	swait.ge [sflag:s22], $0x2000  }
0x14e: {  	[sflag:s22] =	ssyncset.done $0x0  }
0x14f: {  	[sflag:s22] =	ssyncadd.s32 $0xFFFFE000  }
0x150: {  	v39 =	vld [tilespmem:s23+$0xFFFFFED0];
	_ =	sdelay $0x4  }
0x151: {  	v40 =	vshra.s32 v39, $0x8  }
0x152: {  	v1 =	vmul.u32 $0xC8, v40  }
0x153: {  	v0 =	vand.u32 $0xFF, v39  }
0x154: {  	v0 =	vadd.s32 v0, v1  }
0x155: {  	[tilespmem:$0x6680] =	vst v0  }
0x156: {  	v0 =	vld [tilespmem:s23+$0xFFFFFEE0];
	_ =	sdelay $0x4  }
0x157: {  	v41 =	vshra.s32 v0, $0x8  }
0x158: {  	v1 =	vmul.u32 $0xC8, v41  }
0x159: {  	v0 =	vand.u32 $0xFF, v0  }
0x15a: {  	v0 =	vadd.s32 v0, v1  }
0x15b: {  	[tilespmem:$0x6690] =	vst v0  }
0x15c: {  	v0 =	vld [tilespmem:s23+$0xFFFFFEF0];
	_ =	sdelay $0x4  }
0x15d: {  	v42 =	vshra.s32 v0, $0x8  }
0x15e: {  	v1 =	vmul.u32 $0xC8, v42  }
0x15f: {  	v0 =	vand.u32 $0xFF, v0  }
0x160: {  	v0 =	vadd.s32 v0, v1  }
0x161: {  	[tilespmem:$0x66A0] =	vst v0  }
0x162: {  	v0 =	vld [tilespmem:s23+$0xFFFFFF00];
	_ =	sdelay $0x4  }
0x163: {  	v43 =	vshra.s32 v0, $0x8  }
0x164: {  	v1 =	vmul.u32 $0xC8, v43  }
0x165: {  	v0 =	vand.u32 $0xFF, v0  }
0x166: {  	v0 =	vadd.s32 v0, v1  }
0x167: {  	s16 =	simm.s32 $0x8;
	s13 =	simm.s32 $0x6680;
	[tilespmem:$0x66B0] =	vst v0  }
0x168: {  	[tilespmem:s15], [sflag:$0x6] =	stream.indirect.gather [hbm4b:s3+s17], $0x80, s13, s17, $0xb8;
	[tilespmem:$0x1A900] =	vst v63  }
0x169: {  	_ =	swait.ge [sflag:s16], $0x2000  }
0x16a: {  	s24 =	simm.s32 $0x11;
	[sflag:s16] =	ssyncset.done $0x0  }
0x16b: {  	s30 =	sadd.s32 $0x1C00, s28;
	s22 =	simm.s32 $0x14900;
	[sflag:s16] =	ssyncadd.s32 $0xFFFFE000  }
0x16c: {  	[hbm4b:s30+s2] =	stream.linear.scatter [tilespmem:s22], [sflag:$0x12], $0x2000, $0x38;
	[tilespmem:$0x1A900] =	vst v63  }
0x16d: {  	_ =	swait.ge [sflag:s24], $0x2000  }
0x16e: {  	[sflag:s24] =	ssyncset.done $0x0  }
0x16f: {  	[sflag:s24] =	ssyncadd.s32 $0xFFFFE000  }
0x170: {  	v44 =	vld [tilespmem:s23+$0xFFFFFF10];
	_ =	sdelay $0x4  }
0x171: {  	v45 =	vshra.s32 v44, $0x8  }
0x172: {  	v1 =	vmul.u32 $0xC8, v45  }
0x173: {  	v0 =	vand.u32 $0xFF, v44  }
0x174: {  	v0 =	vadd.s32 v0, v1  }
0x175: {  	[tilespmem:$0x6700] =	vst v0  }
0x176: {  	v0 =	vld [tilespmem:s23+$0xFFFFFF20];
	_ =	sdelay $0x4  }
0x177: {  	v46 =	vshra.s32 v0, $0x8  }
0x178: {  	v1 =	vmul.u32 $0xC8, v46  }
0x179: {  	v0 =	vand.u32 $0xFF, v0  }
0x17a: {  	v0 =	vadd.s32 v0, v1  }
0x17b: {  	[tilespmem:$0x6710] =	vst v0  }
0x17c: {  	v0 =	vld [tilespmem:s23+$0xFFFFFF30];
	_ =	sdelay $0x4  }
0x17d: {  	v47 =	vshra.s32 v0, $0x8  }
0x17e: {  	v1 =	vmul.u32 $0xC8, v47  }
0x17f: {  	v0 =	vand.u32 $0xFF, v0  }
0x180: {  	v0 =	vadd.s32 v0, v1  }
0x181: {  	[tilespmem:$0x6720] =	vst v0  }
0x182: {  	v0 =	vld [tilespmem:s23+$0xFFFFFF40];
	_ =	sdelay $0x4  }
0x183: {  	v48 =	vshra.s32 v0, $0x8  }
0x184: {  	v1 =	vmul.u32 $0xC8, v48  }
0x185: {  	v0 =	vand.u32 $0xFF, v0  }
0x186: {  	v0 =	vadd.s32 v0, v1  }
0x187: {  	s20 =	simm.s32 $0x9;
	s15 =	simm.s32 $0x6700;
	[tilespmem:$0x6730] =	vst v0  }
0x188: {  	[tilespmem:s18], [sflag:$0x7] =	stream.indirect.gather [hbm4b:s3+s17], $0x80, s15, s17, $0xb8;
	[tilespmem:$0x1A900] =	vst v63  }
0x189: {  	_ =	swait.ge [sflag:s20], $0x2000  }
0x18a: {  	s26 =	simm.s32 $0x12;
	[sflag:s20] =	ssyncset.done $0x0  }
0x18b: {  	s30 =	sadd.s32 $0x2000, s28;
	s24 =	simm.s32 $0x16900;
	[sflag:s20] =	ssyncadd.s32 $0xFFFFE000  }
0x18c: {  	[hbm4b:s30+s2] =	stream.linear.scatter [tilespmem:s24], [sflag:$0x13], $0x2000, $0x38;
	[tilespmem:$0x1A900] =	vst v63  }
0x18d: {  	_ =	swait.ge [sflag:s26], $0x2000  }
0x18e: {  	[sflag:s26] =	ssyncset.done $0x0  }
0x18f: {  	[sflag:s26] =	ssyncadd.s32 $0xFFFFE000  }
0x190: {  	v49 =	vld [tilespmem:s23+$0xFFFFFF50];
	_ =	sdelay $0x4  }
0x191: {  	v50 =	vshra.s32 v49, $0x8  }
0x192: {  	v1 =	vmul.u32 $0xC8, v50  }
0x193: {  	v0 =	vand.u32 $0xFF, v49  }
0x194: {  	v0 =	vadd.s32 v0, v1  }
0x195: {  	[tilespmem:$0x6780] =	vst v0  }
0x196: {  	v0 =	vld [tilespmem:s23+$0xFFFFFF60];
	_ =	sdelay $0x4  }
0x197: {  	v51 =	vshra.s32 v0, $0x8  }
0x198: {  	v1 =	vmul.u32 $0xC8, v51  }
0x199: {  	v0 =	vand.u32 $0xFF, v0  }
0x19a: {  	v0 =	vadd.s32 v0, v1  }
0x19b: {  	[tilespmem:$0x6790] =	vst v0  }
0x19c: {  	v0 =	vld [tilespmem:s23+$0xFFFFFF70];
	_ =	sdelay $0x4  }
0x19d: {  	v52 =	vshra.s32 v0, $0x8  }
0x19e: {  	v1 =	vmul.u32 $0xC8, v52  }
0x19f: {  	v0 =	vand.u32 $0xFF, v0  }
0x1a0: {  	v0 =	vadd.s32 v0, v1  }
0x1a1: {  	[tilespmem:$0x67A0] =	vst v0  }
0x1a2: {  	v0 =	vld [tilespmem:s23+$0xFFFFFF80];
	_ =	sdelay $0x4  }
0x1a3: {  	v53 =	vshra.s32 v0, $0x8  }
0x1a4: {  	v1 =	vmul.u32 $0xC8, v53  }
0x1a5: {  	v0 =	vand.u32 $0xFF, v0  }
0x1a6: {  	v0 =	vadd.s32 v0, v1  }
0x1a7: {  	s18 =	simm.s32 $0x6780;
	s26 =	simm.s32 $0xA;
	[tilespmem:$0x67B0] =	vst v0  }
0x1a8: {  	[tilespmem:s22], [sflag:$0x8] =	stream.indirect.gather [hbm4b:s3+s17], $0x80, s18, s17, $0xb8;
	[tilespmem:$0x1A900] =	vst v63  }
0x1a9: {  	_ =	swait.ge [sflag:s26], $0x2000  }
0x1aa: {  	[sflag:s26] =	ssyncset.done $0x0  }
0x1ab: {  	s30 =	sadd.s32 $0x2400, s28;
	[sflag:s26] =	ssyncadd.s32 $0xFFFFE000;
	s26 =	simm.s32 $0x18900  }
0x1ac: {  	[hbm4b:s30+s2] =	stream.linear.scatter [tilespmem:s26], [sflag:$0x14], $0x2000, $0x38;
	[tilespmem:$0x1A900] =	vst v63  }
0x1ad: {  	s30 =	simm.s32 $0x13  }
0x1ae: {  	_ =	swait.ge [sflag:s30], $0x2000  }
0x1af: {  	[sflag:s30] =	ssyncset.done $0x0  }
0x1b0: {  	[sflag:s30] =	ssyncadd.s32 $0xFFFFE000  }
0x1b1: {  	v54 =	vld [tilespmem:s23+$0xFFFFFF90];
	_ =	sdelay $0x4  }
0x1b2: {  	v55 =	vshra.s32 v54, $0x8  }
0x1b3: {  	v1 =	vmul.u32 $0xC8, v55  }
0x1b4: {  	v0 =	vand.u32 $0xFF, v54  }
0x1b5: {  	v0 =	vadd.s32 v0, v1  }
0x1b6: {  	[tilespmem:$0x6800] =	vst v0  }
0x1b7: {  	v0 =	vld [tilespmem:s23+$0xFFFFFFA0];
	_ =	sdelay $0x4  }
0x1b8: {  	v56 =	vshra.s32 v0, $0x8  }
0x1b9: {  	v1 =	vmul.u32 $0xC8, v56  }
0x1ba: {  	v0 =	vand.u32 $0xFF, v0  }
0x1bb: {  	v0 =	vadd.s32 v0, v1  }
0x1bc: {  	[tilespmem:$0x6810] =	vst v0  }
0x1bd: {  	v0 =	vld [tilespmem:s23+$0xFFFFFFB0];
	_ =	sdelay $0x4  }
0x1be: {  	v57 =	vshra.s32 v0, $0x8  }
0x1bf: {  	v1 =	vmul.u32 $0xC8, v57  }
0x1c0: {  	v0 =	vand.u32 $0xFF, v0  }
0x1c1: {  	v0 =	vadd.s32 v0, v1  }
0x1c2: {  	[tilespmem:$0x6820] =	vst v0  }
0x1c3: {  	v0 =	vld [tilespmem:s23+$0xFFFFFFC0];
	_ =	sdelay $0x4  }
0x1c4: {  	v58 =	vshra.s32 v0, $0x8  }
0x1c5: {  	v1 =	vmul.u32 $0xC8, v58  }
0x1c6: {  	v0 =	vand.u32 $0xFF, v0  }
0x1c7: {  	v0 =	vadd.s32 v0, v1  }
0x1c8: {  	s22 =	simm.s32 $0x6800;
	[tilespmem:$0x6830] =	vst v0  }
0x1c9: {  	[tilespmem:s24], [sflag:$0x9] =	stream.indirect.gather [hbm4b:s3+s17], $0x80, s22, s17, $0xb8;
	[tilespmem:$0x1A900] =	vst v63  }
0x1ca: {  	s24 =	simm.s32 $0x1  }
0x1cb: {  	_ =	swait.ge [sflag:s24], $0x2000  }
0x1cc: {  	[sflag:s24] =	ssyncset.done $0x0  }
0x1cd: {  	s28 =	sadd.s32 $0x2800, s28;
	[sflag:s24] =	ssyncadd.s32 $0xFFFFE000  }
0x1ce: {  	[hbm4b:s28+s2] =	stream.linear.scatter [tilespmem:s1], [sflag:$0xB], $0x2000, $0x38;
	[tilespmem:$0x1A900] =	vst v63  }
0x1cf: {  	s1 =	simm.s32 $0x14  }
0x1d0: {  	_ =	swait.ge [sflag:s1], $0x2000  }
0x1d1: {  	[sflag:s1] =	ssyncset.done $0x0  }
0x1d2: {  	[sflag:s1] =	ssyncadd.s32 $0xFFFFE000  }
0x1d3: {  	v59 =	vld [tilespmem:s23+$0xFFFFFFD0];
	_ =	sdelay $0x4  }
0x1d4: {  	v60 =	vshra.s32 v59, $0x8  }
0x1d5: {  	v1 =	vmul.u32 $0xC8, v60  }
0x1d6: {  	v0 =	vand.u32 $0xFF, v59  }
0x1d7: {  	v0 =	vadd.s32 v0, v1  }
0x1d8: {  	[tilespmem:$0x6880] =	vst v0  }
0x1d9: {  	v0 =	vld [tilespmem:s23+$0xFFFFFFE0];
	_ =	sdelay $0x4  }
0x1da: {  	v61 =	vshra.s32 v0, $0x8  }
0x1db: {  	v1 =	vmul.u32 $0xC8, v61  }
0x1dc: {  	v0 =	vand.u32 $0xFF, v0  }
0x1dd: {  	v0 =	vadd.s32 v0, v1  }
0x1de: {  	[tilespmem:$0x6890] =	vst v0  }
0x1df: {  	v0 =	vld [tilespmem:s23+$0xFFFFFFF0];
	_ =	sdelay $0x4  }
0x1e0: {  	v62 =	vshra.s32 v0, $0x8  }
0x1e1: {  	v1 =	vmul.u32 $0xC8, v62  }
0x1e2: {  	v0 =	vand.u32 $0xFF, v0  }
0x1e3: {  	v0 =	vadd.s32 v0, v1  }
0x1e4: {  	[tilespmem:$0x68A0] =	vst v0  }
0x1e5: {  	v0 =	vld [tilespmem:s23+$0x0];
	_ =	sdelay $0x4  }
0x1e6: {  	v63 =	vshra.s32 v0, $0x8  }
0x1e7: {  	p0 =	sne.s32 s25, $0x5F000;
	s25 =	sadd.s32 $0x2800, s25;
	s4 =	simm.s32 $0x8900;
	v1 =	vmul.u32 $0xC8, v63  }
.Ltmp0:
0x1e8: {  	s9 =	simm.s32 $0xA900;
	s10 =	simm.s32 $0xC900;
	v0 =	vand.u32 $0xFF, v0;
	(pc) =	sbr.rel @p0 .LBB2_2-.Ltmp0, $4  }
0x1e9: {  	s12 =	simm.s32 $0xE900;
	s14 =	simm.s32 $0x10900;
	s16 =	simm.s32 $0x12900;
	v0 =	vadd.s32 v0, v1  }
0x1ea: {  	s20 =	simm.s32 $0x14900;
	s30 =	simm.s32 $0x16900;
	s28 =	simm.s32 $0x6900;
	[tilespmem:$0x68B0] =	vst v0  }
0x1eb: {  	[tilespmem:s26], [sflag:$0xA] =	stream.indirect.gather [hbm4b:s3+s17], $0x80, s21, s17, $0xb8;
	[tilespmem:$0x1A900] =	vst v63  }
0x1ec: {  	s1 =	simm.s32 $0x18900;
	s23 =	sadd.s32 $0x280, s23;
	s26 =	simm.s32 $0x2  }
0x1ed: {  	_ =	swait.ge [sflag:s26], $0x2000  }
0x1ee: {  	[sflag:s26] =	ssyncset.done $0x0  }
0x1ef: {  	s23 =	rddreg [dreg:$0x6];
	[sflag:s26] =	ssyncadd.s32 $0xFFFFE000  }
0x1f0: {  	[hbm4b:s23+s2] =	stream.linear.scatter [tilespmem:s4], [sflag:$0xC], $0x2000, $0x38;
	[tilespmem:$0x1A900] =	vst v63  }
0x1f1: {  	_ =	swait.ge [sflag:s29], $0x2000  }
0x1f2: {  	[sflag:s29] =	ssyncset.done $0x0  }
0x1f3: {  	[sflag:s29] =	ssyncadd.s32 $0xFFFFE000  }
0x1f4: {  	_ =	swait.ge [sflag:s31], $0x2000  }
0x1f5: {  	[sflag:s31] =	ssyncset.done $0x0  }
0x1f6: {  	s25 =	rddreg [dreg:$0x7];
	[sflag:s31] =	ssyncadd.s32 $0xFFFFE000  }
0x1f7: {  	[hbm4b:s25+s2] =	stream.linear.scatter [tilespmem:s9], [sflag:$0xD], $0x2000, $0x38;
	[tilespmem:$0x1A900] =	vst v63  }
0x1f8: {  	_ =	swait.ge [sflag:s0], $0x2000  }
0x1f9: {  	[sflag:s0] =	ssyncset.done $0x0  }
0x1fa: {  	[sflag:s0] =	ssyncadd.s32 $0xFFFFE000  }
0x1fb: {  	_ =	swait.ge [sflag:s5], $0x2000  }
0x1fc: {  	[sflag:s5] =	ssyncset.done $0x0  }
0x1fd: {  	s0 =	rddreg [dreg:$0x8];
	[sflag:s5] =	ssyncadd.s32 $0xFFFFE000  }
0x1fe: {  	[hbm4b:s0+s2] =	stream.linear.scatter [tilespmem:s10], [sflag:$0xE], $0x2000, $0x38;
	[tilespmem:$0x1A900] =	vst v63  }
0x1ff: {  	_ =	swait.ge [sflag:s8], $0x2000  }
0x200: {  	[sflag:s8] =	ssyncset.done $0x0  }
0x201: {  	[sflag:s8] =	ssyncadd.s32 $0xFFFFE000  }
0x202: {  	_ =	swait.ge [sflag:s19], $0x2000  }
0x203: {  	[sflag:s19] =	ssyncset.done $0x0  }
0x204: {  	s23 =	simm.s32 $0xE;
	s5 =	rddreg [dreg:$0x9];
	[sflag:s19] =	ssyncadd.s32 $0xFFFFE000  }
0x205: {  	[hbm4b:s5+s2] =	stream.linear.scatter [tilespmem:s12], [sflag:$0xF], $0x2000, $0x38;
	[tilespmem:$0x1A900] =	vst v63  }
0x206: {  	_ =	swait.ge [sflag:s23], $0x2000  }
0x207: {  	[sflag:s23] =	ssyncset.done $0x0  }
0x208: {  	s25 =	simm.s32 $0x6;
	[sflag:s23] =	ssyncadd.s32 $0xFFFFE000  }
0x209: {  	_ =	swait.ge [sflag:s25], $0x2000  }
0x20a: {  	[sflag:s25] =	ssyncset.done $0x0  }
0x20b: {  	s23 =	simm.s32 $0xF;
	s5 =	rddreg [dreg:$0xa];
	[sflag:s25] =	ssyncadd.s32 $0xFFFFE000  }
0x20c: {  	[hbm4b:s5+s2] =	stream.linear.scatter [tilespmem:s14], [sflag:$0x10], $0x2000, $0x38;
	[tilespmem:$0x1A900] =	vst v63  }
0x20d: {  	_ =	swait.ge [sflag:s23], $0x2000  }
0x20e: {  	[sflag:s23] =	ssyncset.done $0x0  }
0x20f: {  	s25 =	simm.s32 $0x7;
	[sflag:s23] =	ssyncadd.s32 $0xFFFFE000  }
0x210: {  	_ =	swait.ge [sflag:s25], $0x2000  }
0x211: {  	[sflag:s25] =	ssyncset.done $0x0  }
0x212: {  	s23 =	simm.s32 $0x10;
	s5 =	rddreg [dreg:$0xb];
	[sflag:s25] =	ssyncadd.s32 $0xFFFFE000  }
0x213: {  	[hbm4b:s5+s2] =	stream.linear.scatter [tilespmem:s16], [sflag:$0x11], $0x2000, $0x38;
	[tilespmem:$0x1A900] =	vst v63  }
0x214: {  	_ =	swait.ge [sflag:s23], $0x2000  }
0x215: {  	[sflag:s23] =	ssyncset.done $0x0  }
0x216: {  	s25 =	simm.s32 $0x8;
	[sflag:s23] =	ssyncadd.s32 $0xFFFFE000  }
0x217: {  	_ =	swait.ge [sflag:s25], $0x2000  }
0x218: {  	[sflag:s25] =	ssyncset.done $0x0  }
0x219: {  	s23 =	simm.s32 $0x11;
	s5 =	rddreg [dreg:$0xc];
	[sflag:s25] =	ssyncadd.s32 $0xFFFFE000  }
0x21a: {  	[hbm4b:s5+s2] =	stream.linear.scatter [tilespmem:s20], [sflag:$0x12], $0x2000, $0x38;
	[tilespmem:$0x1A900] =	vst v63  }
0x21b: {  	_ =	swait.ge [sflag:s23], $0x2000  }
0x21c: {  	[sflag:s23] =	ssyncset.done $0x0  }
0x21d: {  	s25 =	simm.s32 $0x9;
	[sflag:s23] =	ssyncadd.s32 $0xFFFFE000  }
0x21e: {  	_ =	swait.ge [sflag:s25], $0x2000  }
0x21f: {  	[sflag:s25] =	ssyncset.done $0x0  }
0x220: {  	s23 =	simm.s32 $0x12;
	s5 =	rddreg [dreg:$0xd];
	[sflag:s25] =	ssyncadd.s32 $0xFFFFE000  }
0x221: {  	[hbm4b:s5+s2] =	stream.linear.scatter [tilespmem:s30], [sflag:$0x13], $0x2000, $0x38;
	[tilespmem:$0x1A900] =	vst v63  }
0x222: {  	_ =	swait.ge [sflag:s23], $0x2000  }
0x223: {  	[sflag:s23] =	ssyncset.done $0x0  }
0x224: {  	s25 =	simm.s32 $0xA;
	[sflag:s23] =	ssyncadd.s32 $0xFFFFE000  }
0x225: {  	_ =	swait.ge [sflag:s25], $0x2000  }
0x226: {  	[sflag:s25] =	ssyncset.done $0x0  }
0x227: {  	s5 =	simm.s32 $0x13;
	s0 =	rddreg [dreg:$0xe];
	[sflag:s25] =	ssyncadd.s32 $0xFFFFE000  }
0x228: {  	[hbm4b:s0+s2] =	stream.linear.scatter [tilespmem:s1], [sflag:$0x14], $0x2000, $0x38;
	[tilespmem:$0x1A900] =	vst v63  }
0x229: {  	_ =	swait.ge [sflag:s5], $0x2000  }
0x22a: {  	[sflag:s5] =	ssyncset.done $0x0  }
0x22b: {  	[sflag:s5] =	ssyncadd.s32 $0xFFFFE000;
	s5 =	simm.s32 $0x14  }
0x22c: {  	_ =	swait.ge [sflag:s5], $0x2000  }
0x22d: {  	s23 =	rddreg [dreg:$0x10]  }
0x22e: {  	s25 =	rddreg [dreg:$0xf];
	s0 =	sadd.s32 $0x1, s23  }
0x22f: {  	p0 =	sne.s32 s0, s25  }
.Ltmp1:
0x230: {  	_ = 	snop;
	(pc) =	sbr.rel @p0 .LBB2_1-.Ltmp1, $3  }
0x231: {  	_ =	sdelay $0x1  }
0x232: {  	[sflag:s5] =	ssyncset.done $0x0  }
0x233: {  	[sflag:s5] =	ssyncadd.s32 $0xFFFFE000;
	s5 =	simm.s32 $0x6480;
	s25 =	simm.s32 $0x6400  }
0x234: {  	_ =	sfence.sel $0x180000  }
0x235: {  	[bflag:$0x0] =	sbarrier.arrive $0xFFFF  }
0x236: {  	_ =	strace $0x90000047  }
0x237: {  	s0 =	stileid.u32;
	[bflag:$0x2] =	sbarrier.arrive $0xFFFF  }
0x238: {  	p0 =	sne.s32 s0, $0x0;
	s0 =	rddreg [dreg:$0x2]  }
0x239: {  	s0 =	sadd.s32 @!p0 $0x100000, s0  }
0x23a: {  	[sflag:s0] =	ssyncadd.tile.s32 @!p0 $0x1;
	_ =	shalt  }
.Lfunc_end2:
_tile_overlayer_lowered:
.L_overlay_start_2:
0x23b: {  	(tag) =	ssettag $0x2  }
0x23c: {  	s0 =	rddreg [dreg:$0x0];
	s2 =	stileid.u32  }
0x23d: {  	s1 =	rddreg [dreg:$0x1];
	p0 =	sne.s32 s2, $0x0  }
0x23e: {  	s3 =	rddreg [dreg:$0x2];
	[bflag:$0x3] =	sbarrier.arrive $0xFFFF;
	s2 =	simm.s32 @!p0 $0x1C15  }
0x23f: {  	[timem:s3], [sflag:s2] =	dma.local @!p0 [hbm:s0], s1  }
0x240: {  	s0 =	simm.s32 @!p0 $0x15  }
0x241: {  	_ =	swait.ge @!p0 [sflag:s0], s1  }
0x242: {  	s1 =	ssub.s32 @!p0 $0x0, s1;
	[sflag:s0] =	ssyncset.done @!p0 $0x0  }
0x243: {  	[sflag:s0] =	ssyncadd.s32 @!p0 s1  }
0x244: {  	[bflag:$0x3] =	sbarrier.arrive $0xFFFF  }
0x245: {  	_ =	shalt  }

</sc_bundles>
